<compile_context>
chip_gen: v7x
topology: tpu7x:2x2x1
jax: 0.10.2.dev20260603
libtpu: 0.0.44.dev20260713+nightly
codegen_flags: <defaults>
</compile_context>

<pallas_src>
import functools

import jax
import jax.numpy as jnp
from jax import lax
from jax.experimental import pallas as pl
from jax.experimental.pallas import tpu as pltpu
from jax.experimental.pallas import tpu_sc as plsc

N_NODES = 10000
N_PAD = 10240
N_EDGES = 320000
D = 128
B = 64
NS = 16
NC = 2
EPW = N_EDGES // NS
P0_CH = 4000
P_CH = 8000
VOCAB32 = 32
SEG_W = 65


def _seg_body(bnds_ref, out_ref):
    ids = (lax.broadcasted_iota(jnp.int32, (N_PAD // 128, 128), 0) * 128
           + lax.broadcasted_iota(jnp.int32, (N_PAD // 128, 128), 1))
    seg = jnp.zeros((N_PAD // 128, 128), jnp.int32)
    for p in range(B):
        seg += (ids >= bnds_ref[0, p]).astype(jnp.int32)
    out_ref[...] = seg


def _compute_seg(bnds):
    return pl.pallas_call(
        _seg_body,
        out_shape=jax.ShapeDtypeStruct((N_PAD // 128, 128), jnp.int32),
        in_specs=[pl.BlockSpec(memory_space=pltpu.SMEM)],
    )(bnds.reshape(1, B)).reshape(N_PAD)


def _sc_body(src_hbm, dst_hbm, x_hbm, seg_hbm,
             s1_out, c2_out, hx_out, kb1, kb2,
             x_v, seg_v, cnt_col, s1_col, c2_col, hx_col,
             s1_x, c2_x, hx_x,
             eb_s, eb_d, k1_b, k2_b, kb_a, kb_b, sem_a, sem_b):
    c = lax.axis_index("c")
    s = lax.axis_index("s")
    wid = c * NS + s
    pltpu.sync_copy(x_hbm, x_v)
    pltpu.sync_copy(seg_hbm, seg_v)

    zf = jnp.zeros((16,), jnp.float32)

    @plsc.parallel_loop(0, N_PAD // 16, unroll=8)
    def _zero(i):
        cnt_col[pl.ds(i * 16, 16)] = zf
    for col in (s1_col, c2_col, hx_col):
        for i in range(8):
            col[pl.ds(i * 16, 16)] = zf

    e0 = s * EPW
    for ch in range(EPW // P0_CH):
        base = e0 + ch * P0_CH
        pltpu.sync_copy(src_hbm.at[pl.ds(base, P0_CH)], eb_s)
        pltpu.sync_copy(dst_hbm.at[pl.ds(base, P0_CH)], eb_d)

        @plsc.parallel_loop(0, P0_CH // 16, unroll=5)
        def _p0(j):
            sv = eb_s[pl.ds(j * 16, 16)]
            dv = eb_d[pl.ds(j * 16, 16)]
            xv = plsc.load_gather(x_v, [sv])
            sg = plsc.load_gather(seg_v, [dv])
            k1_b[pl.ds(j * 16, 16)] = dv * VOCAB32 + xv
            k2_b[pl.ds(j * 16, 16)] = sv * 128 + sg
        pltpu.sync_copy(k1_b, kb1.at[pl.ds(base, P0_CH)])
        pltpu.sync_copy(k2_b, kb2.at[pl.ds(base, P0_CH)])
    plsc.subcore_barrier()

    onesf = jnp.ones((16,), jnp.float32)
    n_ch = N_EDGES // P_CH

    def _stream(kb_ref, process):
        pltpu.async_copy(kb_ref.at[pl.ds(0, P_CH)], kb_a, sem_a)

        def _pair(g, _):
            ch0 = g * 2
            pltpu.make_async_copy(kb_ref.at[pl.ds(0, P_CH)], kb_a, sem_a).wait()
            base1 = pl.multiple_of((ch0 + 1) * P_CH, 8)
            pltpu.async_copy(kb_ref.at[pl.ds(base1, P_CH)], kb_b, sem_b)
            process(kb_a)
            pltpu.make_async_copy(kb_ref.at[pl.ds(0, P_CH)], kb_b, sem_b).wait()
            nxt = jnp.minimum(ch0 + 2, n_ch - 1)
            base2 = pl.multiple_of(nxt * P_CH, 8)
            pltpu.async_copy(kb_ref.at[pl.ds(base2, P_CH)], kb_a, sem_a)
            process(kb_b)
            return 0
        lax.fori_loop(0, n_ch // 2, _pair, 0)
        pltpu.make_async_copy(kb_ref.at[pl.ds(0, P_CH)], kb_a, sem_a).wait()

    @pl.when(wid < 26)
    def _():
        v = wid
        lane_sw = lax.iota(jnp.int32, 16) * SEG_W

        @plsc.parallel_loop(0, 16 * SEG_W // 16, unroll=8)
        def _zero_x(i):
            s1_x[pl.ds(i * 16, 16)] = zf
            c2_x[pl.ds(i * 16, 16)] = zf
            hx_x[pl.ds(i * 16, 16)] = zf

        def _p1(buf):
            @plsc.parallel_loop(0, P_CH // 16, unroll=16)
            def _b(j):
                k = buf[pl.ds(j * 16, 16)]
                dv = lax.shift_right_logical(k, 5)
                xv = k & (VOCAB32 - 1)
                plsc.addupdate_scatter(cnt_col, [dv], onesf, mask=xv == v)
        _stream(kb1, _p1)

        @plsc.parallel_loop(0, N_NODES // 16, unroll=5)
        def _nodes(i):
            cv = cnt_col[pl.ds(i * 16, 16)]
            sg = seg_v[pl.ds(i * 16, 16)]
            xb = x_v[pl.ds(i * 16, 16)]
            idx = lane_sw + sg
            plsc.addupdate_scatter(c2_x, [idx], cv)
            plsc.addupdate_scatter(hx_x, [idx], onesf, mask=xb == v)

        def _p2(buf):
            @plsc.parallel_loop(0, P_CH // 16, unroll=16)
            def _b(j):
                k = buf[pl.ds(j * 16, 16)]
                sv = lax.shift_right_logical(k, 7)
                sg = k & 127
                cval = plsc.load_gather(cnt_col, [sv])
                plsc.addupdate_scatter(s1_x, [lane_sw + sg], cval)
        _stream(kb2, _p2)

        for j in range(SEG_W // 16):
            a_s1 = zf
            a_c2 = zf
            a_hx = zf
            for l in range(16):
                off = l * SEG_W + j * 16
                a_s1 = a_s1 + s1_x[pl.ds(off, 16)]
                a_c2 = a_c2 + c2_x[pl.ds(off, 16)]
                a_hx = a_hx + hx_x[pl.ds(off, 16)]
            s1_col[pl.ds(j * 16, 16)] = a_s1
            c2_col[pl.ds(j * 16, 16)] = a_c2
            hx_col[pl.ds(j * 16, 16)] = a_hx

    pltpu.sync_copy(s1_col, s1_out.at[wid, 0])
    pltpu.sync_copy(c2_col, c2_out.at[wid, 0])
    pltpu.sync_copy(hx_col, hx_out.at[wid, 0])


def _sc_counts(src, dst, xp, seg):
    mesh = plsc.VectorSubcoreMesh(core_axis_name="c", subcore_axis_name="s",
                                  num_cores=NC, num_subcores=NS)
    f = pl.kernel(
        _sc_body,
        out_type=[
            jax.ShapeDtypeStruct((32, 1, 128), jnp.float32),
            jax.ShapeDtypeStruct((32, 1, 128), jnp.float32),
            jax.ShapeDtypeStruct((32, 1, 128), jnp.float32),
            jax.ShapeDtypeStruct((N_EDGES,), jnp.int32),
            jax.ShapeDtypeStruct((N_EDGES,), jnp.int32),
        ],
        mesh=mesh,
        compiler_params=pltpu.CompilerParams(needs_layout_passes=False),
        scratch_types=[
            pltpu.VMEM((N_PAD,), jnp.int32),
            pltpu.VMEM((N_PAD,), jnp.int32),
            pltpu.VMEM((N_PAD,), jnp.float32),
            pltpu.VMEM((128,), jnp.float32),
            pltpu.VMEM((128,), jnp.float32),
            pltpu.VMEM((128,), jnp.float32),
            pltpu.VMEM((16 * SEG_W,), jnp.float32),
            pltpu.VMEM((16 * SEG_W,), jnp.float32),
            pltpu.VMEM((16 * SEG_W,), jnp.float32),
            pltpu.VMEM((P0_CH,), jnp.int32),
            pltpu.VMEM((P0_CH,), jnp.int32),
            pltpu.VMEM((P0_CH,), jnp.int32),
            pltpu.VMEM((P0_CH,), jnp.int32),
            pltpu.VMEM((P_CH,), jnp.int32),
            pltpu.VMEM((P_CH,), jnp.int32),
            pltpu.SemaphoreType.DMA,
            pltpu.SemaphoreType.DMA,
        ],
    )
    return f(src, dst, xp, seg)


def _dot_nn(a, b):
    return lax.dot_general(a, b, (((1,), (0,)), ((), ())),
                           preferred_element_type=jnp.float32,
                           precision=lax.Precision.HIGHEST)


def _dot_nt(a, b):
    return lax.dot_general(a, b, (((1,), (1,)), ((), ())),
                           preferred_element_type=jnp.float32,
                           precision=lax.Precision.HIGHEST)


def _fin_body(s1, c2, hx, embp, wr1, wo1, wr2, wo2, br1, br2, cn, out):
    A = _dot_nt(embp[...], wr1[...])
    R = _dot_nt(embp[...], wo1[...])
    C2 = c2[...]
    E = jnp.sum(C2, axis=1, keepdims=True)
    n = cn[...]
    G = _dot_nn(s1[...], A) + E * br1[...] + _dot_nn(C2, R)
    H = _dot_nn(C2, A) + n * br1[...] + _dot_nn(hx[...], R)
    out[...] = (_dot_nt(G, wr2[...]) + n * br2[...] + _dot_nt(H, wo2[...])) / n


def _finalize(S1, C2, Hx, embP, W_rel1, W_root1, W_rel2, W_root2,
              b_rel1, b_rel2, counts):
    return pl.pallas_call(
        _fin_body,
        out_shape=jax.ShapeDtypeStruct((B, D), jnp.float32),
    )(S1, C2, Hx, embP, W_rel1, W_root1, W_rel2, W_root2,
      b_rel1, b_rel2, counts)


def kernel(x, edge_index, amino_acids_numbers, emb,
           W_rel1, b_rel1, W_root1, W_rel2, b_rel2, W_root2):
    x = x.astype(jnp.int32)
    src = edge_index[0].astype(jnp.int32)
    dst = edge_index[1].astype(jnp.int32)
    bnds = amino_acids_numbers.astype(jnp.int32)

    seg = _compute_seg(bnds)
    xp = jnp.concatenate([x, jnp.zeros((N_PAD - N_NODES,), jnp.int32)])
    s1t, c2t, hxt, _, _ = _sc_counts(src, dst, xp, seg)

    S1 = s1t.reshape(32, 128).T[:B]
    C2 = c2t.reshape(32, 128).T[:B]
    Hx = hxt.reshape(32, 128).T[:B]
    embP = jnp.zeros((VOCAB32, D), jnp.float32).at[:emb.shape[0]].set(emb)
    starts = jnp.concatenate([jnp.zeros((1,), bnds.dtype), bnds[:-1]])
    counts = (bnds - starts).astype(jnp.float32).reshape(B, 1)
    return _finalize(S1, C2, Hx, embP, W_rel1, W_root1, W_rel2, W_root2,
                     b_rel1.reshape(1, D), b_rel2.reshape(1, D), counts)

# --- scband reference (transcript-rebuilt; emitter-appended) ---
"""Pipeline reference for scband-gnnfor-protein-46188078301523 (READ-ONLY COPY).

The authoritative reference and input builder live on the scoring server;
editing this copy changes nothing except your own understanding.
"""

import jax, jax.numpy as jnp
import numpy as np

N_NODES = 10000
N_EDGES = 320000
VOCAB = 25
D = 128
B = 64


def _graph_conv(x, edge_index, W_rel, b_rel, W_root):
    # torch_geometric GraphConv with aggr='add':
    # out_i = W_rel @ (sum_{j in N(i)} x_j) + b_rel + W_root @ x_i
    src = edge_index[0]
    dst = edge_index[1]
    msgs = jnp.take(x, src, axis=0)
    agg = jnp.zeros_like(x).at[dst].add(msgs)
    return agg @ W_rel.T + b_rel + x @ W_root.T


def setup_inputs(seed: int = 0) -> dict:
    key = jax.random.key(seed)
    ks = jax.random.split(key, 12)
    x = jax.random.randint(ks[0], (N_NODES,), 0, VOCAB + 1)
    edge_index = jax.random.randint(ks[1], (2, N_EDGES), 0, N_NODES)
    # strictly increasing protein boundary offsets in (0, N_NODES]
    bnds = jnp.sort(jax.random.randint(ks[2], (B,), 1, N_NODES - B)) + jnp.arange(B)
    emb = jax.random.normal(ks[3], (VOCAB + 1, D), dtype=jnp.float32) * 0.02
    scale = 1.0 / np.sqrt(D)
    W_rel1 = jax.random.normal(ks[4], (D, D), dtype=jnp.float32) * scale
    b_rel1 = jax.random.normal(ks[5], (D,), dtype=jnp.float32) * 0.01
    W_root1 = jax.random.normal(ks[6], (D, D), dtype=jnp.float32) * scale
    W_rel2 = jax.random.normal(ks[7], (D, D), dtype=jnp.float32) * scale
    b_rel2 = jax.random.normal(ks[8], (D,), dtype=jnp.float32) * 0.01
    W_root2 = jax.random.normal(ks[9], (D, D), dtype=jnp.float32) * scale
    return {
        'x': x,
        'edge_index': edge_index,
        'amino_acids_numbers': bnds,
        'emb': emb,
        'W_rel1': W_rel1, 'b_rel1': b_rel1, 'W_root1': W_root1,
        'W_rel2': W_rel2, 'b_rel2': b_rel2, 'W_root2': W_root2,
    }


def reference(x, edge_index, amino_acids_numbers, emb,
              W_rel1, b_rel1, W_root1, W_rel2, b_rel2, W_root2):
    nodes = jnp.take(emb, x, axis=0)
    nodes = _graph_conv(nodes, edge_index, W_rel1, b_rel1, W_root1)
    nodes = _graph_conv(nodes, edge_index, W_rel2, b_rel2, W_root2)
    bnds = amino_acids_numbers
    n_seg = bnds.shape[0]
    n_nodes = nodes.shape[0]
    node_ids = jnp.arange(n_nodes)
    seg = jnp.searchsorted(bnds, node_ids, side='right')
    valid = seg < n_seg
    seg_safe = jnp.where(valid, seg, 0)
    masked = nodes * valid[:, None].astype(nodes.dtype)
    sums = jnp.zeros((n_seg, nodes.shape[1]), dtype=nodes.dtype).at[seg_safe].add(masked)
    starts = jnp.concatenate([jnp.zeros((1,), dtype=bnds.dtype), bnds[:-1]])
    counts = (bnds - starts).astype(nodes.dtype)
    pooled = sums / counts[:, None]
    return pooled

if __name__ == "__main__":
    import jax
    _d = setup_inputs()
    print(jax.jit(kernel)(*tuple(_d.values())))

</pallas_src>

<mosaic_0001>
#map = affine_map<(d0, d1) -> (0)>
#map1 = affine_map<(d0, d1) -> (0, 0, 0)>
module attributes {stable_mosaic.version = 14 : i64} {
  func.func @_sc_body(%arg0: i32, %arg1: i32, %arg2: memref<320000xi32, #tpu.memory_space<hbm>>, %arg3: memref<320000xi32, #tpu.memory_space<hbm>>, %arg4: memref<10240xi32, #tpu.memory_space<hbm>>, %arg5: memref<10240xi32, #tpu.memory_space<hbm>>, %arg6: memref<32x1x128xf32, #tpu.memory_space<hbm>>, %arg7: memref<32x1x128xf32, #tpu.memory_space<hbm>>, %arg8: memref<32x1x128xf32, #tpu.memory_space<hbm>>, %arg9: memref<320000xi32, #tpu.memory_space<hbm>>, %arg10: memref<320000xi32, #tpu.memory_space<hbm>>, %arg11: memref<10240xi32, #tpu.memory_space<vmem>>, %arg12: memref<10240xi32, #tpu.memory_space<vmem>>, %arg13: memref<10240xf32, #tpu.memory_space<vmem>>, %arg14: memref<128xf32, #tpu.memory_space<vmem>>, %arg15: memref<128xf32, #tpu.memory_space<vmem>>, %arg16: memref<128xf32, #tpu.memory_space<vmem>>, %arg17: memref<1040xf32, #tpu.memory_space<vmem>>, %arg18: memref<1040xf32, #tpu.memory_space<vmem>>, %arg19: memref<1040xf32, #tpu.memory_space<vmem>>, %arg20: memref<4000xi32, #tpu.memory_space<vmem>>, %arg21: memref<4000xi32, #tpu.memory_space<vmem>>, %arg22: memref<4000xi32, #tpu.memory_space<vmem>>, %arg23: memref<4000xi32, #tpu.memory_space<vmem>>, %arg24: memref<8000xi32, #tpu.memory_space<vmem>>, %arg25: memref<8000xi32, #tpu.memory_space<vmem>>, %arg26: memref<!tpu.dma_semaphore, #tpu.memory_space<semaphore_mem>>, %arg27: memref<!tpu.dma_semaphore, #tpu.memory_space<semaphore_mem>>) attributes {dimension_semantics = [#tpu.dimension_semantics<core_parallel>, #tpu.dimension_semantics<subcore_parallel>], iteration_bounds = array<i64: 2, 16>, scalar_prefetch = 0 : i64, scratch_operands = 17 : i64, tpu.core_type = #tpu.core_type<sc_vector_subcore>, window_params = [{transform_indices = #map}, {transform_indices = #map}, {transform_indices = #map}, {transform_indices = #map}, {transform_indices = #map1}, {transform_indices = #map1}, {transform_indices = #map1}, {transform_indices = #map}, {transform_indices = #map}]} {
    %mul3A = arith.constant 16 : i32
    %mul3A_0 = arith.muli %arg0, %mul3A : i32
    %add3A = arith.addi %mul3A_0, %arg1 : i32
    "tpu.region"() ({
      %run_scoped3A_84 = tpu.sem_alloc : memref<!tpu.dma_semaphore, #tpu.memory_space<semaphore_mem>>
      tpu.enqueue_dma source(%arg4 : memref<10240xi32, #tpu.memory_space<hbm>>) target(%arg11 : memref<10240xi32, #tpu.memory_space<vmem>>) target_semaphore(%run_scoped3A_84 : memref<!tpu.dma_semaphore, #tpu.memory_space<semaphore_mem>>)
      tpu.wait_dma2 semaphore(%run_scoped3A_84 : memref<!tpu.dma_semaphore, #tpu.memory_space<semaphore_mem>>) src(%arg4 : memref<10240xi32, #tpu.memory_space<hbm>>) dst(%arg11 : memref<10240xi32, #tpu.memory_space<vmem>>)
      tpu.yield
    }) : () -> ()
    "tpu.region"() ({
      %run_scoped3A_84 = tpu.sem_alloc : memref<!tpu.dma_semaphore, #tpu.memory_space<semaphore_mem>>
      tpu.enqueue_dma source(%arg5 : memref<10240xi32, #tpu.memory_space<hbm>>) target(%arg12 : memref<10240xi32, #tpu.memory_space<vmem>>) target_semaphore(%run_scoped3A_84 : memref<!tpu.dma_semaphore, #tpu.memory_space<semaphore_mem>>)
      tpu.wait_dma2 semaphore(%run_scoped3A_84 : memref<!tpu.dma_semaphore, #tpu.memory_space<semaphore_mem>>) src(%arg5 : memref<10240xi32, #tpu.memory_space<hbm>>) dst(%arg12 : memref<10240xi32, #tpu.memory_space<vmem>>)
      tpu.yield
    }) : () -> ()
    %broadcast_in_dim3A = arith.constant 0.000000e+00 : f32
    %broadcast_in_dim3A_1 = vector.broadcast %broadcast_in_dim3A : f32 to vector<16xf32>
    %parallel_loop3A = arith.constant 0 : i32
    %parallel_loop3A_2 = arith.constant 640 : i32
    %parallel_loop3A_3 = arith.constant 1 : i32
    scf.for %parallel_loop3A_84 = %parallel_loop3A to %parallel_loop3A_2 step %parallel_loop3A_3  : i32 {
      %parallel_loop3A_85 = arith.constant 16 : i32
      %parallel_loop3A_86 = arith.muli %parallel_loop3A_84, %parallel_loop3A_85 : i32
      %parallel_loop3A_87 = arith.index_cast %parallel_loop3A_86 : i32 to index
      %parallel_loop3A_88 = tpu.vector_load %arg13[%parallel_loop3A_87] {strides = array<i32>} : memref<10240xf32, #tpu.memory_space<vmem>>, vector<16xf32>,
      tpu.vector_store %arg13[%parallel_loop3A_87], %broadcast_in_dim3A_1 {strides = array<i32>} : memref<10240xf32, #tpu.memory_space<vmem>>, vector<16xf32>,
    } {sc.loop_unroll_factor = 8 : i64, sc.parallel_access}
    %swap3A = arith.constant 0 : index
    %swap3A_4 = tpu.vector_load %arg14[%swap3A] {strides = array<i32>} : memref<128xf32, #tpu.memory_space<vmem>>, vector<16xf32>,
    tpu.vector_store %arg14[%swap3A], %broadcast_in_dim3A_1 {strides = array<i32>} : memref<128xf32, #tpu.memory_space<vmem>>, vector<16xf32>,
    %swap3A_5 = arith.constant 16 : index
    %swap3A_6 = tpu.vector_load %arg14[%swap3A_5] {strides = array<i32>} : memref<128xf32, #tpu.memory_space<vmem>>, vector<16xf32>,
    tpu.vector_store %arg14[%swap3A_5], %broadcast_in_dim3A_1 {strides = array<i32>} : memref<128xf32, #tpu.memory_space<vmem>>, vector<16xf32>,
    %swap3A_7 = arith.constant 32 : index
    %swap3A_8 = tpu.vector_load %arg14[%swap3A_7] {strides = array<i32>} : memref<128xf32, #tpu.memory_space<vmem>>, vector<16xf32>,
    tpu.vector_store %arg14[%swap3A_7], %broadcast_in_dim3A_1 {strides = array<i32>} : memref<128xf32, #tpu.memory_space<vmem>>, vector<16xf32>,
    %swap3A_9 = arith.constant 48 : index
    %swap3A_10 = tpu.vector_load %arg14[%swap3A_9] {strides = array<i32>} : memref<128xf32, #tpu.memory_space<vmem>>, vector<16xf32>,
    tpu.vector_store %arg14[%swap3A_9], %broadcast_in_dim3A_1 {strides = array<i32>} : memref<128xf32, #tpu.memory_space<vmem>>, vector<16xf32>,
    %swap3A_11 = arith.constant 64 : index
    %swap3A_12 = tpu.vector_load %arg14[%swap3A_11] {strides = array<i32>} : memref<128xf32, #tpu.memory_space<vmem>>, vector<16xf32>,
    tpu.vector_store %arg14[%swap3A_11], %broadcast_in_dim3A_1 {strides = array<i32>} : memref<128xf32, #tpu.memory_space<vmem>>, vector<16xf32>,
    %swap3A_13 = arith.constant 80 : index
    %swap3A_14 = tpu.vector_load %arg14[%swap3A_13] {strides = array<i32>} : memref<128xf32, #tpu.memory_space<vmem>>, vector<16xf32>,
    tpu.vector_store %arg14[%swap3A_13], %broadcast_in_dim3A_1 {strides = array<i32>} : memref<128xf32, #tpu.memory_space<vmem>>, vector<16xf32>,
    %swap3A_15 = arith.constant 96 : index
    %swap3A_16 = tpu.vector_load %arg14[%swap3A_15] {strides = array<i32>} : memref<128xf32, #tpu.memory_space<vmem>>, vector<16xf32>,
    tpu.vector_store %arg14[%swap3A_15], %broadcast_in_dim3A_1 {strides = array<i32>} : memref<128xf32, #tpu.memory_space<vmem>>, vector<16xf32>,
    %swap3A_17 = arith.constant 112 : index
    %swap3A_18 = tpu.vector_load %arg14[%swap3A_17] {strides = array<i32>} : memref<128xf32, #tpu.memory_space<vmem>>, vector<16xf32>,
    tpu.vector_store %arg14[%swap3A_17], %broadcast_in_dim3A_1 {strides = array<i32>} : memref<128xf32, #tpu.memory_space<vmem>>, vector<16xf32>,
    %swap3A_19 = arith.constant 0 : index
    %swap3A_20 = tpu.vector_load %arg15[%swap3A_19] {strides = array<i32>} : memref<128xf32, #tpu.memory_space<vmem>>, vector<16xf32>,
    tpu.vector_store %arg15[%swap3A_19], %broadcast_in_dim3A_1 {strides = array<i32>} : memref<128xf32, #tpu.memory_space<vmem>>, vector<16xf32>,
    %swap3A_21 = arith.constant 16 : index
    %swap3A_22 = tpu.vector_load %arg15[%swap3A_21] {strides = array<i32>} : memref<128xf32, #tpu.memory_space<vmem>>, vector<16xf32>,
    tpu.vector_store %arg15[%swap3A_21], %broadcast_in_dim3A_1 {strides = array<i32>} : memref<128xf32, #tpu.memory_space<vmem>>, vector<16xf32>,
    %swap3A_23 = arith.constant 32 : index
    %swap3A_24 = tpu.vector_load %arg15[%swap3A_23] {strides = array<i32>} : memref<128xf32, #tpu.memory_space<vmem>>, vector<16xf32>,
    tpu.vector_store %arg15[%swap3A_23], %broadcast_in_dim3A_1 {strides = array<i32>} : memref<128xf32, #tpu.memory_space<vmem>>, vector<16xf32>,
    %swap3A_25 = arith.constant 48 : index
    %swap3A_26 = tpu.vector_load %arg15[%swap3A_25] {strides = array<i32>} : memref<128xf32, #tpu.memory_space<vmem>>, vector<16xf32>,
    tpu.vector_store %arg15[%swap3A_25], %broadcast_in_dim3A_1 {strides = array<i32>} : memref<128xf32, #tpu.memory_space<vmem>>, vector<16xf32>,
    %swap3A_27 = arith.constant 64 : index
    %swap3A_28 = tpu.vector_load %arg15[%swap3A_27] {strides = array<i32>} : memref<128xf32, #tpu.memory_space<vmem>>, vector<16xf32>,
    tpu.vector_store %arg15[%swap3A_27], %broadcast_in_dim3A_1 {strides = array<i32>} : memref<128xf32, #tpu.memory_space<vmem>>, vector<16xf32>,
    %swap3A_29 = arith.constant 80 : index
    %swap3A_30 = tpu.vector_load %arg15[%swap3A_29] {strides = array<i32>} : memref<128xf32, #tpu.memory_space<vmem>>, vector<16xf32>,
    tpu.vector_store %arg15[%swap3A_29], %broadcast_in_dim3A_1 {strides = array<i32>} : memref<128xf32, #tpu.memory_space<vmem>>, vector<16xf32>,
    %swap3A_31 = arith.constant 96 : index
    %swap3A_32 = tpu.vector_load %arg15[%swap3A_31] {strides = array<i32>} : memref<128xf32, #tpu.memory_space<vmem>>, vector<16xf32>,
    tpu.vector_store %arg15[%swap3A_31], %broadcast_in_dim3A_1 {strides = array<i32>} : memref<128xf32, #tpu.memory_space<vmem>>, vector<16xf32>,
    %swap3A_33 = arith.constant 112 : index
    %swap3A_34 = tpu.vector_load %arg15[%swap3A_33] {strides = array<i32>} : memref<128xf32, #tpu.memory_space<vmem>>, vector<16xf32>,
    tpu.vector_store %arg15[%swap3A_33], %broadcast_in_dim3A_1 {strides = array<i32>} : memref<128xf32, #tpu.memory_space<vmem>>, vector<16xf32>,
    %swap3A_35 = arith.constant 0 : index
    %swap3A_36 = tpu.vector_load %arg16[%swap3A_35] {strides = array<i32>} : memref<128xf32, #tpu.memory_space<vmem>>, vector<16xf32>,
    tpu.vector_store %arg16[%swap3A_35], %broadcast_in_dim3A_1 {strides = array<i32>} : memref<128xf32, #tpu.memory_space<vmem>>, vector<16xf32>,
    %swap3A_37 = arith.constant 16 : index
    %swap3A_38 = tpu.vector_load %arg16[%swap3A_37] {strides = array<i32>} : memref<128xf32, #tpu.memory_space<vmem>>, vector<16xf32>,
    tpu.vector_store %arg16[%swap3A_37], %broadcast_in_dim3A_1 {strides = array<i32>} : memref<128xf32, #tpu.memory_space<vmem>>, vector<16xf32>,
    %swap3A_39 = arith.constant 32 : index
    %swap3A_40 = tpu.vector_load %arg16[%swap3A_39] {strides = array<i32>} : memref<128xf32, #tpu.memory_space<vmem>>, vector<16xf32>,
    tpu.vector_store %arg16[%swap3A_39], %broadcast_in_dim3A_1 {strides = array<i32>} : memref<128xf32, #tpu.memory_space<vmem>>, vector<16xf32>,
    %swap3A_41 = arith.constant 48 : index
    %swap3A_42 = tpu.vector_load %arg16[%swap3A_41] {strides = array<i32>} : memref<128xf32, #tpu.memory_space<vmem>>, vector<16xf32>,
    tpu.vector_store %arg16[%swap3A_41], %broadcast_in_dim3A_1 {strides = array<i32>} : memref<128xf32, #tpu.memory_space<vmem>>, vector<16xf32>,
    %swap3A_43 = arith.constant 64 : index
    %swap3A_44 = tpu.vector_load %arg16[%swap3A_43] {strides = array<i32>} : memref<128xf32, #tpu.memory_space<vmem>>, vector<16xf32>,
    tpu.vector_store %arg16[%swap3A_43], %broadcast_in_dim3A_1 {strides = array<i32>} : memref<128xf32, #tpu.memory_space<vmem>>, vector<16xf32>,
    %swap3A_45 = arith.constant 80 : index
    %swap3A_46 = tpu.vector_load %arg16[%swap3A_45] {strides = array<i32>} : memref<128xf32, #tpu.memory_space<vmem>>, vector<16xf32>,
    tpu.vector_store %arg16[%swap3A_45], %broadcast_in_dim3A_1 {strides = array<i32>} : memref<128xf32, #tpu.memory_space<vmem>>, vector<16xf32>,
    %swap3A_47 = arith.constant 96 : index
    %swap3A_48 = tpu.vector_load %arg16[%swap3A_47] {strides = array<i32>} : memref<128xf32, #tpu.memory_space<vmem>>, vector<16xf32>,
    tpu.vector_store %arg16[%swap3A_47], %broadcast_in_dim3A_1 {strides = array<i32>} : memref<128xf32, #tpu.memory_space<vmem>>, vector<16xf32>,
    %swap3A_49 = arith.constant 112 : index
    %swap3A_50 = tpu.vector_load %arg16[%swap3A_49] {strides = array<i32>} : memref<128xf32, #tpu.memory_space<vmem>>, vector<16xf32>,
    tpu.vector_store %arg16[%swap3A_49], %broadcast_in_dim3A_1 {strides = array<i32>} : memref<128xf32, #tpu.memory_space<vmem>>, vector<16xf32>,
    %mul3A_51 = arith.constant 20000 : i32
    %mul3A_52 = arith.muli %arg1, %mul3A_51 : i32
    %add3A_53 = arith.constant 0 : i32
    %add3A_54 = arith.addi %mul3A_52, %add3A_53 : i32
    "tpu.region"() ({
      %run_scoped3A_84 = tpu.sem_alloc : memref<!tpu.dma_semaphore, #tpu.memory_space<semaphore_mem>>
      %dma_start3A = tpu.memref_slice %arg2[%add3A_54] : memref<320000xi32, #tpu.memory_space<hbm>> -> memref<4000xi32, #tpu.memory_space<hbm>>
      %dma_start3A_85 = tpu.memref_slice %arg2[%add3A_54] : memref<320000xi32, #tpu.memory_space<hbm>> -> memref<4000xi32, #tpu.memory_space<hbm>>
      tpu.enqueue_dma source(%dma_start3A_85 : memref<4000xi32, #tpu.memory_space<hbm>>) target(%arg20 : memref<4000xi32, #tpu.memory_space<vmem>>) target_semaphore(%run_scoped3A_84 : memref<!tpu.dma_semaphore, #tpu.memory_space<semaphore_mem>>)
      %dma_wait3A = tpu.memref_slice %arg2[%add3A_54] : memref<320000xi32, #tpu.memory_space<hbm>> -> memref<4000xi32, #tpu.memory_space<hbm>>
      %dma_wait3A_86 = tpu.memref_slice %arg2[%add3A_54] : memref<320000xi32, #tpu.memory_space<hbm>> -> memref<4000xi32, #tpu.memory_space<hbm>>
      tpu.wait_dma2 semaphore(%run_scoped3A_84 : memref<!tpu.dma_semaphore, #tpu.memory_space<semaphore_mem>>) src(%dma_wait3A_86 : memref<4000xi32, #tpu.memory_space<hbm>>) dst(%arg20 : memref<4000xi32, #tpu.memory_space<vmem>>)
      tpu.yield
    }) : () -> ()
    "tpu.region"() ({
      %run_scoped3A_84 = tpu.sem_alloc : memref<!tpu.dma_semaphore, #tpu.memory_space<semaphore_mem>>
      %dma_start3A = tpu.memref_slice %arg3[%add3A_54] : memref<320000xi32, #tpu.memory_space<hbm>> -> memref<4000xi32, #tpu.memory_space<hbm>>
      %dma_start3A_85 = tpu.memref_slice %arg3[%add3A_54] : memref<320000xi32, #tpu.memory_space<hbm>> -> memref<4000xi32, #tpu.memory_space<hbm>>
      tpu.enqueue_dma source(%dma_start3A_85 : memref<4000xi32, #tpu.memory_space<hbm>>) target(%arg21 : memref<4000xi32, #tpu.memory_space<vmem>>) target_semaphore(%run_scoped3A_84 : memref<!tpu.dma_semaphore, #tpu.memory_space<semaphore_mem>>)
      %dma_wait3A = tpu.memref_slice %arg3[%add3A_54] : memref<320000xi32, #tpu.memory_space<hbm>> -> memref<4000xi32, #tpu.memory_space<hbm>>
      %dma_wait3A_86 = tpu.memref_slice %arg3[%add3A_54] : memref<320000xi32, #tpu.memory_space<hbm>> -> memref<4000xi32, #tpu.memory_space<hbm>>
      tpu.wait_dma2 semaphore(%run_scoped3A_84 : memref<!tpu.dma_semaphore, #tpu.memory_space<semaphore_mem>>) src(%dma_wait3A_86 : memref<4000xi32, #tpu.memory_space<hbm>>) dst(%arg21 : memref<4000xi32, #tpu.memory_space<vmem>>)
      tpu.yield
    }) : () -> ()
    %parallel_loop3A_55 = arith.constant 0 : i32
    %parallel_loop3A_56 = arith.constant 250 : i32
    %parallel_loop3A_57 = arith.constant 1 : i32
    scf.for %parallel_loop3A_84 = %parallel_loop3A_55 to %parallel_loop3A_56 step %parallel_loop3A_57  : i32 {
      %parallel_loop3A_85 = arith.constant 16 : i32
      %parallel_loop3A_86 = arith.muli %parallel_loop3A_84, %parallel_loop3A_85 : i32
      %parallel_loop3A_87 = arith.index_cast %parallel_loop3A_86 : i32 to index
      %parallel_loop3A_88 = tpu.vector_load %arg20[%parallel_loop3A_87] {strides = array<i32>} : memref<4000xi32, #tpu.memory_space<vmem>>, vector<16xi32>,
      %parallel_loop3A_89 = arith.constant 16 : i32
      %parallel_loop3A_90 = arith.muli %parallel_loop3A_84, %parallel_loop3A_89 : i32
      %parallel_loop3A_91 = arith.index_cast %parallel_loop3A_90 : i32 to index
      %parallel_loop3A_92 = tpu.vector_load %arg21[%parallel_loop3A_91] {strides = array<i32>} : memref<4000xi32, #tpu.memory_space<vmem>>, vector<16xi32>,
      %parallel_loop3A_93 = tpu.vector_load_idx %arg11[%parallel_loop3A_88] : memref<10240xi32, #tpu.memory_space<vmem>>[vector<16xi32>], vector<16xi32>,
      %parallel_loop3A_94 = tpu.vector_load_idx %arg12[%parallel_loop3A_92] : memref<10240xi32, #tpu.memory_space<vmem>>[vector<16xi32>], vector<16xi32>,
      %parallel_loop3A_95 = arith.constant 32 : i32
      %parallel_loop3A_96 = vector.broadcast %parallel_loop3A_95 : i32 to vector<16xi32>
      %parallel_loop3A_97 = arith.muli %parallel_loop3A_92, %parallel_loop3A_96 : vector<16xi32>
      %parallel_loop3A_98 = arith.addi %parallel_loop3A_97, %parallel_loop3A_93 : vector<16xi32>
      %parallel_loop3A_99 = arith.constant 16 : i32
      %parallel_loop3A_100 = arith.muli %parallel_loop3A_84, %parallel_loop3A_99 : i32
      %parallel_loop3A_101 = arith.index_cast %parallel_loop3A_100 : i32 to index
      %parallel_loop3A_102 = tpu.vector_load %arg22[%parallel_loop3A_101] {strides = array<i32>} : memref<4000xi32, #tpu.memory_space<vmem>>, vector<16xi32>,
      tpu.vector_store %arg22[%parallel_loop3A_101], %parallel_loop3A_98 {strides = array<i32>} : memref<4000xi32, #tpu.memory_space<vmem>>, vector<16xi32>,
      %parallel_loop3A_103 = arith.constant 128 : i32
      %parallel_loop3A_104 = vector.broadcast %parallel_loop3A_103 : i32 to vector<16xi32>
      %parallel_loop3A_105 = arith.muli %parallel_loop3A_88, %parallel_loop3A_104 : vector<16xi32>
      %parallel_loop3A_106 = arith.addi %parallel_loop3A_105, %parallel_loop3A_94 : vector<16xi32>
      %parallel_loop3A_107 = arith.constant 16 : i32
      %parallel_loop3A_108 = arith.muli %parallel_loop3A_84, %parallel_loop3A_107 : i32
      %parallel_loop3A_109 = arith.index_cast %parallel_loop3A_108 : i32 to index
      %parallel_loop3A_110 = tpu.vector_load %arg23[%parallel_loop3A_109] {strides = array<i32>} : memref<4000xi32, #tpu.memory_space<vmem>>, vector<16xi32>,
      tpu.vector_store %arg23[%parallel_loop3A_109], %parallel_loop3A_106 {strides = array<i32>} : memref<4000xi32, #tpu.memory_space<vmem>>, vector<16xi32>,
    } {sc.loop_unroll_factor = 5 : i64, sc.parallel_access}
    "tpu.region"() ({
      %run_scoped3A_84 = tpu.sem_alloc : memref<!tpu.dma_semaphore, #tpu.memory_space<semaphore_mem>>
      %dma_start3A = tpu.memref_slice %arg9[%add3A_54] : memref<320000xi32, #tpu.memory_space<hbm>> -> memref<4000xi32, #tpu.memory_space<hbm>>
      %dma_start3A_85 = tpu.memref_slice %arg9[%add3A_54] : memref<320000xi32, #tpu.memory_space<hbm>> -> memref<4000xi32, #tpu.memory_space<hbm>>
      tpu.enqueue_dma source(%arg22 : memref<4000xi32, #tpu.memory_space<vmem>>) target(%dma_start3A_85 : memref<4000xi32, #tpu.memory_space<hbm>>) target_semaphore(%run_scoped3A_84 : memref<!tpu.dma_semaphore, #tpu.memory_space<semaphore_mem>>)
      %dma_wait3A = tpu.memref_slice %arg9[%add3A_54] : memref<320000xi32, #tpu.memory_space<hbm>> -> memref<4000xi32, #tpu.memory_space<hbm>>
      %dma_wait3A_86 = tpu.memref_slice %arg9[%add3A_54] : memref<320000xi32, #tpu.memory_space<hbm>> -> memref<4000xi32, #tpu.memory_space<hbm>>
      tpu.wait_dma2 semaphore(%run_scoped3A_84 : memref<!tpu.dma_semaphore, #tpu.memory_space<semaphore_mem>>) src(%arg22 : memref<4000xi32, #tpu.memory_space<vmem>>) dst(%dma_wait3A_86 : memref<4000xi32, #tpu.memory_space<hbm>>)
      tpu.yield
    }) : () -> ()
    "tpu.region"() ({
      %run_scoped3A_84 = tpu.sem_alloc : memref<!tpu.dma_semaphore, #tpu.memory_space<semaphore_mem>>
      %dma_start3A = tpu.memref_slice %arg10[%add3A_54] : memref<320000xi32, #tpu.memory_space<hbm>> -> memref<4000xi32, #tpu.memory_space<hbm>>
      %dma_start3A_85 = tpu.memref_slice %arg10[%add3A_54] : memref<320000xi32, #tpu.memory_space<hbm>> -> memref<4000xi32, #tpu.memory_space<hbm>>
      tpu.enqueue_dma source(%arg23 : memref<4000xi32, #tpu.memory_space<vmem>>) target(%dma_start3A_85 : memref<4000xi32, #tpu.memory_space<hbm>>) target_semaphore(%run_scoped3A_84 : memref<!tpu.dma_semaphore, #tpu.memory_space<semaphore_mem>>)
      %dma_wait3A = tpu.memref_slice %arg10[%add3A_54] : memref<320000xi32, #tpu.memory_space<hbm>> -> memref<4000xi32, #tpu.memory_space<hbm>>
      %dma_wait3A_86 = tpu.memref_slice %arg10[%add3A_54] : memref<320000xi32, #tpu.memory_space<hbm>> -> memref<4000xi32, #tpu.memory_space<hbm>>
      tpu.wait_dma2 semaphore(%run_scoped3A_84 : memref<!tpu.dma_semaphore, #tpu.memory_space<semaphore_mem>>) src(%arg23 : memref<4000xi32, #tpu.memory_space<vmem>>) dst(%dma_wait3A_86 : memref<4000xi32, #tpu.memory_space<hbm>>)
      tpu.yield
    }) : () -> ()
    %add3A_58 = arith.constant 4000 : i32
    %add3A_59 = arith.addi %mul3A_52, %add3A_58 : i32
    "tpu.region"() ({
      %run_scoped3A_84 = tpu.sem_alloc : memref<!tpu.dma_semaphore, #tpu.memory_space<semaphore_mem>>
      %dma_start3A = tpu.memref_slice %arg2[%add3A_59] : memref<320000xi32, #tpu.memory_space<hbm>> -> memref<4000xi32, #tpu.memory_space<hbm>>
      %dma_start3A_85 = tpu.memref_slice %arg2[%add3A_59] : memref<320000xi32, #tpu.memory_space<hbm>> -> memref<4000xi32, #tpu.memory_space<hbm>>
      tpu.enqueue_dma source(%dma_start3A_85 : memref<4000xi32, #tpu.memory_space<hbm>>) target(%arg20 : memref<4000xi32, #tpu.memory_space<vmem>>) target_semaphore(%run_scoped3A_84 : memref<!tpu.dma_semaphore, #tpu.memory_space<semaphore_mem>>)
      %dma_wait3A = tpu.memref_slice %arg2[%add3A_59] : memref<320000xi32, #tpu.memory_space<hbm>> -> memref<4000xi32, #tpu.memory_space<hbm>>
      %dma_wait3A_86 = tpu.memref_slice %arg2[%add3A_59] : memref<320000xi32, #tpu.memory_space<hbm>> -> memref<4000xi32, #tpu.memory_space<hbm>>
      tpu.wait_dma2 semaphore(%run_scoped3A_84 : memref<!tpu.dma_semaphore, #tpu.memory_space<semaphore_mem>>) src(%dma_wait3A_86 : memref<4000xi32, #tpu.memory_space<hbm>>) dst(%arg20 : memref<4000xi32, #tpu.memory_space<vmem>>)
      tpu.yield
    }) : () -> ()
    "tpu.region"() ({
      %run_scoped3A_84 = tpu.sem_alloc : memref<!tpu.dma_semaphore, #tpu.memory_space<semaphore_mem>>
      %dma_start3A = tpu.memref_slice %arg3[%add3A_59] : memref<320000xi32, #tpu.memory_space<hbm>> -> memref<4000xi32, #tpu.memory_space<hbm>>
      %dma_start3A_85 = tpu.memref_slice %arg3[%add3A_59] : memref<320000xi32, #tpu.memory_space<hbm>> -> memref<4000xi32, #tpu.memory_space<hbm>>
      tpu.enqueue_dma source(%dma_start3A_85 : memref<4000xi32, #tpu.memory_space<hbm>>) target(%arg21 : memref<4000xi32, #tpu.memory_space<vmem>>) target_semaphore(%run_scoped3A_84 : memref<!tpu.dma_semaphore, #tpu.memory_space<semaphore_mem>>)
      %dma_wait3A = tpu.memref_slice %arg3[%add3A_59] : memref<320000xi32, #tpu.memory_space<hbm>> -> memref<4000xi32, #tpu.memory_space<hbm>>
      %dma_wait3A_86 = tpu.memref_slice %arg3[%add3A_59] : memref<320000xi32, #tpu.memory_space<hbm>> -> memref<4000xi32, #tpu.memory_space<hbm>>
      tpu.wait_dma2 semaphore(%run_scoped3A_84 : memref<!tpu.dma_semaphore, #tpu.memory_space<semaphore_mem>>) src(%dma_wait3A_86 : memref<4000xi32, #tpu.memory_space<hbm>>) dst(%arg21 : memref<4000xi32, #tpu.memory_space<vmem>>)
      tpu.yield
    }) : () -> ()
    %parallel_loop3A_60 = arith.constant 0 : i32
    %parallel_loop3A_61 = arith.constant 250 : i32
    %parallel_loop3A_62 = arith.constant 1 : i32
    scf.for %parallel_loop3A_84 = %parallel_loop3A_60 to %parallel_loop3A_61 step %parallel_loop3A_62  : i32 {
      %parallel_loop3A_85 = arith.constant 16 : i32
      %parallel_loop3A_86 = arith.muli %parallel_loop3A_84, %parallel_loop3A_85 : i32
      %parallel_loop3A_87 = arith.index_cast %parallel_loop3A_86 : i32 to index
      %parallel_loop3A_88 = tpu.vector_load %arg20[%parallel_loop3A_87] {strides = array<i32>} : memref<4000xi32, #tpu.memory_space<vmem>>, vector<16xi32>,
      %parallel_loop3A_89 = arith.constant 16 : i32
      %parallel_loop3A_90 = arith.muli %parallel_loop3A_84, %parallel_loop3A_89 : i32
      %parallel_loop3A_91 = arith.index_cast %parallel_loop3A_90 : i32 to index
      %parallel_loop3A_92 = tpu.vector_load %arg21[%parallel_loop3A_91] {strides = array<i32>} : memref<4000xi32, #tpu.memory_space<vmem>>, vector<16xi32>,
      %parallel_loop3A_93 = tpu.vector_load_idx %arg11[%parallel_loop3A_88] : memref<10240xi32, #tpu.memory_space<vmem>>[vector<16xi32>], vector<16xi32>,
      %parallel_loop3A_94 = tpu.vector_load_idx %arg12[%parallel_loop3A_92] : memref<10240xi32, #tpu.memory_space<vmem>>[vector<16xi32>], vector<16xi32>,
      %parallel_loop3A_95 = arith.constant 32 : i32
      %parallel_loop3A_96 = vector.broadcast %parallel_loop3A_95 : i32 to vector<16xi32>
      %parallel_loop3A_97 = arith.muli %parallel_loop3A_92, %parallel_loop3A_96 : vector<16xi32>
      %parallel_loop3A_98 = arith.addi %parallel_loop3A_97, %parallel_loop3A_93 : vector<16xi32>
      %parallel_loop3A_99 = arith.constant 16 : i32
      %parallel_loop3A_100 = arith.muli %parallel_loop3A_84, %parallel_loop3A_99 : i32
      %parallel_loop3A_101 = arith.index_cast %parallel_loop3A_100 : i32 to index
      %parallel_loop3A_102 = tpu.vector_load %arg22[%parallel_loop3A_101] {strides = array<i32>} : memref<4000xi32, #tpu.memory_space<vmem>>, vector<16xi32>,
      tpu.vector_store %arg22[%parallel_loop3A_101], %parallel_loop3A_98 {strides = array<i32>} : memref<4000xi32, #tpu.memory_space<vmem>>, vector<16xi32>,
      %parallel_loop3A_103 = arith.constant 128 : i32
      %parallel_loop3A_104 = vector.broadcast %parallel_loop3A_103 : i32 to vector<16xi32>
      %parallel_loop3A_105 = arith.muli %parallel_loop3A_88, %parallel_loop3A_104 : vector<16xi32>
      %parallel_loop3A_106 = arith.addi %parallel_loop3A_105, %parallel_loop3A_94 : vector<16xi32>
      %parallel_loop3A_107 = arith.constant 16 : i32
      %parallel_loop3A_108 = arith.muli %parallel_loop3A_84, %parallel_loop3A_107 : i32
      %parallel_loop3A_109 = arith.index_cast %parallel_loop3A_108 : i32 to index
      %parallel_loop3A_110 = tpu.vector_load %arg23[%parallel_loop3A_109] {strides = array<i32>} : memref<4000xi32, #tpu.memory_space<vmem>>, vector<16xi32>,
      tpu.vector_store %arg23[%parallel_loop3A_109], %parallel_loop3A_106 {strides = array<i32>} : memref<4000xi32, #tpu.memory_space<vmem>>, vector<16xi32>,
    } {sc.loop_unroll_factor = 5 : i64, sc.parallel_access}
    "tpu.region"() ({
      %run_scoped3A_84 = tpu.sem_alloc : memref<!tpu.dma_semaphore, #tpu.memory_space<semaphore_mem>>
      %dma_start3A = tpu.memref_slice %arg9[%add3A_59] : memref<320000xi32, #tpu.memory_space<hbm>> -> memref<4000xi32, #tpu.memory_space<hbm>>
      %dma_start3A_85 = tpu.memref_slice %arg9[%add3A_59] : memref<320000xi32, #tpu.memory_space<hbm>> -> memref<4000xi32, #tpu.memory_space<hbm>>
      tpu.enqueue_dma source(%arg22 : memref<4000xi32, #tpu.memory_space<vmem>>) target(%dma_start3A_85 : memref<4000xi32, #tpu.memory_space<hbm>>) target_semaphore(%run_scoped3A_84 : memref<!tpu.dma_semaphore, #tpu.memory_space<semaphore_mem>>)
      %dma_wait3A = tpu.memref_slice %arg9[%add3A_59] : memref<320000xi32, #tpu.memory_space<hbm>> -> memref<4000xi32, #tpu.memory_space<hbm>>
      %dma_wait3A_86 = tpu.memref_slice %arg9[%add3A_59] : memref<320000xi32, #tpu.memory_space<hbm>> -> memref<4000xi32, #tpu.memory_space<hbm>>
      tpu.wait_dma2 semaphore(%run_scoped3A_84 : memref<!tpu.dma_semaphore, #tpu.memory_space<semaphore_mem>>) src(%arg22 : memref<4000xi32, #tpu.memory_space<vmem>>) dst(%dma_wait3A_86 : memref<4000xi32, #tpu.memory_space<hbm>>)
      tpu.yield
    }) : () -> ()
    "tpu.region"() ({
      %run_scoped3A_84 = tpu.sem_alloc : memref<!tpu.dma_semaphore, #tpu.memory_space<semaphore_mem>>
      %dma_start3A = tpu.memref_slice %arg10[%add3A_59] : memref<320000xi32, #tpu.memory_space<hbm>> -> memref<4000xi32, #tpu.memory_space<hbm>>
      %dma_start3A_85 = tpu.memref_slice %arg10[%add3A_59] : memref<320000xi32, #tpu.memory_space<hbm>> -> memref<4000xi32, #tpu.memory_space<hbm>>
      tpu.enqueue_dma source(%arg23 : memref<4000xi32, #tpu.memory_space<vmem>>) target(%dma_start3A_85 : memref<4000xi32, #tpu.memory_space<hbm>>) target_semaphore(%run_scoped3A_84 : memref<!tpu.dma_semaphore, #tpu.memory_space<semaphore_mem>>)
      %dma_wait3A = tpu.memref_slice %arg10[%add3A_59] : memref<320000xi32, #tpu.memory_space<hbm>> -> memref<4000xi32, #tpu.memory_space<hbm>>
      %dma_wait3A_86 = tpu.memref_slice %arg10[%add3A_59] : memref<320000xi32, #tpu.memory_space<hbm>> -> memref<4000xi32, #tpu.memory_space<hbm>>
      tpu.wait_dma2 semaphore(%run_scoped3A_84 : memref<!tpu.dma_semaphore, #tpu.memory_space<semaphore_mem>>) src(%arg23 : memref<4000xi32, #tpu.memory_space<vmem>>) dst(%dma_wait3A_86 : memref<4000xi32, #tpu.memory_space<hbm>>)
      tpu.yield
    }) : () -> ()
    %add3A_63 = arith.constant 8000 : i32
    %add3A_64 = arith.addi %mul3A_52, %add3A_63 : i32
    "tpu.region"() ({
      %run_scoped3A_84 = tpu.sem_alloc : memref<!tpu.dma_semaphore, #tpu.memory_space<semaphore_mem>>
      %dma_start3A = tpu.memref_slice %arg2[%add3A_64] : memref<320000xi32, #tpu.memory_space<hbm>> -> memref<4000xi32, #tpu.memory_space<hbm>>
      %dma_start3A_85 = tpu.memref_slice %arg2[%add3A_64] : memref<320000xi32, #tpu.memory_space<hbm>> -> memref<4000xi32, #tpu.memory_space<hbm>>
      tpu.enqueue_dma source(%dma_start3A_85 : memref<4000xi32, #tpu.memory_space<hbm>>) target(%arg20 : memref<4000xi32, #tpu.memory_space<vmem>>) target_semaphore(%run_scoped3A_84 : memref<!tpu.dma_semaphore, #tpu.memory_space<semaphore_mem>>)
      %dma_wait3A = tpu.memref_slice %arg2[%add3A_64] : memref<320000xi32, #tpu.memory_space<hbm>> -> memref<4000xi32, #tpu.memory_space<hbm>>
      %dma_wait3A_86 = tpu.memref_slice %arg2[%add3A_64] : memref<320000xi32, #tpu.memory_space<hbm>> -> memref<4000xi32, #tpu.memory_space<hbm>>
      tpu.wait_dma2 semaphore(%run_scoped3A_84 : memref<!tpu.dma_semaphore, #tpu.memory_space<semaphore_mem>>) src(%dma_wait3A_86 : memref<4000xi32, #tpu.memory_space<hbm>>) dst(%arg20 : memref<4000xi32, #tpu.memory_space<vmem>>)
      tpu.yield
    }) : () -> ()
    "tpu.region"() ({
      %run_scoped3A_84 = tpu.sem_alloc : memref<!tpu.dma_semaphore, #tpu.memory_space<semaphore_mem>>
      %dma_start3A = tpu.memref_slice %arg3[%add3A_64] : memref<320000xi32, #tpu.memory_space<hbm>> -> memref<4000xi32, #tpu.memory_space<hbm>>
      %dma_start3A_85 = tpu.memref_slice %arg3[%add3A_64] : memref<320000xi32, #tpu.memory_space<hbm>> -> memref<4000xi32, #tpu.memory_space<hbm>>
      tpu.enqueue_dma source(%dma_start3A_85 : memref<4000xi32, #tpu.memory_space<hbm>>) target(%arg21 : memref<4000xi32, #tpu.memory_space<vmem>>) target_semaphore(%run_scoped3A_84 : memref<!tpu.dma_semaphore, #tpu.memory_space<semaphore_mem>>)
      %dma_wait3A = tpu.memref_slice %arg3[%add3A_64] : memref<320000xi32, #tpu.memory_space<hbm>> -> memref<4000xi32, #tpu.memory_space<hbm>>
      %dma_wait3A_86 = tpu.memref_slice %arg3[%add3A_64] : memref<320000xi32, #tpu.memory_space<hbm>> -> memref<4000xi32, #tpu.memory_space<hbm>>
      tpu.wait_dma2 semaphore(%run_scoped3A_84 : memref<!tpu.dma_semaphore, #tpu.memory_space<semaphore_mem>>) src(%dma_wait3A_86 : memref<4000xi32, #tpu.memory_space<hbm>>) dst(%arg21 : memref<4000xi32, #tpu.memory_space<vmem>>)
      tpu.yield
    }) : () -> ()
    %parallel_loop3A_65 = arith.constant 0 : i32
    %parallel_loop3A_66 = arith.constant 250 : i32
    %parallel_loop3A_67 = arith.constant 1 : i32
    scf.for %parallel_loop3A_84 = %parallel_loop3A_65 to %parallel_loop3A_66 step %parallel_loop3A_67  : i32 {
      %parallel_loop3A_85 = arith.constant 16 : i32
      %parallel_loop3A_86 = arith.muli %parallel_loop3A_84, %parallel_loop3A_85 : i32
      %parallel_loop3A_87 = arith.index_cast %parallel_loop3A_86 : i32 to index
      %parallel_loop3A_88 = tpu.vector_load %arg20[%parallel_loop3A_87] {strides = array<i32>} : memref<4000xi32, #tpu.memory_space<vmem>>, vector<16xi32>,
      %parallel_loop3A_89 = arith.constant 16 : i32
      %parallel_loop3A_90 = arith.muli %parallel_loop3A_84, %parallel_loop3A_89 : i32
      %parallel_loop3A_91 = arith.index_cast %parallel_loop3A_90 : i32 to index
      %parallel_loop3A_92 = tpu.vector_load %arg21[%parallel_loop3A_91] {strides = array<i32>} : memref<4000xi32, #tpu.memory_space<vmem>>, vector<16xi32>,
      %parallel_loop3A_93 = tpu.vector_load_idx %arg11[%parallel_loop3A_88] : memref<10240xi32, #tpu.memory_space<vmem>>[vector<16xi32>], vector<16xi32>,
      %parallel_loop3A_94 = tpu.vector_load_idx %arg12[%parallel_loop3A_92] : memref<10240xi32, #tpu.memory_space<vmem>>[vector<16xi32>], vector<16xi32>,
      %parallel_loop3A_95 = arith.constant 32 : i32
      %parallel_loop3A_96 = vector.broadcast %parallel_loop3A_95 : i32 to vector<16xi32>
      %parallel_loop3A_97 = arith.muli %parallel_loop3A_92, %parallel_loop3A_96 : vector<16xi32>
      %parallel_loop3A_98 = arith.addi %parallel_loop3A_97, %parallel_loop3A_93 : vector<16xi32>
      %parallel_loop3A_99 = arith.constant 16 : i32
      %parallel_loop3A_100 = arith.muli %parallel_loop3A_84, %parallel_loop3A_99 : i32
      %parallel_loop3A_101 = arith.index_cast %parallel_loop3A_100 : i32 to index
      %parallel_loop3A_102 = tpu.vector_load %arg22[%parallel_loop3A_101] {strides = array<i32>} : memref<4000xi32, #tpu.memory_space<vmem>>, vector<16xi32>,
      tpu.vector_store %arg22[%parallel_loop3A_101], %parallel_loop3A_98 {strides = array<i32>} : memref<4000xi32, #tpu.memory_space<vmem>>, vector<16xi32>,
      %parallel_loop3A_103 = arith.constant 128 : i32
      %parallel_loop3A_104 = vector.broadcast %parallel_loop3A_103 : i32 to vector<16xi32>
      %parallel_loop3A_105 = arith.muli %parallel_loop3A_88, %parallel_loop3A_104 : vector<16xi32>
      %parallel_loop3A_106 = arith.addi %parallel_loop3A_105, %parallel_loop3A_94 : vector<16xi32>
      %parallel_loop3A_107 = arith.constant 16 : i32
      %parallel_loop3A_108 = arith.muli %parallel_loop3A_84, %parallel_loop3A_107 : i32
      %parallel_loop3A_109 = arith.index_cast %parallel_loop3A_108 : i32 to index
      %parallel_loop3A_110 = tpu.vector_load %arg23[%parallel_loop3A_109] {strides = array<i32>} : memref<4000xi32, #tpu.memory_space<vmem>>, vector<16xi32>,
      tpu.vector_store %arg23[%parallel_loop3A_109], %parallel_loop3A_106 {strides = array<i32>} : memref<4000xi32, #tpu.memory_space<vmem>>, vector<16xi32>,
    } {sc.loop_unroll_factor = 5 : i64, sc.parallel_access}
    "tpu.region"() ({
      %run_scoped3A_84 = tpu.sem_alloc : memref<!tpu.dma_semaphore, #tpu.memory_space<semaphore_mem>>
      %dma_start3A = tpu.memref_slice %arg9[%add3A_64] : memref<320000xi32, #tpu.memory_space<hbm>> -> memref<4000xi32, #tpu.memory_space<hbm>>
      %dma_start3A_85 = tpu.memref_slice %arg9[%add3A_64] : memref<320000xi32, #tpu.memory_space<hbm>> -> memref<4000xi32, #tpu.memory_space<hbm>>
      tpu.enqueue_dma source(%arg22 : memref<4000xi32, #tpu.memory_space<vmem>>) target(%dma_start3A_85 : memref<4000xi32, #tpu.memory_space<hbm>>) target_semaphore(%run_scoped3A_84 : memref<!tpu.dma_semaphore, #tpu.memory_space<semaphore_mem>>)
      %dma_wait3A = tpu.memref_slice %arg9[%add3A_64] : memref<320000xi32, #tpu.memory_space<hbm>> -> memref<4000xi32, #tpu.memory_space<hbm>>
      %dma_wait3A_86 = tpu.memref_slice %arg9[%add3A_64] : memref<320000xi32, #tpu.memory_space<hbm>> -> memref<4000xi32, #tpu.memory_space<hbm>>
      tpu.wait_dma2 semaphore(%run_scoped3A_84 : memref<!tpu.dma_semaphore, #tpu.memory_space<semaphore_mem>>) src(%arg22 : memref<4000xi32, #tpu.memory_space<vmem>>) dst(%dma_wait3A_86 : memref<4000xi32, #tpu.memory_space<hbm>>)
      tpu.yield
    }) : () -> ()
    "tpu.region"() ({
      %run_scoped3A_84 = tpu.sem_alloc : memref<!tpu.dma_semaphore, #tpu.memory_space<semaphore_mem>>
      %dma_start3A = tpu.memref_slice %arg10[%add3A_64] : memref<320000xi32, #tpu.memory_space<hbm>> -> memref<4000xi32, #tpu.memory_space<hbm>>
      %dma_start3A_85 = tpu.memref_slice %arg10[%add3A_64] : memref<320000xi32, #tpu.memory_space<hbm>> -> memref<4000xi32, #tpu.memory_space<hbm>>
      tpu.enqueue_dma source(%arg23 : memref<4000xi32, #tpu.memory_space<vmem>>) target(%dma_start3A_85 : memref<4000xi32, #tpu.memory_space<hbm>>) target_semaphore(%run_scoped3A_84 : memref<!tpu.dma_semaphore, #tpu.memory_space<semaphore_mem>>)
      %dma_wait3A = tpu.memref_slice %arg10[%add3A_64] : memref<320000xi32, #tpu.memory_space<hbm>> -> memref<4000xi32, #tpu.memory_space<hbm>>
      %dma_wait3A_86 = tpu.memref_slice %arg10[%add3A_64] : memref<320000xi32, #tpu.memory_space<hbm>> -> memref<4000xi32, #tpu.memory_space<hbm>>
      tpu.wait_dma2 semaphore(%run_scoped3A_84 : memref<!tpu.dma_semaphore, #tpu.memory_space<semaphore_mem>>) src(%arg23 : memref<4000xi32, #tpu.memory_space<vmem>>) dst(%dma_wait3A_86 : memref<4000xi32, #tpu.memory_space<hbm>>)
      tpu.yield
    }) : () -> ()
    %add3A_68 = arith.constant 12000 : i32
    %add3A_69 = arith.addi %mul3A_52, %add3A_68 : i32
    "tpu.region"() ({
      %run_scoped3A_84 = tpu.sem_alloc : memref<!tpu.dma_semaphore, #tpu.memory_space<semaphore_mem>>
      %dma_start3A = tpu.memref_slice %arg2[%add3A_69] : memref<320000xi32, #tpu.memory_space<hbm>> -> memref<4000xi32, #tpu.memory_space<hbm>>
      %dma_start3A_85 = tpu.memref_slice %arg2[%add3A_69] : memref<320000xi32, #tpu.memory_space<hbm>> -> memref<4000xi32, #tpu.memory_space<hbm>>
      tpu.enqueue_dma source(%dma_start3A_85 : memref<4000xi32, #tpu.memory_space<hbm>>) target(%arg20 : memref<4000xi32, #tpu.memory_space<vmem>>) target_semaphore(%run_scoped3A_84 : memref<!tpu.dma_semaphore, #tpu.memory_space<semaphore_mem>>)
      %dma_wait3A = tpu.memref_slice %arg2[%add3A_69] : memref<320000xi32, #tpu.memory_space<hbm>> -> memref<4000xi32, #tpu.memory_space<hbm>>
      %dma_wait3A_86 = tpu.memref_slice %arg2[%add3A_69] : memref<320000xi32, #tpu.memory_space<hbm>> -> memref<4000xi32, #tpu.memory_space<hbm>>
      tpu.wait_dma2 semaphore(%run_scoped3A_84 : memref<!tpu.dma_semaphore, #tpu.memory_space<semaphore_mem>>) src(%dma_wait3A_86 : memref<4000xi32, #tpu.memory_space<hbm>>) dst(%arg20 : memref<4000xi32, #tpu.memory_space<vmem>>)
      tpu.yield
    }) : () -> ()
    "tpu.region"() ({
      %run_scoped3A_84 = tpu.sem_alloc : memref<!tpu.dma_semaphore, #tpu.memory_space<semaphore_mem>>
      %dma_start3A = tpu.memref_slice %arg3[%add3A_69] : memref<320000xi32, #tpu.memory_space<hbm>> -> memref<4000xi32, #tpu.memory_space<hbm>>
      %dma_start3A_85 = tpu.memref_slice %arg3[%add3A_69] : memref<320000xi32, #tpu.memory_space<hbm>> -> memref<4000xi32, #tpu.memory_space<hbm>>
      tpu.enqueue_dma source(%dma_start3A_85 : memref<4000xi32, #tpu.memory_space<hbm>>) target(%arg21 : memref<4000xi32, #tpu.memory_space<vmem>>) target_semaphore(%run_scoped3A_84 : memref<!tpu.dma_semaphore, #tpu.memory_space<semaphore_mem>>)
      %dma_wait3A = tpu.memref_slice %arg3[%add3A_69] : memref<320000xi32, #tpu.memory_space<hbm>> -> memref<4000xi32, #tpu.memory_space<hbm>>
      %dma_wait3A_86 = tpu.memref_slice %arg3[%add3A_69] : memref<320000xi32, #tpu.memory_space<hbm>> -> memref<4000xi32, #tpu.memory_space<hbm>>
      tpu.wait_dma2 semaphore(%run_scoped3A_84 : memref<!tpu.dma_semaphore, #tpu.memory_space<semaphore_mem>>) src(%dma_wait3A_86 : memref<4000xi32, #tpu.memory_space<hbm>>) dst(%arg21 : memref<4000xi32, #tpu.memory_space<vmem>>)
      tpu.yield
    }) : () -> ()
    %parallel_loop3A_70 = arith.constant 0 : i32
    %parallel_loop3A_71 = arith.constant 250 : i32
    %parallel_loop3A_72 = arith.constant 1 : i32
    scf.for %parallel_loop3A_84 = %parallel_loop3A_70 to %parallel_loop3A_71 step %parallel_loop3A_72  : i32 {
      %parallel_loop3A_85 = arith.constant 16 : i32
      %parallel_loop3A_86 = arith.muli %parallel_loop3A_84, %parallel_loop3A_85 : i32
      %parallel_loop3A_87 = arith.index_cast %parallel_loop3A_86 : i32 to index
      %parallel_loop3A_88 = tpu.vector_load %arg20[%parallel_loop3A_87] {strides = array<i32>} : memref<4000xi32, #tpu.memory_space<vmem>>, vector<16xi32>,
      %parallel_loop3A_89 = arith.constant 16 : i32
      %parallel_loop3A_90 = arith.muli %parallel_loop3A_84, %parallel_loop3A_89 : i32
      %parallel_loop3A_91 = arith.index_cast %parallel_loop3A_90 : i32 to index
      %parallel_loop3A_92 = tpu.vector_load %arg21[%parallel_loop3A_91] {strides = array<i32>} : memref<4000xi32, #tpu.memory_space<vmem>>, vector<16xi32>,
      %parallel_loop3A_93 = tpu.vector_load_idx %arg11[%parallel_loop3A_88] : memref<10240xi32, #tpu.memory_space<vmem>>[vector<16xi32>], vector<16xi32>,
      %parallel_loop3A_94 = tpu.vector_load_idx %arg12[%parallel_loop3A_92] : memref<10240xi32, #tpu.memory_space<vmem>>[vector<16xi32>], vector<16xi32>,
      %parallel_loop3A_95 = arith.constant 32 : i32
      %parallel_loop3A_96 = vector.broadcast %parallel_loop3A_95 : i32 to vector<16xi32>
      %parallel_loop3A_97 = arith.muli %parallel_loop3A_92, %parallel_loop3A_96 : vector<16xi32>
      %parallel_loop3A_98 = arith.addi %parallel_loop3A_97, %parallel_loop3A_93 : vector<16xi32>
      %parallel_loop3A_99 = arith.constant 16 : i32
      %parallel_loop3A_100 = arith.muli %parallel_loop3A_84, %parallel_loop3A_99 : i32
      %parallel_loop3A_101 = arith.index_cast %parallel_loop3A_100 : i32 to index
      %parallel_loop3A_102 = tpu.vector_load %arg22[%parallel_loop3A_101] {strides = array<i32>} : memref<4000xi32, #tpu.memory_space<vmem>>, vector<16xi32>,
      tpu.vector_store %arg22[%parallel_loop3A_101], %parallel_loop3A_98 {strides = array<i32>} : memref<4000xi32, #tpu.memory_space<vmem>>, vector<16xi32>,
      %parallel_loop3A_103 = arith.constant 128 : i32
      %parallel_loop3A_104 = vector.broadcast %parallel_loop3A_103 : i32 to vector<16xi32>
      %parallel_loop3A_105 = arith.muli %parallel_loop3A_88, %parallel_loop3A_104 : vector<16xi32>
      %parallel_loop3A_106 = arith.addi %parallel_loop3A_105, %parallel_loop3A_94 : vector<16xi32>
      %parallel_loop3A_107 = arith.constant 16 : i32
      %parallel_loop3A_108 = arith.muli %parallel_loop3A_84, %parallel_loop3A_107 : i32
      %parallel_loop3A_109 = arith.index_cast %parallel_loop3A_108 : i32 to index
      %parallel_loop3A_110 = tpu.vector_load %arg23[%parallel_loop3A_109] {strides = array<i32>} : memref<4000xi32, #tpu.memory_space<vmem>>, vector<16xi32>,
      tpu.vector_store %arg23[%parallel_loop3A_109], %parallel_loop3A_106 {strides = array<i32>} : memref<4000xi32, #tpu.memory_space<vmem>>, vector<16xi32>,
    } {sc.loop_unroll_factor = 5 : i64, sc.parallel_access}
    "tpu.region"() ({
      %run_scoped3A_84 = tpu.sem_alloc : memref<!tpu.dma_semaphore, #tpu.memory_space<semaphore_mem>>
      %dma_start3A = tpu.memref_slice %arg9[%add3A_69] : memref<320000xi32, #tpu.memory_space<hbm>> -> memref<4000xi32, #tpu.memory_space<hbm>>
      %dma_start3A_85 = tpu.memref_slice %arg9[%add3A_69] : memref<320000xi32, #tpu.memory_space<hbm>> -> memref<4000xi32, #tpu.memory_space<hbm>>
      tpu.enqueue_dma source(%arg22 : memref<4000xi32, #tpu.memory_space<vmem>>) target(%dma_start3A_85 : memref<4000xi32, #tpu.memory_space<hbm>>) target_semaphore(%run_scoped3A_84 : memref<!tpu.dma_semaphore, #tpu.memory_space<semaphore_mem>>)
      %dma_wait3A = tpu.memref_slice %arg9[%add3A_69] : memref<320000xi32, #tpu.memory_space<hbm>> -> memref<4000xi32, #tpu.memory_space<hbm>>
      %dma_wait3A_86 = tpu.memref_slice %arg9[%add3A_69] : memref<320000xi32, #tpu.memory_space<hbm>> -> memref<4000xi32, #tpu.memory_space<hbm>>
      tpu.wait_dma2 semaphore(%run_scoped3A_84 : memref<!tpu.dma_semaphore, #tpu.memory_space<semaphore_mem>>) src(%arg22 : memref<4000xi32, #tpu.memory_space<vmem>>) dst(%dma_wait3A_86 : memref<4000xi32, #tpu.memory_space<hbm>>)
      tpu.yield
    }) : () -> ()
    "tpu.region"() ({
      %run_scoped3A_84 = tpu.sem_alloc : memref<!tpu.dma_semaphore, #tpu.memory_space<semaphore_mem>>
      %dma_start3A = tpu.memref_slice %arg10[%add3A_69] : memref<320000xi32, #tpu.memory_space<hbm>> -> memref<4000xi32, #tpu.memory_space<hbm>>
      %dma_start3A_85 = tpu.memref_slice %arg10[%add3A_69] : memref<320000xi32, #tpu.memory_space<hbm>> -> memref<4000xi32, #tpu.memory_space<hbm>>
      tpu.enqueue_dma source(%arg23 : memref<4000xi32, #tpu.memory_space<vmem>>) target(%dma_start3A_85 : memref<4000xi32, #tpu.memory_space<hbm>>) target_semaphore(%run_scoped3A_84 : memref<!tpu.dma_semaphore, #tpu.memory_space<semaphore_mem>>)
      %dma_wait3A = tpu.memref_slice %arg10[%add3A_69] : memref<320000xi32, #tpu.memory_space<hbm>> -> memref<4000xi32, #tpu.memory_space<hbm>>
      %dma_wait3A_86 = tpu.memref_slice %arg10[%add3A_69] : memref<320000xi32, #tpu.memory_space<hbm>> -> memref<4000xi32, #tpu.memory_space<hbm>>
      tpu.wait_dma2 semaphore(%run_scoped3A_84 : memref<!tpu.dma_semaphore, #tpu.memory_space<semaphore_mem>>) src(%arg23 : memref<4000xi32, #tpu.memory_space<vmem>>) dst(%dma_wait3A_86 : memref<4000xi32, #tpu.memory_space<hbm>>)
      tpu.yield
    }) : () -> ()
    %add3A_73 = arith.constant 16000 : i32
    %add3A_74 = arith.addi %mul3A_52, %add3A_73 : i32
    "tpu.region"() ({
      %run_scoped3A_84 = tpu.sem_alloc : memref<!tpu.dma_semaphore, #tpu.memory_space<semaphore_mem>>
      %dma_start3A = tpu.memref_slice %arg2[%add3A_74] : memref<320000xi32, #tpu.memory_space<hbm>> -> memref<4000xi32, #tpu.memory_space<hbm>>
      %dma_start3A_85 = tpu.memref_slice %arg2[%add3A_74] : memref<320000xi32, #tpu.memory_space<hbm>> -> memref<4000xi32, #tpu.memory_space<hbm>>
      tpu.enqueue_dma source(%dma_start3A_85 : memref<4000xi32, #tpu.memory_space<hbm>>) target(%arg20 : memref<4000xi32, #tpu.memory_space<vmem>>) target_semaphore(%run_scoped3A_84 : memref<!tpu.dma_semaphore, #tpu.memory_space<semaphore_mem>>)
      %dma_wait3A = tpu.memref_slice %arg2[%add3A_74] : memref<320000xi32, #tpu.memory_space<hbm>> -> memref<4000xi32, #tpu.memory_space<hbm>>
      %dma_wait3A_86 = tpu.memref_slice %arg2[%add3A_74] : memref<320000xi32, #tpu.memory_space<hbm>> -> memref<4000xi32, #tpu.memory_space<hbm>>
      tpu.wait_dma2 semaphore(%run_scoped3A_84 : memref<!tpu.dma_semaphore, #tpu.memory_space<semaphore_mem>>) src(%dma_wait3A_86 : memref<4000xi32, #tpu.memory_space<hbm>>) dst(%arg20 : memref<4000xi32, #tpu.memory_space<vmem>>)
      tpu.yield
    }) : () -> ()
    "tpu.region"() ({
      %run_scoped3A_84 = tpu.sem_alloc : memref<!tpu.dma_semaphore, #tpu.memory_space<semaphore_mem>>
      %dma_start3A = tpu.memref_slice %arg3[%add3A_74] : memref<320000xi32, #tpu.memory_space<hbm>> -> memref<4000xi32, #tpu.memory_space<hbm>>
      %dma_start3A_85 = tpu.memref_slice %arg3[%add3A_74] : memref<320000xi32, #tpu.memory_space<hbm>> -> memref<4000xi32, #tpu.memory_space<hbm>>
      tpu.enqueue_dma source(%dma_start3A_85 : memref<4000xi32, #tpu.memory_space<hbm>>) target(%arg21 : memref<4000xi32, #tpu.memory_space<vmem>>) target_semaphore(%run_scoped3A_84 : memref<!tpu.dma_semaphore, #tpu.memory_space<semaphore_mem>>)
      %dma_wait3A = tpu.memref_slice %arg3[%add3A_74] : memref<320000xi32, #tpu.memory_space<hbm>> -> memref<4000xi32, #tpu.memory_space<hbm>>
      %dma_wait3A_86 = tpu.memref_slice %arg3[%add3A_74] : memref<320000xi32, #tpu.memory_space<hbm>> -> memref<4000xi32, #tpu.memory_space<hbm>>
      tpu.wait_dma2 semaphore(%run_scoped3A_84 : memref<!tpu.dma_semaphore, #tpu.memory_space<semaphore_mem>>) src(%dma_wait3A_86 : memref<4000xi32, #tpu.memory_space<hbm>>) dst(%arg21 : memref<4000xi32, #tpu.memory_space<vmem>>)
      tpu.yield
    }) : () -> ()
    %parallel_loop3A_75 = arith.constant 0 : i32
    %parallel_loop3A_76 = arith.constant 250 : i32
    %parallel_loop3A_77 = arith.constant 1 : i32
    scf.for %parallel_loop3A_84 = %parallel_loop3A_75 to %parallel_loop3A_76 step %parallel_loop3A_77  : i32 {
      %parallel_loop3A_85 = arith.constant 16 : i32
      %parallel_loop3A_86 = arith.muli %parallel_loop3A_84, %parallel_loop3A_85 : i32
      %parallel_loop3A_87 = arith.index_cast %parallel_loop3A_86 : i32 to index
      %parallel_loop3A_88 = tpu.vector_load %arg20[%parallel_loop3A_87] {strides = array<i32>} : memref<4000xi32, #tpu.memory_space<vmem>>, vector<16xi32>,
      %parallel_loop3A_89 = arith.constant 16 : i32
      %parallel_loop3A_90 = arith.muli %parallel_loop3A_84, %parallel_loop3A_89 : i32
      %parallel_loop3A_91 = arith.index_cast %parallel_loop3A_90 : i32 to index
      %parallel_loop3A_92 = tpu.vector_load %arg21[%parallel_loop3A_91] {strides = array<i32>} : memref<4000xi32, #tpu.memory_space<vmem>>, vector<16xi32>,
      %parallel_loop3A_93 = tpu.vector_load_idx %arg11[%parallel_loop3A_88] : memref<10240xi32, #tpu.memory_space<vmem>>[vector<16xi32>], vector<16xi32>,
      %parallel_loop3A_94 = tpu.vector_load_idx %arg12[%parallel_loop3A_92] : memref<10240xi32, #tpu.memory_space<vmem>>[vector<16xi32>], vector<16xi32>,
      %parallel_loop3A_95 = arith.constant 32 : i32
      %parallel_loop3A_96 = vector.broadcast %parallel_loop3A_95 : i32 to vector<16xi32>
      %parallel_loop3A_97 = arith.muli %parallel_loop3A_92, %parallel_loop3A_96 : vector<16xi32>
      %parallel_loop3A_98 = arith.addi %parallel_loop3A_97, %parallel_loop3A_93 : vector<16xi32>
      %parallel_loop3A_99 = arith.constant 16 : i32
      %parallel_loop3A_100 = arith.muli %parallel_loop3A_84, %parallel_loop3A_99 : i32
      %parallel_loop3A_101 = arith.index_cast %parallel_loop3A_100 : i32 to index
      %parallel_loop3A_102 = tpu.vector_load %arg22[%parallel_loop3A_101] {strides = array<i32>} : memref<4000xi32, #tpu.memory_space<vmem>>, vector<16xi32>,
      tpu.vector_store %arg22[%parallel_loop3A_101], %parallel_loop3A_98 {strides = array<i32>} : memref<4000xi32, #tpu.memory_space<vmem>>, vector<16xi32>,
      %parallel_loop3A_103 = arith.constant 128 : i32
      %parallel_loop3A_104 = vector.broadcast %parallel_loop3A_103 : i32 to vector<16xi32>
      %parallel_loop3A_105 = arith.muli %parallel_loop3A_88, %parallel_loop3A_104 : vector<16xi32>
      %parallel_loop3A_106 = arith.addi %parallel_loop3A_105, %parallel_loop3A_94 : vector<16xi32>
      %parallel_loop3A_107 = arith.constant 16 : i32
      %parallel_loop3A_108 = arith.muli %parallel_loop3A_84, %parallel_loop3A_107 : i32
      %parallel_loop3A_109 = arith.index_cast %parallel_loop3A_108 : i32 to index
      %parallel_loop3A_110 = tpu.vector_load %arg23[%parallel_loop3A_109] {strides = array<i32>} : memref<4000xi32, #tpu.memory_space<vmem>>, vector<16xi32>,
      tpu.vector_store %arg23[%parallel_loop3A_109], %parallel_loop3A_106 {strides = array<i32>} : memref<4000xi32, #tpu.memory_space<vmem>>, vector<16xi32>,
    } {sc.loop_unroll_factor = 5 : i64, sc.parallel_access}
    "tpu.region"() ({
      %run_scoped3A_84 = tpu.sem_alloc : memref<!tpu.dma_semaphore, #tpu.memory_space<semaphore_mem>>
      %dma_start3A = tpu.memref_slice %arg9[%add3A_74] : memref<320000xi32, #tpu.memory_space<hbm>> -> memref<4000xi32, #tpu.memory_space<hbm>>
      %dma_start3A_85 = tpu.memref_slice %arg9[%add3A_74] : memref<320000xi32, #tpu.memory_space<hbm>> -> memref<4000xi32, #tpu.memory_space<hbm>>
      tpu.enqueue_dma source(%arg22 : memref<4000xi32, #tpu.memory_space<vmem>>) target(%dma_start3A_85 : memref<4000xi32, #tpu.memory_space<hbm>>) target_semaphore(%run_scoped3A_84 : memref<!tpu.dma_semaphore, #tpu.memory_space<semaphore_mem>>)
      %dma_wait3A = tpu.memref_slice %arg9[%add3A_74] : memref<320000xi32, #tpu.memory_space<hbm>> -> memref<4000xi32, #tpu.memory_space<hbm>>
      %dma_wait3A_86 = tpu.memref_slice %arg9[%add3A_74] : memref<320000xi32, #tpu.memory_space<hbm>> -> memref<4000xi32, #tpu.memory_space<hbm>>
      tpu.wait_dma2 semaphore(%run_scoped3A_84 : memref<!tpu.dma_semaphore, #tpu.memory_space<semaphore_mem>>) src(%arg22 : memref<4000xi32, #tpu.memory_space<vmem>>) dst(%dma_wait3A_86 : memref<4000xi32, #tpu.memory_space<hbm>>)
      tpu.yield
    }) : () -> ()
    "tpu.region"() ({
      %run_scoped3A_84 = tpu.sem_alloc : memref<!tpu.dma_semaphore, #tpu.memory_space<semaphore_mem>>
      %dma_start3A = tpu.memref_slice %arg10[%add3A_74] : memref<320000xi32, #tpu.memory_space<hbm>> -> memref<4000xi32, #tpu.memory_space<hbm>>
      %dma_start3A_85 = tpu.memref_slice %arg10[%add3A_74] : memref<320000xi32, #tpu.memory_space<hbm>> -> memref<4000xi32, #tpu.memory_space<hbm>>
      tpu.enqueue_dma source(%arg23 : memref<4000xi32, #tpu.memory_space<vmem>>) target(%dma_start3A_85 : memref<4000xi32, #tpu.memory_space<hbm>>) target_semaphore(%run_scoped3A_84 : memref<!tpu.dma_semaphore, #tpu.memory_space<semaphore_mem>>)
      %dma_wait3A = tpu.memref_slice %arg10[%add3A_74] : memref<320000xi32, #tpu.memory_space<hbm>> -> memref<4000xi32, #tpu.memory_space<hbm>>
      %dma_wait3A_86 = tpu.memref_slice %arg10[%add3A_74] : memref<320000xi32, #tpu.memory_space<hbm>> -> memref<4000xi32, #tpu.memory_space<hbm>>
      tpu.wait_dma2 semaphore(%run_scoped3A_84 : memref<!tpu.dma_semaphore, #tpu.memory_space<semaphore_mem>>) src(%arg23 : memref<4000xi32, #tpu.memory_space<vmem>>) dst(%dma_wait3A_86 : memref<4000xi32, #tpu.memory_space<hbm>>)
      tpu.yield
    }) : () -> ()
    %barrier3A = arith.constant 0 : index
    tpu.barrier barrier_id(%barrier3A)
    %broadcast_in_dim3A_78 = arith.constant 1.000000e+00 : f32
    %broadcast_in_dim3A_79 = vector.broadcast %broadcast_in_dim3A_78 : f32 to vector<16xf32>
    %lt3A = arith.constant 26 : i32
    %lt3A_80 = arith.cmpi slt, %add3A, %lt3A : i32
    %convert_element_type3A = arith.extui %lt3A_80 : i1 to i32
    %cond3A = arith.constant 0 : i32
    %cond3A_81 = arith.cmpi ne, %convert_element_type3A, %cond3A : i32
    scf.if %cond3A_81 {
      %iota3A = tpu.iota {dimensions = array<i32: 0>} : vector<16xi32>
      %mul3A_84 = arith.constant 65 : i32
      %mul3A_85 = vector.broadcast %mul3A_84 : i32 to vector<16xi32>
      %mul3A_86 = arith.muli %iota3A, %mul3A_85 : vector<16xi32>
      %parallel_loop3A_87 = arith.constant 0 : i32
      %parallel_loop3A_88 = arith.constant 65 : i32
      %parallel_loop3A_89 = arith.constant 1 : i32
      scf.for %parallel_loop3A_719 = %parallel_loop3A_87 to %parallel_loop3A_88 step %parallel_loop3A_89  : i32 {
        %parallel_loop3A_720 = arith.constant 16 : i32
        %parallel_loop3A_721 = arith.muli %parallel_loop3A_719, %parallel_loop3A_720 : i32
        %parallel_loop3A_722 = arith.index_cast %parallel_loop3A_721 : i32 to index
        %parallel_loop3A_723 = tpu.vector_load %arg17[%parallel_loop3A_722] {strides = array<i32>} : memref<1040xf32, #tpu.memory_space<vmem>>, vector<16xf32>,
        tpu.vector_store %arg17[%parallel_loop3A_722], %broadcast_in_dim3A_1 {strides = array<i32>} : memref<1040xf32, #tpu.memory_space<vmem>>, vector<16xf32>,
        %parallel_loop3A_724 = arith.constant 16 : i32
        %parallel_loop3A_725 = arith.muli %parallel_loop3A_719, %parallel_loop3A_724 : i32
        %parallel_loop3A_726 = arith.index_cast %parallel_loop3A_725 : i32 to index
        %parallel_loop3A_727 = tpu.vector_load %arg18[%parallel_loop3A_726] {strides = array<i32>} : memref<1040xf32, #tpu.memory_space<vmem>>, vector<16xf32>,
        tpu.vector_store %arg18[%parallel_loop3A_726], %broadcast_in_dim3A_1 {strides = array<i32>} : memref<1040xf32, #tpu.memory_space<vmem>>, vector<16xf32>,
        %parallel_loop3A_728 = arith.constant 16 : i32
        %parallel_loop3A_729 = arith.muli %parallel_loop3A_719, %parallel_loop3A_728 : i32
        %parallel_loop3A_730 = arith.index_cast %parallel_loop3A_729 : i32 to index
        %parallel_loop3A_731 = tpu.vector_load %arg19[%parallel_loop3A_730] {strides = array<i32>} : memref<1040xf32, #tpu.memory_space<vmem>>, vector<16xf32>,
        tpu.vector_store %arg19[%parallel_loop3A_730], %broadcast_in_dim3A_1 {strides = array<i32>} : memref<1040xf32, #tpu.memory_space<vmem>>, vector<16xf32>,
      } {sc.loop_unroll_factor = 8 : i64, sc.parallel_access}
      %dma_start3A = arith.constant 0 : i32
      %dma_start3A_90 = tpu.memref_slice %arg9[%dma_start3A] : memref<320000xi32, #tpu.memory_space<hbm>> -> memref<8000xi32, #tpu.memory_space<hbm>>
      %dma_start3A_91 = arith.constant 0 : i32
      %dma_start3A_92 = tpu.memref_slice %arg9[%dma_start3A_91] : memref<320000xi32, #tpu.memory_space<hbm>> -> memref<8000xi32, #tpu.memory_space<hbm>>
      tpu.enqueue_dma source(%dma_start3A_92 : memref<8000xi32, #tpu.memory_space<hbm>>) target(%arg24 : memref<8000xi32, #tpu.memory_space<vmem>>) target_semaphore(%arg26 : memref<!tpu.dma_semaphore, #tpu.memory_space<semaphore_mem>>)
      %scan3A = arith.constant 0 : i32
      %scan3A_93 = arith.constant 0 : i32
      %scan3A_94 = arith.constant 20 : i32
      %scan3A_95 = arith.addi %scan3A_93, %scan3A_94 : i32
      %scan3A_96 = arith.constant 1 : i32
      %scan3A_97 = scf.for %scan3A_719 = %scan3A_93 to %scan3A_95 step %scan3A_96 iter_args(%scan3A_720 = %scan3A) -> (i32)  : i32 {
        %mul3A_721 = arith.constant 2 : i32
        %mul3A_722 = arith.muli %scan3A_719, %mul3A_721 : i32
        %dma_wait3A_723 = arith.constant 0 : i32
        %dma_wait3A_724 = tpu.memref_slice %arg9[%dma_wait3A_723] : memref<320000xi32, #tpu.memory_space<hbm>> -> memref<8000xi32, #tpu.memory_space<hbm>>
        %dma_wait3A_725 = arith.constant 0 : i32
        %dma_wait3A_726 = tpu.memref_slice %arg9[%dma_wait3A_725] : memref<320000xi32, #tpu.memory_space<hbm>> -> memref<8000xi32, #tpu.memory_space<hbm>>
        tpu.wait_dma2 semaphore(%arg26 : memref<!tpu.dma_semaphore, #tpu.memory_space<semaphore_mem>>) src(%dma_wait3A_726 : memref<8000xi32, #tpu.memory_space<hbm>>) dst(%arg24 : memref<8000xi32, #tpu.memory_space<vmem>>)
        %add3A_727 = arith.constant 1 : i32
        %add3A_728 = arith.addi %mul3A_722, %add3A_727 : i32
        %mul3A_729 = arith.constant 8000 : i32
        %mul3A_730 = arith.muli %add3A_728, %mul3A_729 : i32
        %multiple_of3A = tpu.assume_multiple %mul3A_730, 8 : i32
        %dma_start3A_731 = tpu.memref_slice %arg9[%multiple_of3A] : memref<320000xi32, #tpu.memory_space<hbm>> -> memref<8000xi32, #tpu.memory_space<hbm>>
        %dma_start3A_732 = tpu.memref_slice %arg9[%multiple_of3A] : memref<320000xi32, #tpu.memory_space<hbm>> -> memref<8000xi32, #tpu.memory_space<hbm>>
        tpu.enqueue_dma source(%dma_start3A_732 : memref<8000xi32, #tpu.memory_space<hbm>>) target(%arg25 : memref<8000xi32, #tpu.memory_space<vmem>>) target_semaphore(%arg27 : memref<!tpu.dma_semaphore, #tpu.memory_space<semaphore_mem>>)
        %parallel_loop3A_733 = arith.constant 0 : i32
        %parallel_loop3A_734 = arith.constant 500 : i32
        %parallel_loop3A_735 = arith.constant 1 : i32
        scf.for %parallel_loop3A_752 = %parallel_loop3A_733 to %parallel_loop3A_734 step %parallel_loop3A_735  : i32 {
          %parallel_loop3A_753 = arith.constant 16 : i32
          %parallel_loop3A_754 = arith.muli %parallel_loop3A_752, %parallel_loop3A_753 : i32
          %parallel_loop3A_755 = arith.index_cast %parallel_loop3A_754 : i32 to index
          %parallel_loop3A_756 = tpu.vector_load %arg24[%parallel_loop3A_755] {strides = array<i32>} : memref<8000xi32, #tpu.memory_space<vmem>>, vector<16xi32>,
          %parallel_loop3A_757 = arith.constant 5 : i32
          %parallel_loop3A_758 = vector.broadcast %parallel_loop3A_757 : i32 to vector<16xi32>
          %parallel_loop3A_759 = arith.shrui %parallel_loop3A_756, %parallel_loop3A_758 : vector<16xi32>
          %parallel_loop3A_760 = arith.constant 31 : i32
          %parallel_loop3A_761 = vector.broadcast %parallel_loop3A_760 : i32 to vector<16xi32>
          %parallel_loop3A_762 = arith.andi %parallel_loop3A_756, %parallel_loop3A_761 : vector<16xi32>
          %parallel_loop3A_763 = vector.broadcast %add3A : i32 to vector<16xi32>
          %parallel_loop3A_764 = arith.cmpi eq, %parallel_loop3A_762, %parallel_loop3A_763 : vector<16xi32>
          tpu.vector_store_idx %arg13[%parallel_loop3A_759], %broadcast_in_dim3A_79 masked %parallel_loop3A_764 {add = true} : memref<10240xf32, #tpu.memory_space<vmem>>[vector<16xi32>], vector<16xf32>, vector<16xi1>
        } {sc.loop_unroll_factor = 16 : i64, sc.parallel_access}
        %dma_wait3A_736 = arith.constant 0 : i32
        %dma_wait3A_737 = tpu.memref_slice %arg9[%dma_wait3A_736] : memref<320000xi32, #tpu.memory_space<hbm>> -> memref<8000xi32, #tpu.memory_space<hbm>>
        %dma_wait3A_738 = arith.constant 0 : i32
        %dma_wait3A_739 = tpu.memref_slice %arg9[%dma_wait3A_738] : memref<320000xi32, #tpu.memory_space<hbm>> -> memref<8000xi32, #tpu.memory_space<hbm>>
        tpu.wait_dma2 semaphore(%arg27 : memref<!tpu.dma_semaphore, #tpu.memory_space<semaphore_mem>>) src(%dma_wait3A_739 : memref<8000xi32, #tpu.memory_space<hbm>>) dst(%arg25 : memref<8000xi32, #tpu.memory_space<vmem>>)
        %add3A_740 = arith.constant 2 : i32
        %add3A_741 = arith.addi %mul3A_722, %add3A_740 : i32
        %min3A = arith.constant 39 : i32
        %min3A_742 = arith.minsi %add3A_741, %min3A : i32
        %mul3A_743 = arith.constant 8000 : i32
        %mul3A_744 = arith.muli %min3A_742, %mul3A_743 : i32
        %multiple_of3A_745 = tpu.assume_multiple %mul3A_744, 8 : i32
        %dma_start3A_746 = tpu.memref_slice %arg9[%multiple_of3A_745] : memref<320000xi32, #tpu.memory_space<hbm>> -> memref<8000xi32, #tpu.memory_space<hbm>>
        %dma_start3A_747 = tpu.memref_slice %arg9[%multiple_of3A_745] : memref<320000xi32, #tpu.memory_space<hbm>> -> memref<8000xi32, #tpu.memory_space<hbm>>
        tpu.enqueue_dma source(%dma_start3A_747 : memref<8000xi32, #tpu.memory_space<hbm>>) target(%arg24 : memref<8000xi32, #tpu.memory_space<vmem>>) target_semaphore(%arg26 : memref<!tpu.dma_semaphore, #tpu.memory_space<semaphore_mem>>)
        %parallel_loop3A_748 = arith.constant 0 : i32
        %parallel_loop3A_749 = arith.constant 500 : i32
        %parallel_loop3A_750 = arith.constant 1 : i32
        scf.for %parallel_loop3A_752 = %parallel_loop3A_748 to %parallel_loop3A_749 step %parallel_loop3A_750  : i32 {
          %parallel_loop3A_753 = arith.constant 16 : i32
          %parallel_loop3A_754 = arith.muli %parallel_loop3A_752, %parallel_loop3A_753 : i32
          %parallel_loop3A_755 = arith.index_cast %parallel_loop3A_754 : i32 to index
          %parallel_loop3A_756 = tpu.vector_load %arg25[%parallel_loop3A_755] {strides = array<i32>} : memref<8000xi32, #tpu.memory_space<vmem>>, vector<16xi32>,
          %parallel_loop3A_757 = arith.constant 5 : i32
          %parallel_loop3A_758 = vector.broadcast %parallel_loop3A_757 : i32 to vector<16xi32>
          %parallel_loop3A_759 = arith.shrui %parallel_loop3A_756, %parallel_loop3A_758 : vector<16xi32>
          %parallel_loop3A_760 = arith.constant 31 : i32
          %parallel_loop3A_761 = vector.broadcast %parallel_loop3A_760 : i32 to vector<16xi32>
          %parallel_loop3A_762 = arith.andi %parallel_loop3A_756, %parallel_loop3A_761 : vector<16xi32>
          %parallel_loop3A_763 = vector.broadcast %add3A : i32 to vector<16xi32>
          %parallel_loop3A_764 = arith.cmpi eq, %parallel_loop3A_762, %parallel_loop3A_763 : vector<16xi32>
          tpu.vector_store_idx %arg13[%parallel_loop3A_759], %broadcast_in_dim3A_79 masked %parallel_loop3A_764 {add = true} : memref<10240xf32, #tpu.memory_space<vmem>>[vector<16xi32>], vector<16xf32>, vector<16xi1>
        } {sc.loop_unroll_factor = 16 : i64, sc.parallel_access}
        %scan3A_751 = arith.constant 0 : i32
        scf.yield %scan3A_751 : i32
      }
      %scan3A_98 = arith.constant 20 : i32
      %dma_wait3A = arith.constant 0 : i32
      %dma_wait3A_99 = tpu.memref_slice %arg9[%dma_wait3A] : memref<320000xi32, #tpu.memory_space<hbm>> -> memref<8000xi32, #tpu.memory_space<hbm>>
      %dma_wait3A_100 = arith.constant 0 : i32
      %dma_wait3A_101 = tpu.memref_slice %arg9[%dma_wait3A_100] : memref<320000xi32, #tpu.memory_space<hbm>> -> memref<8000xi32, #tpu.memory_space<hbm>>
      tpu.wait_dma2 semaphore(%arg26 : memref<!tpu.dma_semaphore, #tpu.memory_space<semaphore_mem>>) src(%dma_wait3A_101 : memref<8000xi32, #tpu.memory_space<hbm>>) dst(%arg24 : memref<8000xi32, #tpu.memory_space<vmem>>)
      %parallel_loop3A_102 = arith.constant 0 : i32
      %parallel_loop3A_103 = arith.constant 625 : i32
      %parallel_loop3A_104 = arith.constant 1 : i32
      scf.for %parallel_loop3A_719 = %parallel_loop3A_102 to %parallel_loop3A_103 step %parallel_loop3A_104  : i32 {
        %parallel_loop3A_720 = arith.constant 16 : i32
        %parallel_loop3A_721 = arith.muli %parallel_loop3A_719, %parallel_loop3A_720 : i32
        %parallel_loop3A_722 = arith.index_cast %parallel_loop3A_721 : i32 to index
        %parallel_loop3A_723 = tpu.vector_load %arg13[%parallel_loop3A_722] {strides = array<i32>} : memref<10240xf32, #tpu.memory_space<vmem>>, vector<16xf32>,
        %parallel_loop3A_724 = arith.constant 16 : i32
        %parallel_loop3A_725 = arith.muli %parallel_loop3A_719, %parallel_loop3A_724 : i32
        %parallel_loop3A_726 = arith.index_cast %parallel_loop3A_725 : i32 to index
        %parallel_loop3A_727 = tpu.vector_load %arg12[%parallel_loop3A_726] {strides = array<i32>} : memref<10240xi32, #tpu.memory_space<vmem>>, vector<16xi32>,
        %parallel_loop3A_728 = arith.constant 16 : i32
        %parallel_loop3A_729 = arith.muli %parallel_loop3A_719, %parallel_loop3A_728 : i32
        %parallel_loop3A_730 = arith.index_cast %parallel_loop3A_729 : i32 to index
        %parallel_loop3A_731 = tpu.vector_load %arg11[%parallel_loop3A_730] {strides = array<i32>} : memref<10240xi32, #tpu.memory_space<vmem>>, vector<16xi32>,
        %parallel_loop3A_732 = arith.addi %mul3A_86, %parallel_loop3A_727 : vector<16xi32>
        tpu.vector_store_idx %arg18[%parallel_loop3A_732], %parallel_loop3A_723 {add = true} : memref<1040xf32, #tpu.memory_space<vmem>>[vector<16xi32>], vector<16xf32>,
        %parallel_loop3A_733 = vector.broadcast %add3A : i32 to vector<16xi32>
        %parallel_loop3A_734 = arith.cmpi eq, %parallel_loop3A_731, %parallel_loop3A_733 : vector<16xi32>
        tpu.vector_store_idx %arg19[%parallel_loop3A_732], %broadcast_in_dim3A_79 masked %parallel_loop3A_734 {add = true} : memref<1040xf32, #tpu.memory_space<vmem>>[vector<16xi32>], vector<16xf32>, vector<16xi1>
      } {sc.loop_unroll_factor = 5 : i64, sc.parallel_access}
      %dma_start3A_105 = arith.constant 0 : i32
      %dma_start3A_106 = tpu.memref_slice %arg10[%dma_start3A_105] : memref<320000xi32, #tpu.memory_space<hbm>> -> memref<8000xi32, #tpu.memory_space<hbm>>
      %dma_start3A_107 = arith.constant 0 : i32
      %dma_start3A_108 = tpu.memref_slice %arg10[%dma_start3A_107] : memref<320000xi32, #tpu.memory_space<hbm>> -> memref<8000xi32, #tpu.memory_space<hbm>>
      tpu.enqueue_dma source(%dma_start3A_108 : memref<8000xi32, #tpu.memory_space<hbm>>) target(%arg24 : memref<8000xi32, #tpu.memory_space<vmem>>) target_semaphore(%arg26 : memref<!tpu.dma_semaphore, #tpu.memory_space<semaphore_mem>>)
      %scan3A_109 = arith.constant 0 : i32
      %scan3A_110 = arith.constant 0 : i32
      %scan3A_111 = arith.constant 20 : i32
      %scan3A_112 = arith.addi %scan3A_110, %scan3A_111 : i32
      %scan3A_113 = arith.constant 1 : i32
      %scan3A_114 = scf.for %scan3A_719 = %scan3A_110 to %scan3A_112 step %scan3A_113 iter_args(%scan3A_720 = %scan3A_109) -> (i32)  : i32 {
        %mul3A_721 = arith.constant 2 : i32
        %mul3A_722 = arith.muli %scan3A_719, %mul3A_721 : i32
        %dma_wait3A_723 = arith.constant 0 : i32
        %dma_wait3A_724 = tpu.memref_slice %arg10[%dma_wait3A_723] : memref<320000xi32, #tpu.memory_space<hbm>> -> memref<8000xi32, #tpu.memory_space<hbm>>
        %dma_wait3A_725 = arith.constant 0 : i32
        %dma_wait3A_726 = tpu.memref_slice %arg10[%dma_wait3A_725] : memref<320000xi32, #tpu.memory_space<hbm>> -> memref<8000xi32, #tpu.memory_space<hbm>>
        tpu.wait_dma2 semaphore(%arg26 : memref<!tpu.dma_semaphore, #tpu.memory_space<semaphore_mem>>) src(%dma_wait3A_726 : memref<8000xi32, #tpu.memory_space<hbm>>) dst(%arg24 : memref<8000xi32, #tpu.memory_space<vmem>>)
        %add3A_727 = arith.constant 1 : i32
        %add3A_728 = arith.addi %mul3A_722, %add3A_727 : i32
        %mul3A_729 = arith.constant 8000 : i32
        %mul3A_730 = arith.muli %add3A_728, %mul3A_729 : i32
        %multiple_of3A = tpu.assume_multiple %mul3A_730, 8 : i32
        %dma_start3A_731 = tpu.memref_slice %arg10[%multiple_of3A] : memref<320000xi32, #tpu.memory_space<hbm>> -> memref<8000xi32, #tpu.memory_space<hbm>>
        %dma_start3A_732 = tpu.memref_slice %arg10[%multiple_of3A] : memref<320000xi32, #tpu.memory_space<hbm>> -> memref<8000xi32, #tpu.memory_space<hbm>>
        tpu.enqueue_dma source(%dma_start3A_732 : memref<8000xi32, #tpu.memory_space<hbm>>) target(%arg25 : memref<8000xi32, #tpu.memory_space<vmem>>) target_semaphore(%arg27 : memref<!tpu.dma_semaphore, #tpu.memory_space<semaphore_mem>>)
        %parallel_loop3A_733 = arith.constant 0 : i32
        %parallel_loop3A_734 = arith.constant 500 : i32
        %parallel_loop3A_735 = arith.constant 1 : i32
        scf.for %parallel_loop3A_752 = %parallel_loop3A_733 to %parallel_loop3A_734 step %parallel_loop3A_735  : i32 {
          %parallel_loop3A_753 = arith.constant 16 : i32
          %parallel_loop3A_754 = arith.muli %parallel_loop3A_752, %parallel_loop3A_753 : i32
          %parallel_loop3A_755 = arith.index_cast %parallel_loop3A_754 : i32 to index
          %parallel_loop3A_756 = tpu.vector_load %arg24[%parallel_loop3A_755] {strides = array<i32>} : memref<8000xi32, #tpu.memory_space<vmem>>, vector<16xi32>,
          %parallel_loop3A_757 = arith.constant 7 : i32
          %parallel_loop3A_758 = vector.broadcast %parallel_loop3A_757 : i32 to vector<16xi32>
          %parallel_loop3A_759 = arith.shrui %parallel_loop3A_756, %parallel_loop3A_758 : vector<16xi32>
          %parallel_loop3A_760 = arith.constant 127 : i32
          %parallel_loop3A_761 = vector.broadcast %parallel_loop3A_760 : i32 to vector<16xi32>
          %parallel_loop3A_762 = arith.andi %parallel_loop3A_756, %parallel_loop3A_761 : vector<16xi32>
          %parallel_loop3A_763 = tpu.vector_load_idx %arg13[%parallel_loop3A_759] : memref<10240xf32, #tpu.memory_space<vmem>>[vector<16xi32>], vector<16xf32>,
          %parallel_loop3A_764 = arith.addi %mul3A_86, %parallel_loop3A_762 : vector<16xi32>
          tpu.vector_store_idx %arg17[%parallel_loop3A_764], %parallel_loop3A_763 {add = true} : memref<1040xf32, #tpu.memory_space<vmem>>[vector<16xi32>], vector<16xf32>,
        } {sc.loop_unroll_factor = 16 : i64, sc.parallel_access}
        %dma_wait3A_736 = arith.constant 0 : i32
        %dma_wait3A_737 = tpu.memref_slice %arg10[%dma_wait3A_736] : memref<320000xi32, #tpu.memory_space<hbm>> -> memref<8000xi32, #tpu.memory_space<hbm>>
        %dma_wait3A_738 = arith.constant 0 : i32
        %dma_wait3A_739 = tpu.memref_slice %arg10[%dma_wait3A_738] : memref<320000xi32, #tpu.memory_space<hbm>> -> memref<8000xi32, #tpu.memory_space<hbm>>
        tpu.wait_dma2 semaphore(%arg27 : memref<!tpu.dma_semaphore, #tpu.memory_space<semaphore_mem>>) src(%dma_wait3A_739 : memref<8000xi32, #tpu.memory_space<hbm>>) dst(%arg25 : memref<8000xi32, #tpu.memory_space<vmem>>)
        %add3A_740 = arith.constant 2 : i32
        %add3A_741 = arith.addi %mul3A_722, %add3A_740 : i32
        %min3A = arith.constant 39 : i32
        %min3A_742 = arith.minsi %add3A_741, %min3A : i32
        %mul3A_743 = arith.constant 8000 : i32
        %mul3A_744 = arith.muli %min3A_742, %mul3A_743 : i32
        %multiple_of3A_745 = tpu.assume_multiple %mul3A_744, 8 : i32
        %dma_start3A_746 = tpu.memref_slice %arg10[%multiple_of3A_745] : memref<320000xi32, #tpu.memory_space<hbm>> -> memref<8000xi32, #tpu.memory_space<hbm>>
        %dma_start3A_747 = tpu.memref_slice %arg10[%multiple_of3A_745] : memref<320000xi32, #tpu.memory_space<hbm>> -> memref<8000xi32, #tpu.memory_space<hbm>>
        tpu.enqueue_dma source(%dma_start3A_747 : memref<8000xi32, #tpu.memory_space<hbm>>) target(%arg24 : memref<8000xi32, #tpu.memory_space<vmem>>) target_semaphore(%arg26 : memref<!tpu.dma_semaphore, #tpu.memory_space<semaphore_mem>>)
        %parallel_loop3A_748 = arith.constant 0 : i32
        %parallel_loop3A_749 = arith.constant 500 : i32
        %parallel_loop3A_750 = arith.constant 1 : i32
        scf.for %parallel_loop3A_752 = %parallel_loop3A_748 to %parallel_loop3A_749 step %parallel_loop3A_750  : i32 {
          %parallel_loop3A_753 = arith.constant 16 : i32
          %parallel_loop3A_754 = arith.muli %parallel_loop3A_752, %parallel_loop3A_753 : i32
          %parallel_loop3A_755 = arith.index_cast %parallel_loop3A_754 : i32 to index
          %parallel_loop3A_756 = tpu.vector_load %arg25[%parallel_loop3A_755] {strides = array<i32>} : memref<8000xi32, #tpu.memory_space<vmem>>, vector<16xi32>,
          %parallel_loop3A_757 = arith.constant 7 : i32
          %parallel_loop3A_758 = vector.broadcast %parallel_loop3A_757 : i32 to vector<16xi32>
          %parallel_loop3A_759 = arith.shrui %parallel_loop3A_756, %parallel_loop3A_758 : vector<16xi32>
          %parallel_loop3A_760 = arith.constant 127 : i32
          %parallel_loop3A_761 = vector.broadcast %parallel_loop3A_760 : i32 to vector<16xi32>
          %parallel_loop3A_762 = arith.andi %parallel_loop3A_756, %parallel_loop3A_761 : vector<16xi32>
          %parallel_loop3A_763 = tpu.vector_load_idx %arg13[%parallel_loop3A_759] : memref<10240xf32, #tpu.memory_space<vmem>>[vector<16xi32>], vector<16xf32>,
          %parallel_loop3A_764 = arith.addi %mul3A_86, %parallel_loop3A_762 : vector<16xi32>
          tpu.vector_store_idx %arg17[%parallel_loop3A_764], %parallel_loop3A_763 {add = true} : memref<1040xf32, #tpu.memory_space<vmem>>[vector<16xi32>], vector<16xf32>,
        } {sc.loop_unroll_factor = 16 : i64, sc.parallel_access}
        %scan3A_751 = arith.constant 0 : i32
        scf.yield %scan3A_751 : i32
      }
      %scan3A_115 = arith.constant 20 : i32
      %dma_wait3A_116 = arith.constant 0 : i32
      %dma_wait3A_117 = tpu.memref_slice %arg10[%dma_wait3A_116] : memref<320000xi32, #tpu.memory_space<hbm>> -> memref<8000xi32, #tpu.memory_space<hbm>>
      %dma_wait3A_118 = arith.constant 0 : i32
      %dma_wait3A_119 = tpu.memref_slice %arg10[%dma_wait3A_118] : memref<320000xi32, #tpu.memory_space<hbm>> -> memref<8000xi32, #tpu.memory_space<hbm>>
      tpu.wait_dma2 semaphore(%arg26 : memref<!tpu.dma_semaphore, #tpu.memory_space<semaphore_mem>>) src(%dma_wait3A_119 : memref<8000xi32, #tpu.memory_space<hbm>>) dst(%arg24 : memref<8000xi32, #tpu.memory_space<vmem>>)
      %get3A = arith.constant 0 : index
      %get3A_120 = tpu.vector_load %arg17[%get3A] {strides = array<i32>} : memref<1040xf32, #tpu.memory_space<vmem>>, vector<16xf32>,
      %add3A_121 = arith.addf %broadcast_in_dim3A_1, %get3A_120 : vector<16xf32>
      %get3A_122 = arith.constant 0 : index
      %get3A_123 = tpu.vector_load %arg18[%get3A_122] {strides = array<i32>} : memref<1040xf32, #tpu.memory_space<vmem>>, vector<16xf32>,
      %add3A_124 = arith.addf %broadcast_in_dim3A_1, %get3A_123 : vector<16xf32>
      %get3A_125 = arith.constant 0 : index
      %get3A_126 = tpu.vector_load %arg19[%get3A_125] {strides = array<i32>} : memref<1040xf32, #tpu.memory_space<vmem>>, vector<16xf32>,
      %add3A_127 = arith.addf %broadcast_in_dim3A_1, %get3A_126 : vector<16xf32>
      %get3A_128 = arith.constant 65 : index
      %get3A_129 = tpu.vector_load %arg17[%get3A_128] {strides = array<i32>} : memref<1040xf32, #tpu.memory_space<vmem>>, vector<16xf32>,
      %add3A_130 = arith.addf %add3A_121, %get3A_129 : vector<16xf32>
      %get3A_131 = arith.constant 65 : index
      %get3A_132 = tpu.vector_load %arg18[%get3A_131] {strides = array<i32>} : memref<1040xf32, #tpu.memory_space<vmem>>, vector<16xf32>,
      %add3A_133 = arith.addf %add3A_124, %get3A_132 : vector<16xf32>
      %get3A_134 = arith.constant 65 : index
      %get3A_135 = tpu.vector_load %arg19[%get3A_134] {strides = array<i32>} : memref<1040xf32, #tpu.memory_space<vmem>>, vector<16xf32>,
      %add3A_136 = arith.addf %add3A_127, %get3A_135 : vector<16xf32>
      %get3A_137 = arith.constant 130 : index
      %get3A_138 = tpu.vector_load %arg17[%get3A_137] {strides = array<i32>} : memref<1040xf32, #tpu.memory_space<vmem>>, vector<16xf32>,
      %add3A_139 = arith.addf %add3A_130, %get3A_138 : vector<16xf32>
      %get3A_140 = arith.constant 130 : index
      %get3A_141 = tpu.vector_load %arg18[%get3A_140] {strides = array<i32>} : memref<1040xf32, #tpu.memory_space<vmem>>, vector<16xf32>,
      %add3A_142 = arith.addf %add3A_133, %get3A_141 : vector<16xf32>
      %get3A_143 = arith.constant 130 : index
      %get3A_144 = tpu.vector_load %arg19[%get3A_143] {strides = array<i32>} : memref<1040xf32, #tpu.memory_space<vmem>>, vector<16xf32>,
      %add3A_145 = arith.addf %add3A_136, %get3A_144 : vector<16xf32>
      %get3A_146 = arith.constant 195 : index
      %get3A_147 = tpu.vector_load %arg17[%get3A_146] {strides = array<i32>} : memref<1040xf32, #tpu.memory_space<vmem>>, vector<16xf32>,
      %add3A_148 = arith.addf %add3A_139, %get3A_147 : vector<16xf32>
      %get3A_149 = arith.constant 195 : index
      %get3A_150 = tpu.vector_load %arg18[%get3A_149] {strides = array<i32>} : memref<1040xf32, #tpu.memory_space<vmem>>, vector<16xf32>,
      %add3A_151 = arith.addf %add3A_142, %get3A_150 : vector<16xf32>
      %get3A_152 = arith.constant 195 : index
      %get3A_153 = tpu.vector_load %arg19[%get3A_152] {strides = array<i32>} : memref<1040xf32, #tpu.memory_space<vmem>>, vector<16xf32>,
      %add3A_154 = arith.addf %add3A_145, %get3A_153 : vector<16xf32>
      %get3A_155 = arith.constant 260 : index
      %get3A_156 = tpu.vector_load %arg17[%get3A_155] {strides = array<i32>} : memref<1040xf32, #tpu.memory_space<vmem>>, vector<16xf32>,
      %add3A_157 = arith.addf %add3A_148, %get3A_156 : vector<16xf32>
      %get3A_158 = arith.constant 260 : index
      %get3A_159 = tpu.vector_load %arg18[%get3A_158] {strides = array<i32>} : memref<1040xf32, #tpu.memory_space<vmem>>, vector<16xf32>,
      %add3A_160 = arith.addf %add3A_151, %get3A_159 : vector<16xf32>
      %get3A_161 = arith.constant 260 : index
      %get3A_162 = tpu.vector_load %arg19[%get3A_161] {strides = array<i32>} : memref<1040xf32, #tpu.memory_space<vmem>>, vector<16xf32>,
      %add3A_163 = arith.addf %add3A_154, %get3A_162 : vector<16xf32>
      %get3A_164 = arith.constant 325 : index
      %get3A_165 = tpu.vector_load %arg17[%get3A_164] {strides = array<i32>} : memref<1040xf32, #tpu.memory_space<vmem>>, vector<16xf32>,
      %add3A_166 = arith.addf %add3A_157, %get3A_165 : vector<16xf32>
      %get3A_167 = arith.constant 325 : index
      %get3A_168 = tpu.vector_load %arg18[%get3A_167] {strides = array<i32>} : memref<1040xf32, #tpu.memory_space<vmem>>, vector<16xf32>,
      %add3A_169 = arith.addf %add3A_160, %get3A_168 : vector<16xf32>
      %get3A_170 = arith.constant 325 : index
      %get3A_171 = tpu.vector_load %arg19[%get3A_170] {strides = array<i32>} : memref<1040xf32, #tpu.memory_space<vmem>>, vector<16xf32>,
      %add3A_172 = arith.addf %add3A_163, %get3A_171 : vector<16xf32>
      %get3A_173 = arith.constant 390 : index
      %get3A_174 = tpu.vector_load %arg17[%get3A_173] {strides = array<i32>} : memref<1040xf32, #tpu.memory_space<vmem>>, vector<16xf32>,
      %add3A_175 = arith.addf %add3A_166, %get3A_174 : vector<16xf32>
      %get3A_176 = arith.constant 390 : index
      %get3A_177 = tpu.vector_load %arg18[%get3A_176] {strides = array<i32>} : memref<1040xf32, #tpu.memory_space<vmem>>, vector<16xf32>,
      %add3A_178 = arith.addf %add3A_169, %get3A_177 : vector<16xf32>
      %get3A_179 = arith.constant 390 : index
      %get3A_180 = tpu.vector_load %arg19[%get3A_179] {strides = array<i32>} : memref<1040xf32, #tpu.memory_space<vmem>>, vector<16xf32>,
      %add3A_181 = arith.addf %add3A_172, %get3A_180 : vector<16xf32>
      %get3A_182 = arith.constant 455 : index
      %get3A_183 = tpu.vector_load %arg17[%get3A_182] {strides = array<i32>} : memref<1040xf32, #tpu.memory_space<vmem>>, vector<16xf32>,
      %add3A_184 = arith.addf %add3A_175, %get3A_183 : vector<16xf32>
      %get3A_185 = arith.constant 455 : index
      %get3A_186 = tpu.vector_load %arg18[%get3A_185] {strides = array<i32>} : memref<1040xf32, #tpu.memory_space<vmem>>, vector<16xf32>,
      %add3A_187 = arith.addf %add3A_178, %get3A_186 : vector<16xf32>
      %get3A_188 = arith.constant 455 : index
      %get3A_189 = tpu.vector_load %arg19[%get3A_188] {strides = array<i32>} : memref<1040xf32, #tpu.memory_space<vmem>>, vector<16xf32>,
      %add3A_190 = arith.addf %add3A_181, %get3A_189 : vector<16xf32>
      %get3A_191 = arith.constant 520 : index
      %get3A_192 = tpu.vector_load %arg17[%get3A_191] {strides = array<i32>} : memref<1040xf32, #tpu.memory_space<vmem>>, vector<16xf32>,
      %add3A_193 = arith.addf %add3A_184, %get3A_192 : vector<16xf32>
      %get3A_194 = arith.constant 520 : index
      %get3A_195 = tpu.vector_load %arg18[%get3A_194] {strides = array<i32>} : memref<1040xf32, #tpu.memory_space<vmem>>, vector<16xf32>,
      %add3A_196 = arith.addf %add3A_187, %get3A_195 : vector<16xf32>
      %get3A_197 = arith.constant 520 : index
      %get3A_198 = tpu.vector_load %arg19[%get3A_197] {strides = array<i32>} : memref<1040xf32, #tpu.memory_space<vmem>>, vector<16xf32>,
      %add3A_199 = arith.addf %add3A_190, %get3A_198 : vector<16xf32>
      %get3A_200 = arith.constant 585 : index
      %get3A_201 = tpu.vector_load %arg17[%get3A_200] {strides = array<i32>} : memref<1040xf32, #tpu.memory_space<vmem>>, vector<16xf32>,
      %add3A_202 = arith.addf %add3A_193, %get3A_201 : vector<16xf32>
      %get3A_203 = arith.constant 585 : index
      %get3A_204 = tpu.vector_load %arg18[%get3A_203] {strides = array<i32>} : memref<1040xf32, #tpu.memory_space<vmem>>, vector<16xf32>,
      %add3A_205 = arith.addf %add3A_196, %get3A_204 : vector<16xf32>
      %get3A_206 = arith.constant 585 : index
      %get3A_207 = tpu.vector_load %arg19[%get3A_206] {strides = array<i32>} : memref<1040xf32, #tpu.memory_space<vmem>>, vector<16xf32>,
      %add3A_208 = arith.addf %add3A_199, %get3A_207 : vector<16xf32>
      %get3A_209 = arith.constant 650 : index
      %get3A_210 = tpu.vector_load %arg17[%get3A_209] {strides = array<i32>} : memref<1040xf32, #tpu.memory_space<vmem>>, vector<16xf32>,
      %add3A_211 = arith.addf %add3A_202, %get3A_210 : vector<16xf32>
      %get3A_212 = arith.constant 650 : index
      %get3A_213 = tpu.vector_load %arg18[%get3A_212] {strides = array<i32>} : memref<1040xf32, #tpu.memory_space<vmem>>, vector<16xf32>,
      %add3A_214 = arith.addf %add3A_205, %get3A_213 : vector<16xf32>
      %get3A_215 = arith.constant 650 : index
      %get3A_216 = tpu.vector_load %arg19[%get3A_215] {strides = array<i32>} : memref<1040xf32, #tpu.memory_space<vmem>>, vector<16xf32>,
      %add3A_217 = arith.addf %add3A_208, %get3A_216 : vector<16xf32>
      %get3A_218 = arith.constant 715 : index
      %get3A_219 = tpu.vector_load %arg17[%get3A_218] {strides = array<i32>} : memref<1040xf32, #tpu.memory_space<vmem>>, vector<16xf32>,
      %add3A_220 = arith.addf %add3A_211, %get3A_219 : vector<16xf32>
      %get3A_221 = arith.constant 715 : index
      %get3A_222 = tpu.vector_load %arg18[%get3A_221] {strides = array<i32>} : memref<1040xf32, #tpu.memory_space<vmem>>, vector<16xf32>,
      %add3A_223 = arith.addf %add3A_214, %get3A_222 : vector<16xf32>
      %get3A_224 = arith.constant 715 : index
      %get3A_225 = tpu.vector_load %arg19[%get3A_224] {strides = array<i32>} : memref<1040xf32, #tpu.memory_space<vmem>>, vector<16xf32>,
      %add3A_226 = arith.addf %add3A_217, %get3A_225 : vector<16xf32>
      %get3A_227 = arith.constant 780 : index
      %get3A_228 = tpu.vector_load %arg17[%get3A_227] {strides = array<i32>} : memref<1040xf32, #tpu.memory_space<vmem>>, vector<16xf32>,
      %add3A_229 = arith.addf %add3A_220, %get3A_228 : vector<16xf32>
      %get3A_230 = arith.constant 780 : index
      %get3A_231 = tpu.vector_load %arg18[%get3A_230] {strides = array<i32>} : memref<1040xf32, #tpu.memory_space<vmem>>, vector<16xf32>,
      %add3A_232 = arith.addf %add3A_223, %get3A_231 : vector<16xf32>
      %get3A_233 = arith.constant 780 : index
      %get3A_234 = tpu.vector_load %arg19[%get3A_233] {strides = array<i32>} : memref<1040xf32, #tpu.memory_space<vmem>>, vector<16xf32>,
      %add3A_235 = arith.addf %add3A_226, %get3A_234 : vector<16xf32>
      %get3A_236 = arith.constant 845 : index
      %get3A_237 = tpu.vector_load %arg17[%get3A_236] {strides = array<i32>} : memref<1040xf32, #tpu.memory_space<vmem>>, vector<16xf32>,
      %add3A_238 = arith.addf %add3A_229, %get3A_237 : vector<16xf32>
      %get3A_239 = arith.constant 845 : index
      %get3A_240 = tpu.vector_load %arg18[%get3A_239] {strides = array<i32>} : memref<1040xf32, #tpu.memory_space<vmem>>, vector<16xf32>,
      %add3A_241 = arith.addf %add3A_232, %get3A_240 : vector<16xf32>
      %get3A_242 = arith.constant 845 : index
      %get3A_243 = tpu.vector_load %arg19[%get3A_242] {strides = array<i32>} : memref<1040xf32, #tpu.memory_space<vmem>>, vector<16xf32>,
      %add3A_244 = arith.addf %add3A_235, %get3A_243 : vector<16xf32>
      %get3A_245 = arith.constant 910 : index
      %get3A_246 = tpu.vector_load %arg17[%get3A_245] {strides = array<i32>} : memref<1040xf32, #tpu.memory_space<vmem>>, vector<16xf32>,
      %add3A_247 = arith.addf %add3A_238, %get3A_246 : vector<16xf32>
      %get3A_248 = arith.constant 910 : index
      %get3A_249 = tpu.vector_load %arg18[%get3A_248] {strides = array<i32>} : memref<1040xf32, #tpu.memory_space<vmem>>, vector<16xf32>,
      %add3A_250 = arith.addf %add3A_241, %get3A_249 : vector<16xf32>
      %get3A_251 = arith.constant 910 : index
      %get3A_252 = tpu.vector_load %arg19[%get3A_251] {strides = array<i32>} : memref<1040xf32, #tpu.memory_space<vmem>>, vector<16xf32>,
      %add3A_253 = arith.addf %add3A_244, %get3A_252 : vector<16xf32>
      %get3A_254 = arith.constant 975 : index
      %get3A_255 = tpu.vector_load %arg17[%get3A_254] {strides = array<i32>} : memref<1040xf32, #tpu.memory_space<vmem>>, vector<16xf32>,
      %add3A_256 = arith.addf %add3A_247, %get3A_255 : vector<16xf32>
      %get3A_257 = arith.constant 975 : index
      %get3A_258 = tpu.vector_load %arg18[%get3A_257] {strides = array<i32>} : memref<1040xf32, #tpu.memory_space<vmem>>, vector<16xf32>,
      %add3A_259 = arith.addf %add3A_250, %get3A_258 : vector<16xf32>
      %get3A_260 = arith.constant 975 : index
      %get3A_261 = tpu.vector_load %arg19[%get3A_260] {strides = array<i32>} : memref<1040xf32, #tpu.memory_space<vmem>>, vector<16xf32>,
      %add3A_262 = arith.addf %add3A_253, %get3A_261 : vector<16xf32>
      %swap3A_263 = arith.constant 0 : index
      %swap3A_264 = tpu.vector_load %arg14[%swap3A_263] {strides = array<i32>} : memref<128xf32, #tpu.memory_space<vmem>>, vector<16xf32>,
      tpu.vector_store %arg14[%swap3A_263], %add3A_256 {strides = array<i32>} : memref<128xf32, #tpu.memory_space<vmem>>, vector<16xf32>,
      %swap3A_265 = arith.constant 0 : index
      %swap3A_266 = tpu.vector_load %arg15[%swap3A_265] {strides = array<i32>} : memref<128xf32, #tpu.memory_space<vmem>>, vector<16xf32>,
      tpu.vector_store %arg15[%swap3A_265], %add3A_259 {strides = array<i32>} : memref<128xf32, #tpu.memory_space<vmem>>, vector<16xf32>,
      %swap3A_267 = arith.constant 0 : index
      %swap3A_268 = tpu.vector_load %arg16[%swap3A_267] {strides = array<i32>} : memref<128xf32, #tpu.memory_space<vmem>>, vector<16xf32>,
      tpu.vector_store %arg16[%swap3A_267], %add3A_262 {strides = array<i32>} : memref<128xf32, #tpu.memory_space<vmem>>, vector<16xf32>,
      %get3A_269 = arith.constant 16 : index
      %get3A_270 = tpu.vector_load %arg17[%get3A_269] {strides = array<i32>} : memref<1040xf32, #tpu.memory_space<vmem>>, vector<16xf32>,
      %add3A_271 = arith.addf %broadcast_in_dim3A_1, %get3A_270 : vector<16xf32>
      %get3A_272 = arith.constant 16 : index
      %get3A_273 = tpu.vector_load %arg18[%get3A_272] {strides = array<i32>} : memref<1040xf32, #tpu.memory_space<vmem>>, vector<16xf32>,
      %add3A_274 = arith.addf %broadcast_in_dim3A_1, %get3A_273 : vector<16xf32>
      %get3A_275 = arith.constant 16 : index
      %get3A_276 = tpu.vector_load %arg19[%get3A_275] {strides = array<i32>} : memref<1040xf32, #tpu.memory_space<vmem>>, vector<16xf32>,
      %add3A_277 = arith.addf %broadcast_in_dim3A_1, %get3A_276 : vector<16xf32>
      %get3A_278 = arith.constant 81 : index
      %get3A_279 = tpu.vector_load %arg17[%get3A_278] {strides = array<i32>} : memref<1040xf32, #tpu.memory_space<vmem>>, vector<16xf32>,
      %add3A_280 = arith.addf %add3A_271, %get3A_279 : vector<16xf32>
      %get3A_281 = arith.constant 81 : index
      %get3A_282 = tpu.vector_load %arg18[%get3A_281] {strides = array<i32>} : memref<1040xf32, #tpu.memory_space<vmem>>, vector<16xf32>,
      %add3A_283 = arith.addf %add3A_274, %get3A_282 : vector<16xf32>
      %get3A_284 = arith.constant 81 : index
      %get3A_285 = tpu.vector_load %arg19[%get3A_284] {strides = array<i32>} : memref<1040xf32, #tpu.memory_space<vmem>>, vector<16xf32>,
      %add3A_286 = arith.addf %add3A_277, %get3A_285 : vector<16xf32>
      %get3A_287 = arith.constant 146 : index
      %get3A_288 = tpu.vector_load %arg17[%get3A_287] {strides = array<i32>} : memref<1040xf32, #tpu.memory_space<vmem>>, vector<16xf32>,
      %add3A_289 = arith.addf %add3A_280, %get3A_288 : vector<16xf32>
      %get3A_290 = arith.constant 146 : index
      %get3A_291 = tpu.vector_load %arg18[%get3A_290] {strides = array<i32>} : memref<1040xf32, #tpu.memory_space<vmem>>, vector<16xf32>,
      %add3A_292 = arith.addf %add3A_283, %get3A_291 : vector<16xf32>
      %get3A_293 = arith.constant 146 : index
      %get3A_294 = tpu.vector_load %arg19[%get3A_293] {strides = array<i32>} : memref<1040xf32, #tpu.memory_space<vmem>>, vector<16xf32>,
      %add3A_295 = arith.addf %add3A_286, %get3A_294 : vector<16xf32>
      %get3A_296 = arith.constant 211 : index
      %get3A_297 = tpu.vector_load %arg17[%get3A_296] {strides = array<i32>} : memref<1040xf32, #tpu.memory_space<vmem>>, vector<16xf32>,
      %add3A_298 = arith.addf %add3A_289, %get3A_297 : vector<16xf32>
      %get3A_299 = arith.constant 211 : index
      %get3A_300 = tpu.vector_load %arg18[%get3A_299] {strides = array<i32>} : memref<1040xf32, #tpu.memory_space<vmem>>, vector<16xf32>,
      %add3A_301 = arith.addf %add3A_292, %get3A_300 : vector<16xf32>
      %get3A_302 = arith.constant 211 : index
      %get3A_303 = tpu.vector_load %arg19[%get3A_302] {strides = array<i32>} : memref<1040xf32, #tpu.memory_space<vmem>>, vector<16xf32>,
      %add3A_304 = arith.addf %add3A_295, %get3A_303 : vector<16xf32>
      %get3A_305 = arith.constant 276 : index
      %get3A_306 = tpu.vector_load %arg17[%get3A_305] {strides = array<i32>} : memref<1040xf32, #tpu.memory_space<vmem>>, vector<16xf32>,
      %add3A_307 = arith.addf %add3A_298, %get3A_306 : vector<16xf32>
      %get3A_308 = arith.constant 276 : index
      %get3A_309 = tpu.vector_load %arg18[%get3A_308] {strides = array<i32>} : memref<1040xf32, #tpu.memory_space<vmem>>, vector<16xf32>,
      %add3A_310 = arith.addf %add3A_301, %get3A_309 : vector<16xf32>
      %get3A_311 = arith.constant 276 : index
      %get3A_312 = tpu.vector_load %arg19[%get3A_311] {strides = array<i32>} : memref<1040xf32, #tpu.memory_space<vmem>>, vector<16xf32>,
      %add3A_313 = arith.addf %add3A_304, %get3A_312 : vector<16xf32>
      %get3A_314 = arith.constant 341 : index
      %get3A_315 = tpu.vector_load %arg17[%get3A_314] {strides = array<i32>} : memref<1040xf32, #tpu.memory_space<vmem>>, vector<16xf32>,
      %add3A_316 = arith.addf %add3A_307, %get3A_315 : vector<16xf32>
      %get3A_317 = arith.constant 341 : index
      %get3A_318 = tpu.vector_load %arg18[%get3A_317] {strides = array<i32>} : memref<1040xf32, #tpu.memory_space<vmem>>, vector<16xf32>,
      %add3A_319 = arith.addf %add3A_310, %get3A_318 : vector<16xf32>
      %get3A_320 = arith.constant 341 : index
      %get3A_321 = tpu.vector_load %arg19[%get3A_320] {strides = array<i32>} : memref<1040xf32, #tpu.memory_space<vmem>>, vector<16xf32>,
      %add3A_322 = arith.addf %add3A_313, %get3A_321 : vector<16xf32>
      %get3A_323 = arith.constant 406 : index
      %get3A_324 = tpu.vector_load %arg17[%get3A_323] {strides = array<i32>} : memref<1040xf32, #tpu.memory_space<vmem>>, vector<16xf32>,
      %add3A_325 = arith.addf %add3A_316, %get3A_324 : vector<16xf32>
      %get3A_326 = arith.constant 406 : index
      %get3A_327 = tpu.vector_load %arg18[%get3A_326] {strides = array<i32>} : memref<1040xf32, #tpu.memory_space<vmem>>, vector<16xf32>,
      %add3A_328 = arith.addf %add3A_319, %get3A_327 : vector<16xf32>
      %get3A_329 = arith.constant 406 : index
      %get3A_330 = tpu.vector_load %arg19[%get3A_329] {strides = array<i32>} : memref<1040xf32, #tpu.memory_space<vmem>>, vector<16xf32>,
      %add3A_331 = arith.addf %add3A_322, %get3A_330 : vector<16xf32>
      %get3A_332 = arith.constant 471 : index
      %get3A_333 = tpu.vector_load %arg17[%get3A_332] {strides = array<i32>} : memref<1040xf32, #tpu.memory_space<vmem>>, vector<16xf32>,
      %add3A_334 = arith.addf %add3A_325, %get3A_333 : vector<16xf32>
      %get3A_335 = arith.constant 471 : index
      %get3A_336 = tpu.vector_load %arg18[%get3A_335] {strides = array<i32>} : memref<1040xf32, #tpu.memory_space<vmem>>, vector<16xf32>,
      %add3A_337 = arith.addf %add3A_328, %get3A_336 : vector<16xf32>
      %get3A_338 = arith.constant 471 : index
      %get3A_339 = tpu.vector_load %arg19[%get3A_338] {strides = array<i32>} : memref<1040xf32, #tpu.memory_space<vmem>>, vector<16xf32>,
      %add3A_340 = arith.addf %add3A_331, %get3A_339 : vector<16xf32>
      %get3A_341 = arith.constant 536 : index
      %get3A_342 = tpu.vector_load %arg17[%get3A_341] {strides = array<i32>} : memref<1040xf32, #tpu.memory_space<vmem>>, vector<16xf32>,
      %add3A_343 = arith.addf %add3A_334, %get3A_342 : vector<16xf32>
      %get3A_344 = arith.constant 536 : index
      %get3A_345 = tpu.vector_load %arg18[%get3A_344] {strides = array<i32>} : memref<1040xf32, #tpu.memory_space<vmem>>, vector<16xf32>,
      %add3A_346 = arith.addf %add3A_337, %get3A_345 : vector<16xf32>
      %get3A_347 = arith.constant 536 : index
      %get3A_348 = tpu.vector_load %arg19[%get3A_347] {strides = array<i32>} : memref<1040xf32, #tpu.memory_space<vmem>>, vector<16xf32>,
      %add3A_349 = arith.addf %add3A_340, %get3A_348 : vector<16xf32>
      %get3A_350 = arith.constant 601 : index
      %get3A_351 = tpu.vector_load %arg17[%get3A_350] {strides = array<i32>} : memref<1040xf32, #tpu.memory_space<vmem>>, vector<16xf32>,
      %add3A_352 = arith.addf %add3A_343, %get3A_351 : vector<16xf32>
      %get3A_353 = arith.constant 601 : index
      %get3A_354 = tpu.vector_load %arg18[%get3A_353] {strides = array<i32>} : memref<1040xf32, #tpu.memory_space<vmem>>, vector<16xf32>,
      %add3A_355 = arith.addf %add3A_346, %get3A_354 : vector<16xf32>
      %get3A_356 = arith.constant 601 : index
      %get3A_357 = tpu.vector_load %arg19[%get3A_356] {strides = array<i32>} : memref<1040xf32, #tpu.memory_space<vmem>>, vector<16xf32>,
      %add3A_358 = arith.addf %add3A_349, %get3A_357 : vector<16xf32>
      %get3A_359 = arith.constant 666 : index
      %get3A_360 = tpu.vector_load %arg17[%get3A_359] {strides = array<i32>} : memref<1040xf32, #tpu.memory_space<vmem>>, vector<16xf32>,
      %add3A_361 = arith.addf %add3A_352, %get3A_360 : vector<16xf32>
      %get3A_362 = arith.constant 666 : index
      %get3A_363 = tpu.vector_load %arg18[%get3A_362] {strides = array<i32>} : memref<1040xf32, #tpu.memory_space<vmem>>, vector<16xf32>,
      %add3A_364 = arith.addf %add3A_355, %get3A_363 : vector<16xf32>
      %get3A_365 = arith.constant 666 : index
      %get3A_366 = tpu.vector_load %arg19[%get3A_365] {strides = array<i32>} : memref<1040xf32, #tpu.memory_space<vmem>>, vector<16xf32>,
      %add3A_367 = arith.addf %add3A_358, %get3A_366 : vector<16xf32>
      %get3A_368 = arith.constant 731 : index
      %get3A_369 = tpu.vector_load %arg17[%get3A_368] {strides = array<i32>} : memref<1040xf32, #tpu.memory_space<vmem>>, vector<16xf32>,
      %add3A_370 = arith.addf %add3A_361, %get3A_369 : vector<16xf32>
      %get3A_371 = arith.constant 731 : index
      %get3A_372 = tpu.vector_load %arg18[%get3A_371] {strides = array<i32>} : memref<1040xf32, #tpu.memory_space<vmem>>, vector<16xf32>,
      %add3A_373 = arith.addf %add3A_364, %get3A_372 : vector<16xf32>
      %get3A_374 = arith.constant 731 : index
      %get3A_375 = tpu.vector_load %arg19[%get3A_374] {strides = array<i32>} : memref<1040xf32, #tpu.memory_space<vmem>>, vector<16xf32>,
      %add3A_376 = arith.addf %add3A_367, %get3A_375 : vector<16xf32>
      %get3A_377 = arith.constant 796 : index
      %get3A_378 = tpu.vector_load %arg17[%get3A_377] {strides = array<i32>} : memref<1040xf32, #tpu.memory_space<vmem>>, vector<16xf32>,
      %add3A_379 = arith.addf %add3A_370, %get3A_378 : vector<16xf32>
      %get3A_380 = arith.constant 796 : index
      %get3A_381 = tpu.vector_load %arg18[%get3A_380] {strides = array<i32>} : memref<1040xf32, #tpu.memory_space<vmem>>, vector<16xf32>,
      %add3A_382 = arith.addf %add3A_373, %get3A_381 : vector<16xf32>
      %get3A_383 = arith.constant 796 : index
      %get3A_384 = tpu.vector_load %arg19[%get3A_383] {strides = array<i32>} : memref<1040xf32, #tpu.memory_space<vmem>>, vector<16xf32>,
      %add3A_385 = arith.addf %add3A_376, %get3A_384 : vector<16xf32>
      %get3A_386 = arith.constant 861 : index
      %get3A_387 = tpu.vector_load %arg17[%get3A_386] {strides = array<i32>} : memref<1040xf32, #tpu.memory_space<vmem>>, vector<16xf32>,
      %add3A_388 = arith.addf %add3A_379, %get3A_387 : vector<16xf32>
      %get3A_389 = arith.constant 861 : index
      %get3A_390 = tpu.vector_load %arg18[%get3A_389] {strides = array<i32>} : memref<1040xf32, #tpu.memory_space<vmem>>, vector<16xf32>,
      %add3A_391 = arith.addf %add3A_382, %get3A_390 : vector<16xf32>
      %get3A_392 = arith.constant 861 : index
      %get3A_393 = tpu.vector_load %arg19[%get3A_392] {strides = array<i32>} : memref<1040xf32, #tpu.memory_space<vmem>>, vector<16xf32>,
      %add3A_394 = arith.addf %add3A_385, %get3A_393 : vector<16xf32>
      %get3A_395 = arith.constant 926 : index
      %get3A_396 = tpu.vector_load %arg17[%get3A_395] {strides = array<i32>} : memref<1040xf32, #tpu.memory_space<vmem>>, vector<16xf32>,
      %add3A_397 = arith.addf %add3A_388, %get3A_396 : vector<16xf32>
      %get3A_398 = arith.constant 926 : index
      %get3A_399 = tpu.vector_load %arg18[%get3A_398] {strides = array<i32>} : memref<1040xf32, #tpu.memory_space<vmem>>, vector<16xf32>,
      %add3A_400 = arith.addf %add3A_391, %get3A_399 : vector<16xf32>
      %get3A_401 = arith.constant 926 : index
      %get3A_402 = tpu.vector_load %arg19[%get3A_401] {strides = array<i32>} : memref<1040xf32, #tpu.memory_space<vmem>>, vector<16xf32>,
      %add3A_403 = arith.addf %add3A_394, %get3A_402 : vector<16xf32>
      %get3A_404 = arith.constant 991 : index
      %get3A_405 = tpu.vector_load %arg17[%get3A_404] {strides = array<i32>} : memref<1040xf32, #tpu.memory_space<vmem>>, vector<16xf32>,
      %add3A_406 = arith.addf %add3A_397, %get3A_405 : vector<16xf32>
      %get3A_407 = arith.constant 991 : index
      %get3A_408 = tpu.vector_load %arg18[%get3A_407] {strides = array<i32>} : memref<1040xf32, #tpu.memory_space<vmem>>, vector<16xf32>,
      %add3A_409 = arith.addf %add3A_400, %get3A_408 : vector<16xf32>
      %get3A_410 = arith.constant 991 : index
      %get3A_411 = tpu.vector_load %arg19[%get3A_410] {strides = array<i32>} : memref<1040xf32, #tpu.memory_space<vmem>>, vector<16xf32>,
      %add3A_412 = arith.addf %add3A_403, %get3A_411 : vector<16xf32>
      %swap3A_413 = arith.constant 16 : index
      %swap3A_414 = tpu.vector_load %arg14[%swap3A_413] {strides = array<i32>} : memref<128xf32, #tpu.memory_space<vmem>>, vector<16xf32>,
      tpu.vector_store %arg14[%swap3A_413], %add3A_406 {strides = array<i32>} : memref<128xf32, #tpu.memory_space<vmem>>, vector<16xf32>,
      %swap3A_415 = arith.constant 16 : index
      %swap3A_416 = tpu.vector_load %arg15[%swap3A_415] {strides = array<i32>} : memref<128xf32, #tpu.memory_space<vmem>>, vector<16xf32>,
      tpu.vector_store %arg15[%swap3A_415], %add3A_409 {strides = array<i32>} : memref<128xf32, #tpu.memory_space<vmem>>, vector<16xf32>,
      %swap3A_417 = arith.constant 16 : index
      %swap3A_418 = tpu.vector_load %arg16[%swap3A_417] {strides = array<i32>} : memref<128xf32, #tpu.memory_space<vmem>>, vector<16xf32>,
      tpu.vector_store %arg16[%swap3A_417], %add3A_412 {strides = array<i32>} : memref<128xf32, #tpu.memory_space<vmem>>, vector<16xf32>,
      %get3A_419 = arith.constant 32 : index
      %get3A_420 = tpu.vector_load %arg17[%get3A_419] {strides = array<i32>} : memref<1040xf32, #tpu.memory_space<vmem>>, vector<16xf32>,
      %add3A_421 = arith.addf %broadcast_in_dim3A_1, %get3A_420 : vector<16xf32>
      %get3A_422 = arith.constant 32 : index
      %get3A_423 = tpu.vector_load %arg18[%get3A_422] {strides = array<i32>} : memref<1040xf32, #tpu.memory_space<vmem>>, vector<16xf32>,
      %add3A_424 = arith.addf %broadcast_in_dim3A_1, %get3A_423 : vector<16xf32>
      %get3A_425 = arith.constant 32 : index
      %get3A_426 = tpu.vector_load %arg19[%get3A_425] {strides = array<i32>} : memref<1040xf32, #tpu.memory_space<vmem>>, vector<16xf32>,
      %add3A_427 = arith.addf %broadcast_in_dim3A_1, %get3A_426 : vector<16xf32>
      %get3A_428 = arith.constant 97 : index
      %get3A_429 = tpu.vector_load %arg17[%get3A_428] {strides = array<i32>} : memref<1040xf32, #tpu.memory_space<vmem>>, vector<16xf32>,
      %add3A_430 = arith.addf %add3A_421, %get3A_429 : vector<16xf32>
      %get3A_431 = arith.constant 97 : index
      %get3A_432 = tpu.vector_load %arg18[%get3A_431] {strides = array<i32>} : memref<1040xf32, #tpu.memory_space<vmem>>, vector<16xf32>,
      %add3A_433 = arith.addf %add3A_424, %get3A_432 : vector<16xf32>
      %get3A_434 = arith.constant 97 : index
      %get3A_435 = tpu.vector_load %arg19[%get3A_434] {strides = array<i32>} : memref<1040xf32, #tpu.memory_space<vmem>>, vector<16xf32>,
      %add3A_436 = arith.addf %add3A_427, %get3A_435 : vector<16xf32>
      %get3A_437 = arith.constant 162 : index
      %get3A_438 = tpu.vector_load %arg17[%get3A_437] {strides = array<i32>} : memref<1040xf32, #tpu.memory_space<vmem>>, vector<16xf32>,
      %add3A_439 = arith.addf %add3A_430, %get3A_438 : vector<16xf32>
      %get3A_440 = arith.constant 162 : index
      %get3A_441 = tpu.vector_load %arg18[%get3A_440] {strides = array<i32>} : memref<1040xf32, #tpu.memory_space<vmem>>, vector<16xf32>,
      %add3A_442 = arith.addf %add3A_433, %get3A_441 : vector<16xf32>
      %get3A_443 = arith.constant 162 : index
      %get3A_444 = tpu.vector_load %arg19[%get3A_443] {strides = array<i32>} : memref<1040xf32, #tpu.memory_space<vmem>>, vector<16xf32>,
      %add3A_445 = arith.addf %add3A_436, %get3A_444 : vector<16xf32>
      %get3A_446 = arith.constant 227 : index
      %get3A_447 = tpu.vector_load %arg17[%get3A_446] {strides = array<i32>} : memref<1040xf32, #tpu.memory_space<vmem>>, vector<16xf32>,
      %add3A_448 = arith.addf %add3A_439, %get3A_447 : vector<16xf32>
      %get3A_449 = arith.constant 227 : index
      %get3A_450 = tpu.vector_load %arg18[%get3A_449] {strides = array<i32>} : memref<1040xf32, #tpu.memory_space<vmem>>, vector<16xf32>,
      %add3A_451 = arith.addf %add3A_442, %get3A_450 : vector<16xf32>
      %get3A_452 = arith.constant 227 : index
      %get3A_453 = tpu.vector_load %arg19[%get3A_452] {strides = array<i32>} : memref<1040xf32, #tpu.memory_space<vmem>>, vector<16xf32>,
      %add3A_454 = arith.addf %add3A_445, %get3A_453 : vector<16xf32>
      %get3A_455 = arith.constant 292 : index
      %get3A_456 = tpu.vector_load %arg17[%get3A_455] {strides = array<i32>} : memref<1040xf32, #tpu.memory_space<vmem>>, vector<16xf32>,
      %add3A_457 = arith.addf %add3A_448, %get3A_456 : vector<16xf32>
      %get3A_458 = arith.constant 292 : index
      %get3A_459 = tpu.vector_load %arg18[%get3A_458] {strides = array<i32>} : memref<1040xf32, #tpu.memory_space<vmem>>, vector<16xf32>,
      %add3A_460 = arith.addf %add3A_451, %get3A_459 : vector<16xf32>
      %get3A_461 = arith.constant 292 : index
      %get3A_462 = tpu.vector_load %arg19[%get3A_461] {strides = array<i32>} : memref<1040xf32, #tpu.memory_space<vmem>>, vector<16xf32>,
      %add3A_463 = arith.addf %add3A_454, %get3A_462 : vector<16xf32>
      %get3A_464 = arith.constant 357 : index
      %get3A_465 = tpu.vector_load %arg17[%get3A_464] {strides = array<i32>} : memref<1040xf32, #tpu.memory_space<vmem>>, vector<16xf32>,
      %add3A_466 = arith.addf %add3A_457, %get3A_465 : vector<16xf32>
      %get3A_467 = arith.constant 357 : index
      %get3A_468 = tpu.vector_load %arg18[%get3A_467] {strides = array<i32>} : memref<1040xf32, #tpu.memory_space<vmem>>, vector<16xf32>,
      %add3A_469 = arith.addf %add3A_460, %get3A_468 : vector<16xf32>
      %get3A_470 = arith.constant 357 : index
      %get3A_471 = tpu.vector_load %arg19[%get3A_470] {strides = array<i32>} : memref<1040xf32, #tpu.memory_space<vmem>>, vector<16xf32>,
      %add3A_472 = arith.addf %add3A_463, %get3A_471 : vector<16xf32>
      %get3A_473 = arith.constant 422 : index
      %get3A_474 = tpu.vector_load %arg17[%get3A_473] {strides = array<i32>} : memref<1040xf32, #tpu.memory_space<vmem>>, vector<16xf32>,
      %add3A_475 = arith.addf %add3A_466, %get3A_474 : vector<16xf32>
      %get3A_476 = arith.constant 422 : index
      %get3A_477 = tpu.vector_load %arg18[%get3A_476] {strides = array<i32>} : memref<1040xf32, #tpu.memory_space<vmem>>, vector<16xf32>,
      %add3A_478 = arith.addf %add3A_469, %get3A_477 : vector<16xf32>
      %get3A_479 = arith.constant 422 : index
      %get3A_480 = tpu.vector_load %arg19[%get3A_479] {strides = array<i32>} : memref<1040xf32, #tpu.memory_space<vmem>>, vector<16xf32>,
      %add3A_481 = arith.addf %add3A_472, %get3A_480 : vector<16xf32>
      %get3A_482 = arith.constant 487 : index
      %get3A_483 = tpu.vector_load %arg17[%get3A_482] {strides = array<i32>} : memref<1040xf32, #tpu.memory_space<vmem>>, vector<16xf32>,
      %add3A_484 = arith.addf %add3A_475, %get3A_483 : vector<16xf32>
      %get3A_485 = arith.constant 487 : index
      %get3A_486 = tpu.vector_load %arg18[%get3A_485] {strides = array<i32>} : memref<1040xf32, #tpu.memory_space<vmem>>, vector<16xf32>,
      %add3A_487 = arith.addf %add3A_478, %get3A_486 : vector<16xf32>
      %get3A_488 = arith.constant 487 : index
      %get3A_489 = tpu.vector_load %arg19[%get3A_488] {strides = array<i32>} : memref<1040xf32, #tpu.memory_space<vmem>>, vector<16xf32>,
      %add3A_490 = arith.addf %add3A_481, %get3A_489 : vector<16xf32>
      %get3A_491 = arith.constant 552 : index
      %get3A_492 = tpu.vector_load %arg17[%get3A_491] {strides = array<i32>} : memref<1040xf32, #tpu.memory_space<vmem>>, vector<16xf32>,
      %add3A_493 = arith.addf %add3A_484, %get3A_492 : vector<16xf32>
      %get3A_494 = arith.constant 552 : index
      %get3A_495 = tpu.vector_load %arg18[%get3A_494] {strides = array<i32>} : memref<1040xf32, #tpu.memory_space<vmem>>, vector<16xf32>,
      %add3A_496 = arith.addf %add3A_487, %get3A_495 : vector<16xf32>
      %get3A_497 = arith.constant 552 : index
      %get3A_498 = tpu.vector_load %arg19[%get3A_497] {strides = array<i32>} : memref<1040xf32, #tpu.memory_space<vmem>>, vector<16xf32>,
      %add3A_499 = arith.addf %add3A_490, %get3A_498 : vector<16xf32>
      %get3A_500 = arith.constant 617 : index
      %get3A_501 = tpu.vector_load %arg17[%get3A_500] {strides = array<i32>} : memref<1040xf32, #tpu.memory_space<vmem>>, vector<16xf32>,
      %add3A_502 = arith.addf %add3A_493, %get3A_501 : vector<16xf32>
      %get3A_503 = arith.constant 617 : index
      %get3A_504 = tpu.vector_load %arg18[%get3A_503] {strides = array<i32>} : memref<1040xf32, #tpu.memory_space<vmem>>, vector<16xf32>,
      %add3A_505 = arith.addf %add3A_496, %get3A_504 : vector<16xf32>
      %get3A_506 = arith.constant 617 : index
      %get3A_507 = tpu.vector_load %arg19[%get3A_506] {strides = array<i32>} : memref<1040xf32, #tpu.memory_space<vmem>>, vector<16xf32>,
      %add3A_508 = arith.addf %add3A_499, %get3A_507 : vector<16xf32>
      %get3A_509 = arith.constant 682 : index
      %get3A_510 = tpu.vector_load %arg17[%get3A_509] {strides = array<i32>} : memref<1040xf32, #tpu.memory_space<vmem>>, vector<16xf32>,
      %add3A_511 = arith.addf %add3A_502, %get3A_510 : vector<16xf32>
      %get3A_512 = arith.constant 682 : index
      %get3A_513 = tpu.vector_load %arg18[%get3A_512] {strides = array<i32>} : memref<1040xf32, #tpu.memory_space<vmem>>, vector<16xf32>,
      %add3A_514 = arith.addf %add3A_505, %get3A_513 : vector<16xf32>
      %get3A_515 = arith.constant 682 : index
      %get3A_516 = tpu.vector_load %arg19[%get3A_515] {strides = array<i32>} : memref<1040xf32, #tpu.memory_space<vmem>>, vector<16xf32>,
      %add3A_517 = arith.addf %add3A_508, %get3A_516 : vector<16xf32>
      %get3A_518 = arith.constant 747 : index
      %get3A_519 = tpu.vector_load %arg17[%get3A_518] {strides = array<i32>} : memref<1040xf32, #tpu.memory_space<vmem>>, vector<16xf32>,
      %add3A_520 = arith.addf %add3A_511, %get3A_519 : vector<16xf32>
      %get3A_521 = arith.constant 747 : index
      %get3A_522 = tpu.vector_load %arg18[%get3A_521] {strides = array<i32>} : memref<1040xf32, #tpu.memory_space<vmem>>, vector<16xf32>,
      %add3A_523 = arith.addf %add3A_514, %get3A_522 : vector<16xf32>
      %get3A_524 = arith.constant 747 : index
      %get3A_525 = tpu.vector_load %arg19[%get3A_524] {strides = array<i32>} : memref<1040xf32, #tpu.memory_space<vmem>>, vector<16xf32>,
      %add3A_526 = arith.addf %add3A_517, %get3A_525 : vector<16xf32>
      %get3A_527 = arith.constant 812 : index
      %get3A_528 = tpu.vector_load %arg17[%get3A_527] {strides = array<i32>} : memref<1040xf32, #tpu.memory_space<vmem>>, vector<16xf32>,
      %add3A_529 = arith.addf %add3A_520, %get3A_528 : vector<16xf32>
      %get3A_530 = arith.constant 812 : index
      %get3A_531 = tpu.vector_load %arg18[%get3A_530] {strides = array<i32>} : memref<1040xf32, #tpu.memory_space<vmem>>, vector<16xf32>,
      %add3A_532 = arith.addf %add3A_523, %get3A_531 : vector<16xf32>
      %get3A_533 = arith.constant 812 : index
      %get3A_534 = tpu.vector_load %arg19[%get3A_533] {strides = array<i32>} : memref<1040xf32, #tpu.memory_space<vmem>>, vector<16xf32>,
      %add3A_535 = arith.addf %add3A_526, %get3A_534 : vector<16xf32>
      %get3A_536 = arith.constant 877 : index
      %get3A_537 = tpu.vector_load %arg17[%get3A_536] {strides = array<i32>} : memref<1040xf32, #tpu.memory_space<vmem>>, vector<16xf32>,
      %add3A_538 = arith.addf %add3A_529, %get3A_537 : vector<16xf32>
      %get3A_539 = arith.constant 877 : index
      %get3A_540 = tpu.vector_load %arg18[%get3A_539] {strides = array<i32>} : memref<1040xf32, #tpu.memory_space<vmem>>, vector<16xf32>,
      %add3A_541 = arith.addf %add3A_532, %get3A_540 : vector<16xf32>
      %get3A_542 = arith.constant 877 : index
      %get3A_543 = tpu.vector_load %arg19[%get3A_542] {strides = array<i32>} : memref<1040xf32, #tpu.memory_space<vmem>>, vector<16xf32>,
      %add3A_544 = arith.addf %add3A_535, %get3A_543 : vector<16xf32>
      %get3A_545 = arith.constant 942 : index
      %get3A_546 = tpu.vector_load %arg17[%get3A_545] {strides = array<i32>} : memref<1040xf32, #tpu.memory_space<vmem>>, vector<16xf32>,
      %add3A_547 = arith.addf %add3A_538, %get3A_546 : vector<16xf32>
      %get3A_548 = arith.constant 942 : index
      %get3A_549 = tpu.vector_load %arg18[%get3A_548] {strides = array<i32>} : memref<1040xf32, #tpu.memory_space<vmem>>, vector<16xf32>,
      %add3A_550 = arith.addf %add3A_541, %get3A_549 : vector<16xf32>
      %get3A_551 = arith.constant 942 : index
      %get3A_552 = tpu.vector_load %arg19[%get3A_551] {strides = array<i32>} : memref<1040xf32, #tpu.memory_space<vmem>>, vector<16xf32>,
      %add3A_553 = arith.addf %add3A_544, %get3A_552 : vector<16xf32>
      %get3A_554 = arith.constant 1007 : index
      %get3A_555 = tpu.vector_load %arg17[%get3A_554] {strides = array<i32>} : memref<1040xf32, #tpu.memory_space<vmem>>, vector<16xf32>,
      %add3A_556 = arith.addf %add3A_547, %get3A_555 : vector<16xf32>
      %get3A_557 = arith.constant 1007 : index
      %get3A_558 = tpu.vector_load %arg18[%get3A_557] {strides = array<i32>} : memref<1040xf32, #tpu.memory_space<vmem>>, vector<16xf32>,
      %add3A_559 = arith.addf %add3A_550, %get3A_558 : vector<16xf32>
      %get3A_560 = arith.constant 1007 : index
      %get3A_561 = tpu.vector_load %arg19[%get3A_560] {strides = array<i32>} : memref<1040xf32, #tpu.memory_space<vmem>>, vector<16xf32>,
      %add3A_562 = arith.addf %add3A_553, %get3A_561 : vector<16xf32>
      %swap3A_563 = arith.constant 32 : index
      %swap3A_564 = tpu.vector_load %arg14[%swap3A_563] {strides = array<i32>} : memref<128xf32, #tpu.memory_space<vmem>>, vector<16xf32>,
      tpu.vector_store %arg14[%swap3A_563], %add3A_556 {strides = array<i32>} : memref<128xf32, #tpu.memory_space<vmem>>, vector<16xf32>,
      %swap3A_565 = arith.constant 32 : index
      %swap3A_566 = tpu.vector_load %arg15[%swap3A_565] {strides = array<i32>} : memref<128xf32, #tpu.memory_space<vmem>>, vector<16xf32>,
      tpu.vector_store %arg15[%swap3A_565], %add3A_559 {strides = array<i32>} : memref<128xf32, #tpu.memory_space<vmem>>, vector<16xf32>,
      %swap3A_567 = arith.constant 32 : index
      %swap3A_568 = tpu.vector_load %arg16[%swap3A_567] {strides = array<i32>} : memref<128xf32, #tpu.memory_space<vmem>>, vector<16xf32>,
      tpu.vector_store %arg16[%swap3A_567], %add3A_562 {strides = array<i32>} : memref<128xf32, #tpu.memory_space<vmem>>, vector<16xf32>,
      %get3A_569 = arith.constant 48 : index
      %get3A_570 = tpu.vector_load %arg17[%get3A_569] {strides = array<i32>} : memref<1040xf32, #tpu.memory_space<vmem>>, vector<16xf32>,
      %add3A_571 = arith.addf %broadcast_in_dim3A_1, %get3A_570 : vector<16xf32>
      %get3A_572 = arith.constant 48 : index
      %get3A_573 = tpu.vector_load %arg18[%get3A_572] {strides = array<i32>} : memref<1040xf32, #tpu.memory_space<vmem>>, vector<16xf32>,
      %add3A_574 = arith.addf %broadcast_in_dim3A_1, %get3A_573 : vector<16xf32>
      %get3A_575 = arith.constant 48 : index
      %get3A_576 = tpu.vector_load %arg19[%get3A_575] {strides = array<i32>} : memref<1040xf32, #tpu.memory_space<vmem>>, vector<16xf32>,
      %add3A_577 = arith.addf %broadcast_in_dim3A_1, %get3A_576 : vector<16xf32>
      %get3A_578 = arith.constant 113 : index
      %get3A_579 = tpu.vector_load %arg17[%get3A_578] {strides = array<i32>} : memref<1040xf32, #tpu.memory_space<vmem>>, vector<16xf32>,
      %add3A_580 = arith.addf %add3A_571, %get3A_579 : vector<16xf32>
      %get3A_581 = arith.constant 113 : index
      %get3A_582 = tpu.vector_load %arg18[%get3A_581] {strides = array<i32>} : memref<1040xf32, #tpu.memory_space<vmem>>, vector<16xf32>,
      %add3A_583 = arith.addf %add3A_574, %get3A_582 : vector<16xf32>
      %get3A_584 = arith.constant 113 : index
      %get3A_585 = tpu.vector_load %arg19[%get3A_584] {strides = array<i32>} : memref<1040xf32, #tpu.memory_space<vmem>>, vector<16xf32>,
      %add3A_586 = arith.addf %add3A_577, %get3A_585 : vector<16xf32>
      %get3A_587 = arith.constant 178 : index
      %get3A_588 = tpu.vector_load %arg17[%get3A_587] {strides = array<i32>} : memref<1040xf32, #tpu.memory_space<vmem>>, vector<16xf32>,
      %add3A_589 = arith.addf %add3A_580, %get3A_588 : vector<16xf32>
      %get3A_590 = arith.constant 178 : index
      %get3A_591 = tpu.vector_load %arg18[%get3A_590] {strides = array<i32>} : memref<1040xf32, #tpu.memory_space<vmem>>, vector<16xf32>,
      %add3A_592 = arith.addf %add3A_583, %get3A_591 : vector<16xf32>
      %get3A_593 = arith.constant 178 : index
      %get3A_594 = tpu.vector_load %arg19[%get3A_593] {strides = array<i32>} : memref<1040xf32, #tpu.memory_space<vmem>>, vector<16xf32>,
      %add3A_595 = arith.addf %add3A_586, %get3A_594 : vector<16xf32>
      %get3A_596 = arith.constant 243 : index
      %get3A_597 = tpu.vector_load %arg17[%get3A_596] {strides = array<i32>} : memref<1040xf32, #tpu.memory_space<vmem>>, vector<16xf32>,
      %add3A_598 = arith.addf %add3A_589, %get3A_597 : vector<16xf32>
      %get3A_599 = arith.constant 243 : index
      %get3A_600 = tpu.vector_load %arg18[%get3A_599] {strides = array<i32>} : memref<1040xf32, #tpu.memory_space<vmem>>, vector<16xf32>,
      %add3A_601 = arith.addf %add3A_592, %get3A_600 : vector<16xf32>
      %get3A_602 = arith.constant 243 : index
      %get3A_603 = tpu.vector_load %arg19[%get3A_602] {strides = array<i32>} : memref<1040xf32, #tpu.memory_space<vmem>>, vector<16xf32>,
      %add3A_604 = arith.addf %add3A_595, %get3A_603 : vector<16xf32>
      %get3A_605 = arith.constant 308 : index
      %get3A_606 = tpu.vector_load %arg17[%get3A_605] {strides = array<i32>} : memref<1040xf32, #tpu.memory_space<vmem>>, vector<16xf32>,
      %add3A_607 = arith.addf %add3A_598, %get3A_606 : vector<16xf32>
      %get3A_608 = arith.constant 308 : index
      %get3A_609 = tpu.vector_load %arg18[%get3A_608] {strides = array<i32>} : memref<1040xf32, #tpu.memory_space<vmem>>, vector<16xf32>,
      %add3A_610 = arith.addf %add3A_601, %get3A_609 : vector<16xf32>
      %get3A_611 = arith.constant 308 : index
      %get3A_612 = tpu.vector_load %arg19[%get3A_611] {strides = array<i32>} : memref<1040xf32, #tpu.memory_space<vmem>>, vector<16xf32>,
      %add3A_613 = arith.addf %add3A_604, %get3A_612 : vector<16xf32>
      %get3A_614 = arith.constant 373 : index
      %get3A_615 = tpu.vector_load %arg17[%get3A_614] {strides = array<i32>} : memref<1040xf32, #tpu.memory_space<vmem>>, vector<16xf32>,
      %add3A_616 = arith.addf %add3A_607, %get3A_615 : vector<16xf32>
      %get3A_617 = arith.constant 373 : index
      %get3A_618 = tpu.vector_load %arg18[%get3A_617] {strides = array<i32>} : memref<1040xf32, #tpu.memory_space<vmem>>, vector<16xf32>,
      %add3A_619 = arith.addf %add3A_610, %get3A_618 : vector<16xf32>
      %get3A_620 = arith.constant 373 : index
      %get3A_621 = tpu.vector_load %arg19[%get3A_620] {strides = array<i32>} : memref<1040xf32, #tpu.memory_space<vmem>>, vector<16xf32>,
      %add3A_622 = arith.addf %add3A_613, %get3A_621 : vector<16xf32>
      %get3A_623 = arith.constant 438 : index
      %get3A_624 = tpu.vector_load %arg17[%get3A_623] {strides = array<i32>} : memref<1040xf32, #tpu.memory_space<vmem>>, vector<16xf32>,
      %add3A_625 = arith.addf %add3A_616, %get3A_624 : vector<16xf32>
      %get3A_626 = arith.constant 438 : index
      %get3A_627 = tpu.vector_load %arg18[%get3A_626] {strides = array<i32>} : memref<1040xf32, #tpu.memory_space<vmem>>, vector<16xf32>,
      %add3A_628 = arith.addf %add3A_619, %get3A_627 : vector<16xf32>
      %get3A_629 = arith.constant 438 : index
      %get3A_630 = tpu.vector_load %arg19[%get3A_629] {strides = array<i32>} : memref<1040xf32, #tpu.memory_space<vmem>>, vector<16xf32>,
      %add3A_631 = arith.addf %add3A_622, %get3A_630 : vector<16xf32>
      %get3A_632 = arith.constant 503 : index
      %get3A_633 = tpu.vector_load %arg17[%get3A_632] {strides = array<i32>} : memref<1040xf32, #tpu.memory_space<vmem>>, vector<16xf32>,
      %add3A_634 = arith.addf %add3A_625, %get3A_633 : vector<16xf32>
      %get3A_635 = arith.constant 503 : index
      %get3A_636 = tpu.vector_load %arg18[%get3A_635] {strides = array<i32>} : memref<1040xf32, #tpu.memory_space<vmem>>, vector<16xf32>,
      %add3A_637 = arith.addf %add3A_628, %get3A_636 : vector<16xf32>
      %get3A_638 = arith.constant 503 : index
      %get3A_639 = tpu.vector_load %arg19[%get3A_638] {strides = array<i32>} : memref<1040xf32, #tpu.memory_space<vmem>>, vector<16xf32>,
      %add3A_640 = arith.addf %add3A_631, %get3A_639 : vector<16xf32>
      %get3A_641 = arith.constant 568 : index
      %get3A_642 = tpu.vector_load %arg17[%get3A_641] {strides = array<i32>} : memref<1040xf32, #tpu.memory_space<vmem>>, vector<16xf32>,
      %add3A_643 = arith.addf %add3A_634, %get3A_642 : vector<16xf32>
      %get3A_644 = arith.constant 568 : index
      %get3A_645 = tpu.vector_load %arg18[%get3A_644] {strides = array<i32>} : memref<1040xf32, #tpu.memory_space<vmem>>, vector<16xf32>,
      %add3A_646 = arith.addf %add3A_637, %get3A_645 : vector<16xf32>
      %get3A_647 = arith.constant 568 : index
      %get3A_648 = tpu.vector_load %arg19[%get3A_647] {strides = array<i32>} : memref<1040xf32, #tpu.memory_space<vmem>>, vector<16xf32>,
      %add3A_649 = arith.addf %add3A_640, %get3A_648 : vector<16xf32>
      %get3A_650 = arith.constant 633 : index
      %get3A_651 = tpu.vector_load %arg17[%get3A_650] {strides = array<i32>} : memref<1040xf32, #tpu.memory_space<vmem>>, vector<16xf32>,
      %add3A_652 = arith.addf %add3A_643, %get3A_651 : vector<16xf32>
      %get3A_653 = arith.constant 633 : index
      %get3A_654 = tpu.vector_load %arg18[%get3A_653] {strides = array<i32>} : memref<1040xf32, #tpu.memory_space<vmem>>, vector<16xf32>,
      %add3A_655 = arith.addf %add3A_646, %get3A_654 : vector<16xf32>
      %get3A_656 = arith.constant 633 : index
      %get3A_657 = tpu.vector_load %arg19[%get3A_656] {strides = array<i32>} : memref<1040xf32, #tpu.memory_space<vmem>>, vector<16xf32>,
      %add3A_658 = arith.addf %add3A_649, %get3A_657 : vector<16xf32>
      %get3A_659 = arith.constant 698 : index
      %get3A_660 = tpu.vector_load %arg17[%get3A_659] {strides = array<i32>} : memref<1040xf32, #tpu.memory_space<vmem>>, vector<16xf32>,
      %add3A_661 = arith.addf %add3A_652, %get3A_660 : vector<16xf32>
      %get3A_662 = arith.constant 698 : index
      %get3A_663 = tpu.vector_load %arg18[%get3A_662] {strides = array<i32>} : memref<1040xf32, #tpu.memory_space<vmem>>, vector<16xf32>,
      %add3A_664 = arith.addf %add3A_655, %get3A_663 : vector<16xf32>
      %get3A_665 = arith.constant 698 : index
      %get3A_666 = tpu.vector_load %arg19[%get3A_665] {strides = array<i32>} : memref<1040xf32, #tpu.memory_space<vmem>>, vector<16xf32>,
      %add3A_667 = arith.addf %add3A_658, %get3A_666 : vector<16xf32>
      %get3A_668 = arith.constant 763 : index
      %get3A_669 = tpu.vector_load %arg17[%get3A_668] {strides = array<i32>} : memref<1040xf32, #tpu.memory_space<vmem>>, vector<16xf32>,
      %add3A_670 = arith.addf %add3A_661, %get3A_669 : vector<16xf32>
      %get3A_671 = arith.constant 763 : index
      %get3A_672 = tpu.vector_load %arg18[%get3A_671] {strides = array<i32>} : memref<1040xf32, #tpu.memory_space<vmem>>, vector<16xf32>,
      %add3A_673 = arith.addf %add3A_664, %get3A_672 : vector<16xf32>
      %get3A_674 = arith.constant 763 : index
      %get3A_675 = tpu.vector_load %arg19[%get3A_674] {strides = array<i32>} : memref<1040xf32, #tpu.memory_space<vmem>>, vector<16xf32>,
      %add3A_676 = arith.addf %add3A_667, %get3A_675 : vector<16xf32>
      %get3A_677 = arith.constant 828 : index
      %get3A_678 = tpu.vector_load %arg17[%get3A_677] {strides = array<i32>} : memref<1040xf32, #tpu.memory_space<vmem>>, vector<16xf32>,
      %add3A_679 = arith.addf %add3A_670, %get3A_678 : vector<16xf32>
      %get3A_680 = arith.constant 828 : index
      %get3A_681 = tpu.vector_load %arg18[%get3A_680] {strides = array<i32>} : memref<1040xf32, #tpu.memory_space<vmem>>, vector<16xf32>,
      %add3A_682 = arith.addf %add3A_673, %get3A_681 : vector<16xf32>
      %get3A_683 = arith.constant 828 : index
      %get3A_684 = tpu.vector_load %arg19[%get3A_683] {strides = array<i32>} : memref<1040xf32, #tpu.memory_space<vmem>>, vector<16xf32>,
      %add3A_685 = arith.addf %add3A_676, %get3A_684 : vector<16xf32>
      %get3A_686 = arith.constant 893 : index
      %get3A_687 = tpu.vector_load %arg17[%get3A_686] {strides = array<i32>} : memref<1040xf32, #tpu.memory_space<vmem>>, vector<16xf32>,
      %add3A_688 = arith.addf %add3A_679, %get3A_687 : vector<16xf32>
      %get3A_689 = arith.constant 893 : index
      %get3A_690 = tpu.vector_load %arg18[%get3A_689] {strides = array<i32>} : memref<1040xf32, #tpu.memory_space<vmem>>, vector<16xf32>,
      %add3A_691 = arith.addf %add3A_682, %get3A_690 : vector<16xf32>
      %get3A_692 = arith.constant 893 : index
      %get3A_693 = tpu.vector_load %arg19[%get3A_692] {strides = array<i32>} : memref<1040xf32, #tpu.memory_space<vmem>>, vector<16xf32>,
      %add3A_694 = arith.addf %add3A_685, %get3A_693 : vector<16xf32>
      %get3A_695 = arith.constant 958 : index
      %get3A_696 = tpu.vector_load %arg17[%get3A_695] {strides = array<i32>} : memref<1040xf32, #tpu.memory_space<vmem>>, vector<16xf32>,
      %add3A_697 = arith.addf %add3A_688, %get3A_696 : vector<16xf32>
      %get3A_698 = arith.constant 958 : index
      %get3A_699 = tpu.vector_load %arg18[%get3A_698] {strides = array<i32>} : memref<1040xf32, #tpu.memory_space<vmem>>, vector<16xf32>,
      %add3A_700 = arith.addf %add3A_691, %get3A_699 : vector<16xf32>
      %get3A_701 = arith.constant 958 : index
      %get3A_702 = tpu.vector_load %arg19[%get3A_701] {strides = array<i32>} : memref<1040xf32, #tpu.memory_space<vmem>>, vector<16xf32>,
      %add3A_703 = arith.addf %add3A_694, %get3A_702 : vector<16xf32>
      %get3A_704 = arith.constant 1023 : index
      %get3A_705 = tpu.vector_load %arg17[%get3A_704] {strides = array<i32>} : memref<1040xf32, #tpu.memory_space<vmem>>, vector<16xf32>,
      %add3A_706 = arith.addf %add3A_697, %get3A_705 : vector<16xf32>
      %get3A_707 = arith.constant 1023 : index
      %get3A_708 = tpu.vector_load %arg18[%get3A_707] {strides = array<i32>} : memref<1040xf32, #tpu.memory_space<vmem>>, vector<16xf32>,
      %add3A_709 = arith.addf %add3A_700, %get3A_708 : vector<16xf32>
      %get3A_710 = arith.constant 1023 : index
      %get3A_711 = tpu.vector_load %arg19[%get3A_710] {strides = array<i32>} : memref<1040xf32, #tpu.memory_space<vmem>>, vector<16xf32>,
      %add3A_712 = arith.addf %add3A_703, %get3A_711 : vector<16xf32>
      %swap3A_713 = arith.constant 48 : index
      %swap3A_714 = tpu.vector_load %arg14[%swap3A_713] {strides = array<i32>} : memref<128xf32, #tpu.memory_space<vmem>>, vector<16xf32>,
      tpu.vector_store %arg14[%swap3A_713], %add3A_706 {strides = array<i32>} : memref<128xf32, #tpu.memory_space<vmem>>, vector<16xf32>,
      %swap3A_715 = arith.constant 48 : index
      %swap3A_716 = tpu.vector_load %arg15[%swap3A_715] {strides = array<i32>} : memref<128xf32, #tpu.memory_space<vmem>>, vector<16xf32>,
      tpu.vector_store %arg15[%swap3A_715], %add3A_709 {strides = array<i32>} : memref<128xf32, #tpu.memory_space<vmem>>, vector<16xf32>,
      %swap3A_717 = arith.constant 48 : index
      %swap3A_718 = tpu.vector_load %arg16[%swap3A_717] {strides = array<i32>} : memref<128xf32, #tpu.memory_space<vmem>>, vector<16xf32>,
      tpu.vector_store %arg16[%swap3A_717], %add3A_712 {strides = array<i32>} : memref<128xf32, #tpu.memory_space<vmem>>, vector<16xf32>,
    } else {
    }
    %run_scoped3A = arith.constant 0 : i32
    "tpu.region"() ({
      %run_scoped3A_84 = tpu.sem_alloc : memref<!tpu.dma_semaphore, #tpu.memory_space<semaphore_mem>>
      %dma_start3A = arith.constant 0 : i32
      %dma_start3A_85 = tpu.memref_slice %arg6[%add3A, %run_scoped3A, %dma_start3A] : memref<32x1x128xf32, #tpu.memory_space<hbm>> -> memref<1x1x128xf32, #tpu.memory_space<hbm>>
      %dma_start3A_86 = tpu.memref_squeeze %dma_start3A_85 : memref<1x1x128xf32, #tpu.memory_space<hbm>> -> memref<128xf32, #tpu.memory_space<hbm>>
      %dma_start3A_87 = arith.constant 0 : i32
      %dma_start3A_88 = tpu.memref_slice %arg6[%add3A, %run_scoped3A, %dma_start3A_87] : memref<32x1x128xf32, #tpu.memory_space<hbm>> -> memref<1x1x128xf32, #tpu.memory_space<hbm>>
      %dma_start3A_89 = tpu.memref_squeeze %dma_start3A_88 : memref<1x1x128xf32, #tpu.memory_space<hbm>> -> memref<128xf32, #tpu.memory_space<hbm>>
      tpu.enqueue_dma source(%arg14 : memref<128xf32, #tpu.memory_space<vmem>>) target(%dma_start3A_89 : memref<128xf32, #tpu.memory_space<hbm>>) target_semaphore(%run_scoped3A_84 : memref<!tpu.dma_semaphore, #tpu.memory_space<semaphore_mem>>)
      %dma_wait3A = arith.constant 0 : i32
      %dma_wait3A_90 = tpu.memref_slice %arg6[%add3A, %run_scoped3A, %dma_wait3A] : memref<32x1x128xf32, #tpu.memory_space<hbm>> -> memref<1x1x128xf32, #tpu.memory_space<hbm>>
      %dma_wait3A_91 = tpu.memref_squeeze %dma_wait3A_90 : memref<1x1x128xf32, #tpu.memory_space<hbm>> -> memref<128xf32, #tpu.memory_space<hbm>>
      %dma_wait3A_92 = arith.constant 0 : i32
      %dma_wait3A_93 = tpu.memref_slice %arg6[%add3A, %run_scoped3A, %dma_wait3A_92] : memref<32x1x128xf32, #tpu.memory_space<hbm>> -> memref<1x1x128xf32, #tpu.memory_space<hbm>>
      %dma_wait3A_94 = tpu.memref_squeeze %dma_wait3A_93 : memref<1x1x128xf32, #tpu.memory_space<hbm>> -> memref<128xf32, #tpu.memory_space<hbm>>
      tpu.wait_dma2 semaphore(%run_scoped3A_84 : memref<!tpu.dma_semaphore, #tpu.memory_space<semaphore_mem>>) src(%arg14 : memref<128xf32, #tpu.memory_space<vmem>>) dst(%dma_wait3A_94 : memref<128xf32, #tpu.memory_space<hbm>>)
      tpu.yield
    }) : () -> ()
    %run_scoped3A_82 = arith.constant 0 : i32
    "tpu.region"() ({
      %run_scoped3A_84 = tpu.sem_alloc : memref<!tpu.dma_semaphore, #tpu.memory_space<semaphore_mem>>
      %dma_start3A = arith.constant 0 : i32
      %dma_start3A_85 = tpu.memref_slice %arg7[%add3A, %run_scoped3A_82, %dma_start3A] : memref<32x1x128xf32, #tpu.memory_space<hbm>> -> memref<1x1x128xf32, #tpu.memory_space<hbm>>
      %dma_start3A_86 = tpu.memref_squeeze %dma_start3A_85 : memref<1x1x128xf32, #tpu.memory_space<hbm>> -> memref<128xf32, #tpu.memory_space<hbm>>
      %dma_start3A_87 = arith.constant 0 : i32
      %dma_start3A_88 = tpu.memref_slice %arg7[%add3A, %run_scoped3A_82, %dma_start3A_87] : memref<32x1x128xf32, #tpu.memory_space<hbm>> -> memref<1x1x128xf32, #tpu.memory_space<hbm>>
      %dma_start3A_89 = tpu.memref_squeeze %dma_start3A_88 : memref<1x1x128xf32, #tpu.memory_space<hbm>> -> memref<128xf32, #tpu.memory_space<hbm>>
      tpu.enqueue_dma source(%arg15 : memref<128xf32, #tpu.memory_space<vmem>>) target(%dma_start3A_89 : memref<128xf32, #tpu.memory_space<hbm>>) target_semaphore(%run_scoped3A_84 : memref<!tpu.dma_semaphore, #tpu.memory_space<semaphore_mem>>)
      %dma_wait3A = arith.constant 0 : i32
      %dma_wait3A_90 = tpu.memref_slice %arg7[%add3A, %run_scoped3A_82, %dma_wait3A] : memref<32x1x128xf32, #tpu.memory_space<hbm>> -> memref<1x1x128xf32, #tpu.memory_space<hbm>>
      %dma_wait3A_91 = tpu.memref_squeeze %dma_wait3A_90 : memref<1x1x128xf32, #tpu.memory_space<hbm>> -> memref<128xf32, #tpu.memory_space<hbm>>
      %dma_wait3A_92 = arith.constant 0 : i32
      %dma_wait3A_93 = tpu.memref_slice %arg7[%add3A, %run_scoped3A_82, %dma_wait3A_92] : memref<32x1x128xf32, #tpu.memory_space<hbm>> -> memref<1x1x128xf32, #tpu.memory_space<hbm>>
      %dma_wait3A_94 = tpu.memref_squeeze %dma_wait3A_93 : memref<1x1x128xf32, #tpu.memory_space<hbm>> -> memref<128xf32, #tpu.memory_space<hbm>>
      tpu.wait_dma2 semaphore(%run_scoped3A_84 : memref<!tpu.dma_semaphore, #tpu.memory_space<semaphore_mem>>) src(%arg15 : memref<128xf32, #tpu.memory_space<vmem>>) dst(%dma_wait3A_94 : memref<128xf32, #tpu.memory_space<hbm>>)
      tpu.yield
    }) : () -> ()
    %run_scoped3A_83 = arith.constant 0 : i32
    "tpu.region"() ({
      %run_scoped3A_84 = tpu.sem_alloc : memref<!tpu.dma_semaphore, #tpu.memory_space<semaphore_mem>>
      %dma_start3A = arith.constant 0 : i32
      %dma_start3A_85 = tpu.memref_slice %arg8[%add3A, %run_scoped3A_83, %dma_start3A] : memref<32x1x128xf32, #tpu.memory_space<hbm>> -> memref<1x1x128xf32, #tpu.memory_space<hbm>>
      %dma_start3A_86 = tpu.memref_squeeze %dma_start3A_85 : memref<1x1x128xf32, #tpu.memory_space<hbm>> -> memref<128xf32, #tpu.memory_space<hbm>>
      %dma_start3A_87 = arith.constant 0 : i32
      %dma_start3A_88 = tpu.memref_slice %arg8[%add3A, %run_scoped3A_83, %dma_start3A_87] : memref<32x1x128xf32, #tpu.memory_space<hbm>> -> memref<1x1x128xf32, #tpu.memory_space<hbm>>
      %dma_start3A_89 = tpu.memref_squeeze %dma_start3A_88 : memref<1x1x128xf32, #tpu.memory_space<hbm>> -> memref<128xf32, #tpu.memory_space<hbm>>
      tpu.enqueue_dma source(%arg16 : memref<128xf32, #tpu.memory_space<vmem>>) target(%dma_start3A_89 : memref<128xf32, #tpu.memory_space<hbm>>) target_semaphore(%run_scoped3A_84 : memref<!tpu.dma_semaphore, #tpu.memory_space<semaphore_mem>>)
      %dma_wait3A = arith.constant 0 : i32
      %dma_wait3A_90 = tpu.memref_slice %arg8[%add3A, %run_scoped3A_83, %dma_wait3A] : memref<32x1x128xf32, #tpu.memory_space<hbm>> -> memref<1x1x128xf32, #tpu.memory_space<hbm>>
      %dma_wait3A_91 = tpu.memref_squeeze %dma_wait3A_90 : memref<1x1x128xf32, #tpu.memory_space<hbm>> -> memref<128xf32, #tpu.memory_space<hbm>>
      %dma_wait3A_92 = arith.constant 0 : i32
      %dma_wait3A_93 = tpu.memref_slice %arg8[%add3A, %run_scoped3A_83, %dma_wait3A_92] : memref<32x1x128xf32, #tpu.memory_space<hbm>> -> memref<1x1x128xf32, #tpu.memory_space<hbm>>
      %dma_wait3A_94 = tpu.memref_squeeze %dma_wait3A_93 : memref<1x1x128xf32, #tpu.memory_space<hbm>> -> memref<128xf32, #tpu.memory_space<hbm>>
      tpu.wait_dma2 semaphore(%run_scoped3A_84 : memref<!tpu.dma_semaphore, #tpu.memory_space<semaphore_mem>>) src(%arg16 : memref<128xf32, #tpu.memory_space<vmem>>) dst(%dma_wait3A_94 : memref<128xf32, #tpu.memory_space<hbm>>)
      tpu.yield
    }) : () -> ()
    return
  }
}

module attributes {stable_mosaic.version = 14 : i64} {
  func.func @_seg_body(%arg0: memref<1x64xi32, #tpu.memory_space<smem>>, %arg1: memref<80x128xi32, #tpu.memory_space<vmem>>) attributes {dimension_semantics = [], scalar_prefetch = 0 : i64, scratch_operands = 0 : i64, tpu.core_type = #tpu.core_type<tc>} {
    %iota3A = tpu.iota {dimensions = array<i32: 0>} : vector<80x128xi32>
    %mul3A = arith.constant 128 : i32
    %mul3A_0 = vector.broadcast %mul3A : i32 to vector<80x128xi32>
    %mul3A_1 = arith.muli %iota3A, %mul3A_0 : vector<80x128xi32>
    %iota3A_2 = tpu.iota {dimensions = array<i32: 1>} : vector<80x128xi32>
    %add3A = arith.addi %mul3A_1, %iota3A_2 : vector<80x128xi32>
    %broadcast_in_dim3A = arith.constant 0 : i32
    %broadcast_in_dim3A_3 = vector.broadcast %broadcast_in_dim3A : i32 to vector<80x128xi32>
    %get3A = arith.constant 0 : index
    %get3A_4 = arith.constant 0 : index
    %get3A_5 = memref.load %arg0[%get3A, %get3A_4] : memref<1x64xi32, #tpu.memory_space<smem>>
    %ge3A = vector.broadcast %get3A_5 : i32 to vector<80x128xi32>
    %ge3A_6 = arith.cmpi sge, %add3A, %ge3A : vector<80x128xi32>
    %convert_element_type3A = arith.extui %ge3A_6 : vector<80x128xi1> to vector<80x128xi32>
    %add3A_7 = arith.addi %broadcast_in_dim3A_3, %convert_element_type3A : vector<80x128xi32>
    %get3A_8 = arith.constant 0 : index
    %get3A_9 = arith.constant 1 : index
    %get3A_10 = memref.load %arg0[%get3A_8, %get3A_9] : memref<1x64xi32, #tpu.memory_space<smem>>
    %ge3A_11 = vector.broadcast %get3A_10 : i32 to vector<80x128xi32>
    %ge3A_12 = arith.cmpi sge, %add3A, %ge3A_11 : vector<80x128xi32>
    %convert_element_type3A_13 = arith.extui %ge3A_12 : vector<80x128xi1> to vector<80x128xi32>
    %add3A_14 = arith.addi %add3A_7, %convert_element_type3A_13 : vector<80x128xi32>
    %get3A_15 = arith.constant 0 : index
    %get3A_16 = arith.constant 2 : index
    %get3A_17 = memref.load %arg0[%get3A_15, %get3A_16] : memref<1x64xi32, #tpu.memory_space<smem>>
    %ge3A_18 = vector.broadcast %get3A_17 : i32 to vector<80x128xi32>
    %ge3A_19 = arith.cmpi sge, %add3A, %ge3A_18 : vector<80x128xi32>
    %convert_element_type3A_20 = arith.extui %ge3A_19 : vector<80x128xi1> to vector<80x128xi32>
    %add3A_21 = arith.addi %add3A_14, %convert_element_type3A_20 : vector<80x128xi32>
    %get3A_22 = arith.constant 0 : index
    %get3A_23 = arith.constant 3 : index
    %get3A_24 = memref.load %arg0[%get3A_22, %get3A_23] : memref<1x64xi32, #tpu.memory_space<smem>>
    %ge3A_25 = vector.broadcast %get3A_24 : i32 to vector<80x128xi32>
    %ge3A_26 = arith.cmpi sge, %add3A, %ge3A_25 : vector<80x128xi32>
    %convert_element_type3A_27 = arith.extui %ge3A_26 : vector<80x128xi1> to vector<80x128xi32>
    %add3A_28 = arith.addi %add3A_21, %convert_element_type3A_27 : vector<80x128xi32>
    %get3A_29 = arith.constant 0 : index
    %get3A_30 = arith.constant 4 : index
    %get3A_31 = memref.load %arg0[%get3A_29, %get3A_30] : memref<1x64xi32, #tpu.memory_space<smem>>
    %ge3A_32 = vector.broadcast %get3A_31 : i32 to vector<80x128xi32>
    %ge3A_33 = arith.cmpi sge, %add3A, %ge3A_32 : vector<80x128xi32>
    %convert_element_type3A_34 = arith.extui %ge3A_33 : vector<80x128xi1> to vector<80x128xi32>
    %add3A_35 = arith.addi %add3A_28, %convert_element_type3A_34 : vector<80x128xi32>
    %get3A_36 = arith.constant 0 : index
    %get3A_37 = arith.constant 5 : index
    %get3A_38 = memref.load %arg0[%get3A_36, %get3A_37] : memref<1x64xi32, #tpu.memory_space<smem>>
    %ge3A_39 = vector.broadcast %get3A_38 : i32 to vector<80x128xi32>
    %ge3A_40 = arith.cmpi sge, %add3A, %ge3A_39 : vector<80x128xi32>
    %convert_element_type3A_41 = arith.extui %ge3A_40 : vector<80x128xi1> to vector<80x128xi32>
    %add3A_42 = arith.addi %add3A_35, %convert_element_type3A_41 : vector<80x128xi32>
    %get3A_43 = arith.constant 0 : index
    %get3A_44 = arith.constant 6 : index
    %get3A_45 = memref.load %arg0[%get3A_43, %get3A_44] : memref<1x64xi32, #tpu.memory_space<smem>>
    %ge3A_46 = vector.broadcast %get3A_45 : i32 to vector<80x128xi32>
    %ge3A_47 = arith.cmpi sge, %add3A, %ge3A_46 : vector<80x128xi32>
    %convert_element_type3A_48 = arith.extui %ge3A_47 : vector<80x128xi1> to vector<80x128xi32>
    %add3A_49 = arith.addi %add3A_42, %convert_element_type3A_48 : vector<80x128xi32>
    %get3A_50 = arith.constant 0 : index
    %get3A_51 = arith.constant 7 : index
    %get3A_52 = memref.load %arg0[%get3A_50, %get3A_51] : memref<1x64xi32, #tpu.memory_space<smem>>
    %ge3A_53 = vector.broadcast %get3A_52 : i32 to vector<80x128xi32>
    %ge3A_54 = arith.cmpi sge, %add3A, %ge3A_53 : vector<80x128xi32>
    %convert_element_type3A_55 = arith.extui %ge3A_54 : vector<80x128xi1> to vector<80x128xi32>
    %add3A_56 = arith.addi %add3A_49, %convert_element_type3A_55 : vector<80x128xi32>
    %get3A_57 = arith.constant 0 : index
    %get3A_58 = arith.constant 8 : index
    %get3A_59 = memref.load %arg0[%get3A_57, %get3A_58] : memref<1x64xi32, #tpu.memory_space<smem>>
    %ge3A_60 = vector.broadcast %get3A_59 : i32 to vector<80x128xi32>
    %ge3A_61 = arith.cmpi sge, %add3A, %ge3A_60 : vector<80x128xi32>
    %convert_element_type3A_62 = arith.extui %ge3A_61 : vector<80x128xi1> to vector<80x128xi32>
    %add3A_63 = arith.addi %add3A_56, %convert_element_type3A_62 : vector<80x128xi32>
    %get3A_64 = arith.constant 0 : index
    %get3A_65 = arith.constant 9 : index
    %get3A_66 = memref.load %arg0[%get3A_64, %get3A_65] : memref<1x64xi32, #tpu.memory_space<smem>>
    %ge3A_67 = vector.broadcast %get3A_66 : i32 to vector<80x128xi32>
    %ge3A_68 = arith.cmpi sge, %add3A, %ge3A_67 : vector<80x128xi32>
    %convert_element_type3A_69 = arith.extui %ge3A_68 : vector<80x128xi1> to vector<80x128xi32>
    %add3A_70 = arith.addi %add3A_63, %convert_element_type3A_69 : vector<80x128xi32>
    %get3A_71 = arith.constant 0 : index
    %get3A_72 = arith.constant 10 : index
    %get3A_73 = memref.load %arg0[%get3A_71, %get3A_72] : memref<1x64xi32, #tpu.memory_space<smem>>
    %ge3A_74 = vector.broadcast %get3A_73 : i32 to vector<80x128xi32>
    %ge3A_75 = arith.cmpi sge, %add3A, %ge3A_74 : vector<80x128xi32>
    %convert_element_type3A_76 = arith.extui %ge3A_75 : vector<80x128xi1> to vector<80x128xi32>
    %add3A_77 = arith.addi %add3A_70, %convert_element_type3A_76 : vector<80x128xi32>
    %get3A_78 = arith.constant 0 : index
    %get3A_79 = arith.constant 11 : index
    %get3A_80 = memref.load %arg0[%get3A_78, %get3A_79] : memref<1x64xi32, #tpu.memory_space<smem>>
    %ge3A_81 = vector.broadcast %get3A_80 : i32 to vector<80x128xi32>
    %ge3A_82 = arith.cmpi sge, %add3A, %ge3A_81 : vector<80x128xi32>
    %convert_element_type3A_83 = arith.extui %ge3A_82 : vector<80x128xi1> to vector<80x128xi32>
    %add3A_84 = arith.addi %add3A_77, %convert_element_type3A_83 : vector<80x128xi32>
    %get3A_85 = arith.constant 0 : index
    %get3A_86 = arith.constant 12 : index
    %get3A_87 = memref.load %arg0[%get3A_85, %get3A_86] : memref<1x64xi32, #tpu.memory_space<smem>>
    %ge3A_88 = vector.broadcast %get3A_87 : i32 to vector<80x128xi32>
    %ge3A_89 = arith.cmpi sge, %add3A, %ge3A_88 : vector<80x128xi32>
    %convert_element_type3A_90 = arith.extui %ge3A_89 : vector<80x128xi1> to vector<80x128xi32>
    %add3A_91 = arith.addi %add3A_84, %convert_element_type3A_90 : vector<80x128xi32>
    %get3A_92 = arith.constant 0 : index
    %get3A_93 = arith.constant 13 : index
    %get3A_94 = memref.load %arg0[%get3A_92, %get3A_93] : memref<1x64xi32, #tpu.memory_space<smem>>
    %ge3A_95 = vector.broadcast %get3A_94 : i32 to vector<80x128xi32>
    %ge3A_96 = arith.cmpi sge, %add3A, %ge3A_95 : vector<80x128xi32>
    %convert_element_type3A_97 = arith.extui %ge3A_96 : vector<80x128xi1> to vector<80x128xi32>
    %add3A_98 = arith.addi %add3A_91, %convert_element_type3A_97 : vector<80x128xi32>
    %get3A_99 = arith.constant 0 : index
    %get3A_100 = arith.constant 14 : index
    %get3A_101 = memref.load %arg0[%get3A_99, %get3A_100] : memref<1x64xi32, #tpu.memory_space<smem>>
    %ge3A_102 = vector.broadcast %get3A_101 : i32 to vector<80x128xi32>
    %ge3A_103 = arith.cmpi sge, %add3A, %ge3A_102 : vector<80x128xi32>
    %convert_element_type3A_104 = arith.extui %ge3A_103 : vector<80x128xi1> to vector<80x128xi32>
    %add3A_105 = arith.addi %add3A_98, %convert_element_type3A_104 : vector<80x128xi32>
    %get3A_106 = arith.constant 0 : index
    %get3A_107 = arith.constant 15 : index
    %get3A_108 = memref.load %arg0[%get3A_106, %get3A_107] : memref<1x64xi32, #tpu.memory_space<smem>>
    %ge3A_109 = vector.broadcast %get3A_108 : i32 to vector<80x128xi32>
    %ge3A_110 = arith.cmpi sge, %add3A, %ge3A_109 : vector<80x128xi32>
    %convert_element_type3A_111 = arith.extui %ge3A_110 : vector<80x128xi1> to vector<80x128xi32>
    %add3A_112 = arith.addi %add3A_105, %convert_element_type3A_111 : vector<80x128xi32>
    %get3A_113 = arith.constant 0 : index
    %get3A_114 = arith.constant 16 : index
    %get3A_115 = memref.load %arg0[%get3A_113, %get3A_114] : memref<1x64xi32, #tpu.memory_space<smem>>
    %ge3A_116 = vector.broadcast %get3A_115 : i32 to vector<80x128xi32>
    %ge3A_117 = arith.cmpi sge, %add3A, %ge3A_116 : vector<80x128xi32>
    %convert_element_type3A_118 = arith.extui %ge3A_117 : vector<80x128xi1> to vector<80x128xi32>
    %add3A_119 = arith.addi %add3A_112, %convert_element_type3A_118 : vector<80x128xi32>
    %get3A_120 = arith.constant 0 : index
    %get3A_121 = arith.constant 17 : index
    %get3A_122 = memref.load %arg0[%get3A_120, %get3A_121] : memref<1x64xi32, #tpu.memory_space<smem>>
    %ge3A_123 = vector.broadcast %get3A_122 : i32 to vector<80x128xi32>
    %ge3A_124 = arith.cmpi sge, %add3A, %ge3A_123 : vector<80x128xi32>
    %convert_element_type3A_125 = arith.extui %ge3A_124 : vector<80x128xi1> to vector<80x128xi32>
    %add3A_126 = arith.addi %add3A_119, %convert_element_type3A_125 : vector<80x128xi32>
    %get3A_127 = arith.constant 0 : index
    %get3A_128 = arith.constant 18 : index
    %get3A_129 = memref.load %arg0[%get3A_127, %get3A_128] : memref<1x64xi32, #tpu.memory_space<smem>>
    %ge3A_130 = vector.broadcast %get3A_129 : i32 to vector<80x128xi32>
    %ge3A_131 = arith.cmpi sge, %add3A, %ge3A_130 : vector<80x128xi32>
    %convert_element_type3A_132 = arith.extui %ge3A_131 : vector<80x128xi1> to vector<80x128xi32>
    %add3A_133 = arith.addi %add3A_126, %convert_element_type3A_132 : vector<80x128xi32>
    %get3A_134 = arith.constant 0 : index
    %get3A_135 = arith.constant 19 : index
    %get3A_136 = memref.load %arg0[%get3A_134, %get3A_135] : memref<1x64xi32, #tpu.memory_space<smem>>
    %ge3A_137 = vector.broadcast %get3A_136 : i32 to vector<80x128xi32>
    %ge3A_138 = arith.cmpi sge, %add3A, %ge3A_137 : vector<80x128xi32>
    %convert_element_type3A_139 = arith.extui %ge3A_138 : vector<80x128xi1> to vector<80x128xi32>
    %add3A_140 = arith.addi %add3A_133, %convert_element_type3A_139 : vector<80x128xi32>
    %get3A_141 = arith.constant 0 : index
    %get3A_142 = arith.constant 20 : index
    %get3A_143 = memref.load %arg0[%get3A_141, %get3A_142] : memref<1x64xi32, #tpu.memory_space<smem>>
    %ge3A_144 = vector.broadcast %get3A_143 : i32 to vector<80x128xi32>
    %ge3A_145 = arith.cmpi sge, %add3A, %ge3A_144 : vector<80x128xi32>
    %convert_element_type3A_146 = arith.extui %ge3A_145 : vector<80x128xi1> to vector<80x128xi32>
    %add3A_147 = arith.addi %add3A_140, %convert_element_type3A_146 : vector<80x128xi32>
    %get3A_148 = arith.constant 0 : index
    %get3A_149 = arith.constant 21 : index
    %get3A_150 = memref.load %arg0[%get3A_148, %get3A_149] : memref<1x64xi32, #tpu.memory_space<smem>>
    %ge3A_151 = vector.broadcast %get3A_150 : i32 to vector<80x128xi32>
    %ge3A_152 = arith.cmpi sge, %add3A, %ge3A_151 : vector<80x128xi32>
    %convert_element_type3A_153 = arith.extui %ge3A_152 : vector<80x128xi1> to vector<80x128xi32>
    %add3A_154 = arith.addi %add3A_147, %convert_element_type3A_153 : vector<80x128xi32>
    %get3A_155 = arith.constant 0 : index
    %get3A_156 = arith.constant 22 : index
    %get3A_157 = memref.load %arg0[%get3A_155, %get3A_156] : memref<1x64xi32, #tpu.memory_space<smem>>
    %ge3A_158 = vector.broadcast %get3A_157 : i32 to vector<80x128xi32>
    %ge3A_159 = arith.cmpi sge, %add3A, %ge3A_158 : vector<80x128xi32>
    %convert_element_type3A_160 = arith.extui %ge3A_159 : vector<80x128xi1> to vector<80x128xi32>
    %add3A_161 = arith.addi %add3A_154, %convert_element_type3A_160 : vector<80x128xi32>
    %get3A_162 = arith.constant 0 : index
    %get3A_163 = arith.constant 23 : index
    %get3A_164 = memref.load %arg0[%get3A_162, %get3A_163] : memref<1x64xi32, #tpu.memory_space<smem>>
    %ge3A_165 = vector.broadcast %get3A_164 : i32 to vector<80x128xi32>
    %ge3A_166 = arith.cmpi sge, %add3A, %ge3A_165 : vector<80x128xi32>
    %convert_element_type3A_167 = arith.extui %ge3A_166 : vector<80x128xi1> to vector<80x128xi32>
    %add3A_168 = arith.addi %add3A_161, %convert_element_type3A_167 : vector<80x128xi32>
    %get3A_169 = arith.constant 0 : index
    %get3A_170 = arith.constant 24 : index
    %get3A_171 = memref.load %arg0[%get3A_169, %get3A_170] : memref<1x64xi32, #tpu.memory_space<smem>>
    %ge3A_172 = vector.broadcast %get3A_171 : i32 to vector<80x128xi32>
    %ge3A_173 = arith.cmpi sge, %add3A, %ge3A_172 : vector<80x128xi32>
    %convert_element_type3A_174 = arith.extui %ge3A_173 : vector<80x128xi1> to vector<80x128xi32>
    %add3A_175 = arith.addi %add3A_168, %convert_element_type3A_174 : vector<80x128xi32>
    %get3A_176 = arith.constant 0 : index
    %get3A_177 = arith.constant 25 : index
    %get3A_178 = memref.load %arg0[%get3A_176, %get3A_177] : memref<1x64xi32, #tpu.memory_space<smem>>
    %ge3A_179 = vector.broadcast %get3A_178 : i32 to vector<80x128xi32>
    %ge3A_180 = arith.cmpi sge, %add3A, %ge3A_179 : vector<80x128xi32>
    %convert_element_type3A_181 = arith.extui %ge3A_180 : vector<80x128xi1> to vector<80x128xi32>
    %add3A_182 = arith.addi %add3A_175, %convert_element_type3A_181 : vector<80x128xi32>
    %get3A_183 = arith.constant 0 : index
    %get3A_184 = arith.constant 26 : index
    %get3A_185 = memref.load %arg0[%get3A_183, %get3A_184] : memref<1x64xi32, #tpu.memory_space<smem>>
    %ge3A_186 = vector.broadcast %get3A_185 : i32 to vector<80x128xi32>
    %ge3A_187 = arith.cmpi sge, %add3A, %ge3A_186 : vector<80x128xi32>
    %convert_element_type3A_188 = arith.extui %ge3A_187 : vector<80x128xi1> to vector<80x128xi32>
    %add3A_189 = arith.addi %add3A_182, %convert_element_type3A_188 : vector<80x128xi32>
    %get3A_190 = arith.constant 0 : index
    %get3A_191 = arith.constant 27 : index
    %get3A_192 = memref.load %arg0[%get3A_190, %get3A_191] : memref<1x64xi32, #tpu.memory_space<smem>>
    %ge3A_193 = vector.broadcast %get3A_192 : i32 to vector<80x128xi32>
    %ge3A_194 = arith.cmpi sge, %add3A, %ge3A_193 : vector<80x128xi32>
    %convert_element_type3A_195 = arith.extui %ge3A_194 : vector<80x128xi1> to vector<80x128xi32>
    %add3A_196 = arith.addi %add3A_189, %convert_element_type3A_195 : vector<80x128xi32>
    %get3A_197 = arith.constant 0 : index
    %get3A_198 = arith.constant 28 : index
    %get3A_199 = memref.load %arg0[%get3A_197, %get3A_198] : memref<1x64xi32, #tpu.memory_space<smem>>
    %ge3A_200 = vector.broadcast %get3A_199 : i32 to vector<80x128xi32>
    %ge3A_201 = arith.cmpi sge, %add3A, %ge3A_200 : vector<80x128xi32>
    %convert_element_type3A_202 = arith.extui %ge3A_201 : vector<80x128xi1> to vector<80x128xi32>
    %add3A_203 = arith.addi %add3A_196, %convert_element_type3A_202 : vector<80x128xi32>
    %get3A_204 = arith.constant 0 : index
    %get3A_205 = arith.constant 29 : index
    %get3A_206 = memref.load %arg0[%get3A_204, %get3A_205] : memref<1x64xi32, #tpu.memory_space<smem>>
    %ge3A_207 = vector.broadcast %get3A_206 : i32 to vector<80x128xi32>
    %ge3A_208 = arith.cmpi sge, %add3A, %ge3A_207 : vector<80x128xi32>
    %convert_element_type3A_209 = arith.extui %ge3A_208 : vector<80x128xi1> to vector<80x128xi32>
    %add3A_210 = arith.addi %add3A_203, %convert_element_type3A_209 : vector<80x128xi32>
    %get3A_211 = arith.constant 0 : index
    %get3A_212 = arith.constant 30 : index
    %get3A_213 = memref.load %arg0[%get3A_211, %get3A_212] : memref<1x64xi32, #tpu.memory_space<smem>>
    %ge3A_214 = vector.broadcast %get3A_213 : i32 to vector<80x128xi32>
    %ge3A_215 = arith.cmpi sge, %add3A, %ge3A_214 : vector<80x128xi32>
    %convert_element_type3A_216 = arith.extui %ge3A_215 : vector<80x128xi1> to vector<80x128xi32>
    %add3A_217 = arith.addi %add3A_210, %convert_element_type3A_216 : vector<80x128xi32>
    %get3A_218 = arith.constant 0 : index
    %get3A_219 = arith.constant 31 : index
    %get3A_220 = memref.load %arg0[%get3A_218, %get3A_219] : memref<1x64xi32, #tpu.memory_space<smem>>
    %ge3A_221 = vector.broadcast %get3A_220 : i32 to vector<80x128xi32>
    %ge3A_222 = arith.cmpi sge, %add3A, %ge3A_221 : vector<80x128xi32>
    %convert_element_type3A_223 = arith.extui %ge3A_222 : vector<80x128xi1> to vector<80x128xi32>
    %add3A_224 = arith.addi %add3A_217, %convert_element_type3A_223 : vector<80x128xi32>
    %get3A_225 = arith.constant 0 : index
    %get3A_226 = arith.constant 32 : index
    %get3A_227 = memref.load %arg0[%get3A_225, %get3A_226] : memref<1x64xi32, #tpu.memory_space<smem>>
    %ge3A_228 = vector.broadcast %get3A_227 : i32 to vector<80x128xi32>
    %ge3A_229 = arith.cmpi sge, %add3A, %ge3A_228 : vector<80x128xi32>
    %convert_element_type3A_230 = arith.extui %ge3A_229 : vector<80x128xi1> to vector<80x128xi32>
    %add3A_231 = arith.addi %add3A_224, %convert_element_type3A_230 : vector<80x128xi32>
    %get3A_232 = arith.constant 0 : index
    %get3A_233 = arith.constant 33 : index
    %get3A_234 = memref.load %arg0[%get3A_232, %get3A_233] : memref<1x64xi32, #tpu.memory_space<smem>>
    %ge3A_235 = vector.broadcast %get3A_234 : i32 to vector<80x128xi32>
    %ge3A_236 = arith.cmpi sge, %add3A, %ge3A_235 : vector<80x128xi32>
    %convert_element_type3A_237 = arith.extui %ge3A_236 : vector<80x128xi1> to vector<80x128xi32>
    %add3A_238 = arith.addi %add3A_231, %convert_element_type3A_237 : vector<80x128xi32>
    %get3A_239 = arith.constant 0 : index
    %get3A_240 = arith.constant 34 : index
    %get3A_241 = memref.load %arg0[%get3A_239, %get3A_240] : memref<1x64xi32, #tpu.memory_space<smem>>
    %ge3A_242 = vector.broadcast %get3A_241 : i32 to vector<80x128xi32>
    %ge3A_243 = arith.cmpi sge, %add3A, %ge3A_242 : vector<80x128xi32>
    %convert_element_type3A_244 = arith.extui %ge3A_243 : vector<80x128xi1> to vector<80x128xi32>
    %add3A_245 = arith.addi %add3A_238, %convert_element_type3A_244 : vector<80x128xi32>
    %get3A_246 = arith.constant 0 : index
    %get3A_247 = arith.constant 35 : index
    %get3A_248 = memref.load %arg0[%get3A_246, %get3A_247] : memref<1x64xi32, #tpu.memory_space<smem>>
    %ge3A_249 = vector.broadcast %get3A_248 : i32 to vector<80x128xi32>
    %ge3A_250 = arith.cmpi sge, %add3A, %ge3A_249 : vector<80x128xi32>
    %convert_element_type3A_251 = arith.extui %ge3A_250 : vector<80x128xi1> to vector<80x128xi32>
    %add3A_252 = arith.addi %add3A_245, %convert_element_type3A_251 : vector<80x128xi32>
    %get3A_253 = arith.constant 0 : index
    %get3A_254 = arith.constant 36 : index
    %get3A_255 = memref.load %arg0[%get3A_253, %get3A_254] : memref<1x64xi32, #tpu.memory_space<smem>>
    %ge3A_256 = vector.broadcast %get3A_255 : i32 to vector<80x128xi32>
    %ge3A_257 = arith.cmpi sge, %add3A, %ge3A_256 : vector<80x128xi32>
    %convert_element_type3A_258 = arith.extui %ge3A_257 : vector<80x128xi1> to vector<80x128xi32>
    %add3A_259 = arith.addi %add3A_252, %convert_element_type3A_258 : vector<80x128xi32>
    %get3A_260 = arith.constant 0 : index
    %get3A_261 = arith.constant 37 : index
    %get3A_262 = memref.load %arg0[%get3A_260, %get3A_261] : memref<1x64xi32, #tpu.memory_space<smem>>
    %ge3A_263 = vector.broadcast %get3A_262 : i32 to vector<80x128xi32>
    %ge3A_264 = arith.cmpi sge, %add3A, %ge3A_263 : vector<80x128xi32>
    %convert_element_type3A_265 = arith.extui %ge3A_264 : vector<80x128xi1> to vector<80x128xi32>
    %add3A_266 = arith.addi %add3A_259, %convert_element_type3A_265 : vector<80x128xi32>
    %get3A_267 = arith.constant 0 : index
    %get3A_268 = arith.constant 38 : index
    %get3A_269 = memref.load %arg0[%get3A_267, %get3A_268] : memref<1x64xi32, #tpu.memory_space<smem>>
    %ge3A_270 = vector.broadcast %get3A_269 : i32 to vector<80x128xi32>
    %ge3A_271 = arith.cmpi sge, %add3A, %ge3A_270 : vector<80x128xi32>
    %convert_element_type3A_272 = arith.extui %ge3A_271 : vector<80x128xi1> to vector<80x128xi32>
    %add3A_273 = arith.addi %add3A_266, %convert_element_type3A_272 : vector<80x128xi32>
    %get3A_274 = arith.constant 0 : index
    %get3A_275 = arith.constant 39 : index
    %get3A_276 = memref.load %arg0[%get3A_274, %get3A_275] : memref<1x64xi32, #tpu.memory_space<smem>>
    %ge3A_277 = vector.broadcast %get3A_276 : i32 to vector<80x128xi32>
    %ge3A_278 = arith.cmpi sge, %add3A, %ge3A_277 : vector<80x128xi32>
    %convert_element_type3A_279 = arith.extui %ge3A_278 : vector<80x128xi1> to vector<80x128xi32>
    %add3A_280 = arith.addi %add3A_273, %convert_element_type3A_279 : vector<80x128xi32>
    %get3A_281 = arith.constant 0 : index
    %get3A_282 = arith.constant 40 : index
    %get3A_283 = memref.load %arg0[%get3A_281, %get3A_282] : memref<1x64xi32, #tpu.memory_space<smem>>
    %ge3A_284 = vector.broadcast %get3A_283 : i32 to vector<80x128xi32>
    %ge3A_285 = arith.cmpi sge, %add3A, %ge3A_284 : vector<80x128xi32>
    %convert_element_type3A_286 = arith.extui %ge3A_285 : vector<80x128xi1> to vector<80x128xi32>
    %add3A_287 = arith.addi %add3A_280, %convert_element_type3A_286 : vector<80x128xi32>
    %get3A_288 = arith.constant 0 : index
    %get3A_289 = arith.constant 41 : index
    %get3A_290 = memref.load %arg0[%get3A_288, %get3A_289] : memref<1x64xi32, #tpu.memory_space<smem>>
    %ge3A_291 = vector.broadcast %get3A_290 : i32 to vector<80x128xi32>
    %ge3A_292 = arith.cmpi sge, %add3A, %ge3A_291 : vector<80x128xi32>
    %convert_element_type3A_293 = arith.extui %ge3A_292 : vector<80x128xi1> to vector<80x128xi32>
    %add3A_294 = arith.addi %add3A_287, %convert_element_type3A_293 : vector<80x128xi32>
    %get3A_295 = arith.constant 0 : index
    %get3A_296 = arith.constant 42 : index
    %get3A_297 = memref.load %arg0[%get3A_295, %get3A_296] : memref<1x64xi32, #tpu.memory_space<smem>>
    %ge3A_298 = vector.broadcast %get3A_297 : i32 to vector<80x128xi32>
    %ge3A_299 = arith.cmpi sge, %add3A, %ge3A_298 : vector<80x128xi32>
    %convert_element_type3A_300 = arith.extui %ge3A_299 : vector<80x128xi1> to vector<80x128xi32>
    %add3A_301 = arith.addi %add3A_294, %convert_element_type3A_300 : vector<80x128xi32>
    %get3A_302 = arith.constant 0 : index
    %get3A_303 = arith.constant 43 : index
    %get3A_304 = memref.load %arg0[%get3A_302, %get3A_303] : memref<1x64xi32, #tpu.memory_space<smem>>
    %ge3A_305 = vector.broadcast %get3A_304 : i32 to vector<80x128xi32>
    %ge3A_306 = arith.cmpi sge, %add3A, %ge3A_305 : vector<80x128xi32>
    %convert_element_type3A_307 = arith.extui %ge3A_306 : vector<80x128xi1> to vector<80x128xi32>
    %add3A_308 = arith.addi %add3A_301, %convert_element_type3A_307 : vector<80x128xi32>
    %get3A_309 = arith.constant 0 : index
    %get3A_310 = arith.constant 44 : index
    %get3A_311 = memref.load %arg0[%get3A_309, %get3A_310] : memref<1x64xi32, #tpu.memory_space<smem>>
    %ge3A_312 = vector.broadcast %get3A_311 : i32 to vector<80x128xi32>
    %ge3A_313 = arith.cmpi sge, %add3A, %ge3A_312 : vector<80x128xi32>
    %convert_element_type3A_314 = arith.extui %ge3A_313 : vector<80x128xi1> to vector<80x128xi32>
    %add3A_315 = arith.addi %add3A_308, %convert_element_type3A_314 : vector<80x128xi32>
    %get3A_316 = arith.constant 0 : index
    %get3A_317 = arith.constant 45 : index
    %get3A_318 = memref.load %arg0[%get3A_316, %get3A_317] : memref<1x64xi32, #tpu.memory_space<smem>>
    %ge3A_319 = vector.broadcast %get3A_318 : i32 to vector<80x128xi32>
    %ge3A_320 = arith.cmpi sge, %add3A, %ge3A_319 : vector<80x128xi32>
    %convert_element_type3A_321 = arith.extui %ge3A_320 : vector<80x128xi1> to vector<80x128xi32>
    %add3A_322 = arith.addi %add3A_315, %convert_element_type3A_321 : vector<80x128xi32>
    %get3A_323 = arith.constant 0 : index
    %get3A_324 = arith.constant 46 : index
    %get3A_325 = memref.load %arg0[%get3A_323, %get3A_324] : memref<1x64xi32, #tpu.memory_space<smem>>
    %ge3A_326 = vector.broadcast %get3A_325 : i32 to vector<80x128xi32>
    %ge3A_327 = arith.cmpi sge, %add3A, %ge3A_326 : vector<80x128xi32>
    %convert_element_type3A_328 = arith.extui %ge3A_327 : vector<80x128xi1> to vector<80x128xi32>
    %add3A_329 = arith.addi %add3A_322, %convert_element_type3A_328 : vector<80x128xi32>
    %get3A_330 = arith.constant 0 : index
    %get3A_331 = arith.constant 47 : index
    %get3A_332 = memref.load %arg0[%get3A_330, %get3A_331] : memref<1x64xi32, #tpu.memory_space<smem>>
    %ge3A_333 = vector.broadcast %get3A_332 : i32 to vector<80x128xi32>
    %ge3A_334 = arith.cmpi sge, %add3A, %ge3A_333 : vector<80x128xi32>
    %convert_element_type3A_335 = arith.extui %ge3A_334 : vector<80x128xi1> to vector<80x128xi32>
    %add3A_336 = arith.addi %add3A_329, %convert_element_type3A_335 : vector<80x128xi32>
    %get3A_337 = arith.constant 0 : index
    %get3A_338 = arith.constant 48 : index
    %get3A_339 = memref.load %arg0[%get3A_337, %get3A_338] : memref<1x64xi32, #tpu.memory_space<smem>>
    %ge3A_340 = vector.broadcast %get3A_339 : i32 to vector<80x128xi32>
    %ge3A_341 = arith.cmpi sge, %add3A, %ge3A_340 : vector<80x128xi32>
    %convert_element_type3A_342 = arith.extui %ge3A_341 : vector<80x128xi1> to vector<80x128xi32>
    %add3A_343 = arith.addi %add3A_336, %convert_element_type3A_342 : vector<80x128xi32>
    %get3A_344 = arith.constant 0 : index
    %get3A_345 = arith.constant 49 : index
    %get3A_346 = memref.load %arg0[%get3A_344, %get3A_345] : memref<1x64xi32, #tpu.memory_space<smem>>
    %ge3A_347 = vector.broadcast %get3A_346 : i32 to vector<80x128xi32>
    %ge3A_348 = arith.cmpi sge, %add3A, %ge3A_347 : vector<80x128xi32>
    %convert_element_type3A_349 = arith.extui %ge3A_348 : vector<80x128xi1> to vector<80x128xi32>
    %add3A_350 = arith.addi %add3A_343, %convert_element_type3A_349 : vector<80x128xi32>
    %get3A_351 = arith.constant 0 : index
    %get3A_352 = arith.constant 50 : index
    %get3A_353 = memref.load %arg0[%get3A_351, %get3A_352] : memref<1x64xi32, #tpu.memory_space<smem>>
    %ge3A_354 = vector.broadcast %get3A_353 : i32 to vector<80x128xi32>
    %ge3A_355 = arith.cmpi sge, %add3A, %ge3A_354 : vector<80x128xi32>
    %convert_element_type3A_356 = arith.extui %ge3A_355 : vector<80x128xi1> to vector<80x128xi32>
    %add3A_357 = arith.addi %add3A_350, %convert_element_type3A_356 : vector<80x128xi32>
    %get3A_358 = arith.constant 0 : index
    %get3A_359 = arith.constant 51 : index
    %get3A_360 = memref.load %arg0[%get3A_358, %get3A_359] : memref<1x64xi32, #tpu.memory_space<smem>>
    %ge3A_361 = vector.broadcast %get3A_360 : i32 to vector<80x128xi32>
    %ge3A_362 = arith.cmpi sge, %add3A, %ge3A_361 : vector<80x128xi32>
    %convert_element_type3A_363 = arith.extui %ge3A_362 : vector<80x128xi1> to vector<80x128xi32>
    %add3A_364 = arith.addi %add3A_357, %convert_element_type3A_363 : vector<80x128xi32>
    %get3A_365 = arith.constant 0 : index
    %get3A_366 = arith.constant 52 : index
    %get3A_367 = memref.load %arg0[%get3A_365, %get3A_366] : memref<1x64xi32, #tpu.memory_space<smem>>
    %ge3A_368 = vector.broadcast %get3A_367 : i32 to vector<80x128xi32>
    %ge3A_369 = arith.cmpi sge, %add3A, %ge3A_368 : vector<80x128xi32>
    %convert_element_type3A_370 = arith.extui %ge3A_369 : vector<80x128xi1> to vector<80x128xi32>
    %add3A_371 = arith.addi %add3A_364, %convert_element_type3A_370 : vector<80x128xi32>
    %get3A_372 = arith.constant 0 : index
    %get3A_373 = arith.constant 53 : index
    %get3A_374 = memref.load %arg0[%get3A_372, %get3A_373] : memref<1x64xi32, #tpu.memory_space<smem>>
    %ge3A_375 = vector.broadcast %get3A_374 : i32 to vector<80x128xi32>
    %ge3A_376 = arith.cmpi sge, %add3A, %ge3A_375 : vector<80x128xi32>
    %convert_element_type3A_377 = arith.extui %ge3A_376 : vector<80x128xi1> to vector<80x128xi32>
    %add3A_378 = arith.addi %add3A_371, %convert_element_type3A_377 : vector<80x128xi32>
    %get3A_379 = arith.constant 0 : index
    %get3A_380 = arith.constant 54 : index
    %get3A_381 = memref.load %arg0[%get3A_379, %get3A_380] : memref<1x64xi32, #tpu.memory_space<smem>>
    %ge3A_382 = vector.broadcast %get3A_381 : i32 to vector<80x128xi32>
    %ge3A_383 = arith.cmpi sge, %add3A, %ge3A_382 : vector<80x128xi32>
    %convert_element_type3A_384 = arith.extui %ge3A_383 : vector<80x128xi1> to vector<80x128xi32>
    %add3A_385 = arith.addi %add3A_378, %convert_element_type3A_384 : vector<80x128xi32>
    %get3A_386 = arith.constant 0 : index
    %get3A_387 = arith.constant 55 : index
    %get3A_388 = memref.load %arg0[%get3A_386, %get3A_387] : memref<1x64xi32, #tpu.memory_space<smem>>
    %ge3A_389 = vector.broadcast %get3A_388 : i32 to vector<80x128xi32>
    %ge3A_390 = arith.cmpi sge, %add3A, %ge3A_389 : vector<80x128xi32>
    %convert_element_type3A_391 = arith.extui %ge3A_390 : vector<80x128xi1> to vector<80x128xi32>
    %add3A_392 = arith.addi %add3A_385, %convert_element_type3A_391 : vector<80x128xi32>
    %get3A_393 = arith.constant 0 : index
    %get3A_394 = arith.constant 56 : index
    %get3A_395 = memref.load %arg0[%get3A_393, %get3A_394] : memref<1x64xi32, #tpu.memory_space<smem>>
    %ge3A_396 = vector.broadcast %get3A_395 : i32 to vector<80x128xi32>
    %ge3A_397 = arith.cmpi sge, %add3A, %ge3A_396 : vector<80x128xi32>
    %convert_element_type3A_398 = arith.extui %ge3A_397 : vector<80x128xi1> to vector<80x128xi32>
    %add3A_399 = arith.addi %add3A_392, %convert_element_type3A_398 : vector<80x128xi32>
    %get3A_400 = arith.constant 0 : index
    %get3A_401 = arith.constant 57 : index
    %get3A_402 = memref.load %arg0[%get3A_400, %get3A_401] : memref<1x64xi32, #tpu.memory_space<smem>>
    %ge3A_403 = vector.broadcast %get3A_402 : i32 to vector<80x128xi32>
    %ge3A_404 = arith.cmpi sge, %add3A, %ge3A_403 : vector<80x128xi32>
    %convert_element_type3A_405 = arith.extui %ge3A_404 : vector<80x128xi1> to vector<80x128xi32>
    %add3A_406 = arith.addi %add3A_399, %convert_element_type3A_405 : vector<80x128xi32>
    %get3A_407 = arith.constant 0 : index
    %get3A_408 = arith.constant 58 : index
    %get3A_409 = memref.load %arg0[%get3A_407, %get3A_408] : memref<1x64xi32, #tpu.memory_space<smem>>
    %ge3A_410 = vector.broadcast %get3A_409 : i32 to vector<80x128xi32>
    %ge3A_411 = arith.cmpi sge, %add3A, %ge3A_410 : vector<80x128xi32>
    %convert_element_type3A_412 = arith.extui %ge3A_411 : vector<80x128xi1> to vector<80x128xi32>
    %add3A_413 = arith.addi %add3A_406, %convert_element_type3A_412 : vector<80x128xi32>
    %get3A_414 = arith.constant 0 : index
    %get3A_415 = arith.constant 59 : index
    %get3A_416 = memref.load %arg0[%get3A_414, %get3A_415] : memref<1x64xi32, #tpu.memory_space<smem>>
    %ge3A_417 = vector.broadcast %get3A_416 : i32 to vector<80x128xi32>
    %ge3A_418 = arith.cmpi sge, %add3A, %ge3A_417 : vector<80x128xi32>
    %convert_element_type3A_419 = arith.extui %ge3A_418 : vector<80x128xi1> to vector<80x128xi32>
    %add3A_420 = arith.addi %add3A_413, %convert_element_type3A_419 : vector<80x128xi32>
    %get3A_421 = arith.constant 0 : index
    %get3A_422 = arith.constant 60 : index
    %get3A_423 = memref.load %arg0[%get3A_421, %get3A_422] : memref<1x64xi32, #tpu.memory_space<smem>>
    %ge3A_424 = vector.broadcast %get3A_423 : i32 to vector<80x128xi32>
    %ge3A_425 = arith.cmpi sge, %add3A, %ge3A_424 : vector<80x128xi32>
    %convert_element_type3A_426 = arith.extui %ge3A_425 : vector<80x128xi1> to vector<80x128xi32>
    %add3A_427 = arith.addi %add3A_420, %convert_element_type3A_426 : vector<80x128xi32>
    %get3A_428 = arith.constant 0 : index
    %get3A_429 = arith.constant 61 : index
    %get3A_430 = memref.load %arg0[%get3A_428, %get3A_429] : memref<1x64xi32, #tpu.memory_space<smem>>
    %ge3A_431 = vector.broadcast %get3A_430 : i32 to vector<80x128xi32>
    %ge3A_432 = arith.cmpi sge, %add3A, %ge3A_431 : vector<80x128xi32>
    %convert_element_type3A_433 = arith.extui %ge3A_432 : vector<80x128xi1> to vector<80x128xi32>
    %add3A_434 = arith.addi %add3A_427, %convert_element_type3A_433 : vector<80x128xi32>
    %get3A_435 = arith.constant 0 : index
    %get3A_436 = arith.constant 62 : index
    %get3A_437 = memref.load %arg0[%get3A_435, %get3A_436] : memref<1x64xi32, #tpu.memory_space<smem>>
    %ge3A_438 = vector.broadcast %get3A_437 : i32 to vector<80x128xi32>
    %ge3A_439 = arith.cmpi sge, %add3A, %ge3A_438 : vector<80x128xi32>
    %convert_element_type3A_440 = arith.extui %ge3A_439 : vector<80x128xi1> to vector<80x128xi32>
    %add3A_441 = arith.addi %add3A_434, %convert_element_type3A_440 : vector<80x128xi32>
    %get3A_442 = arith.constant 0 : index
    %get3A_443 = arith.constant 63 : index
    %get3A_444 = memref.load %arg0[%get3A_442, %get3A_443] : memref<1x64xi32, #tpu.memory_space<smem>>
    %ge3A_445 = vector.broadcast %get3A_444 : i32 to vector<80x128xi32>
    %ge3A_446 = arith.cmpi sge, %add3A, %ge3A_445 : vector<80x128xi32>
    %convert_element_type3A_447 = arith.extui %ge3A_446 : vector<80x128xi1> to vector<80x128xi32>
    %add3A_448 = arith.addi %add3A_441, %convert_element_type3A_447 : vector<80x128xi32>
    %swap3A = arith.constant 0 : index
    %swap3A_449 = arith.constant 0 : index
    %swap3A_450 = vector.load %arg1[%swap3A, %swap3A_449] : memref<80x128xi32, #tpu.memory_space<vmem>>, vector<80x128xi32>
    tpu.vector_store %arg1[%swap3A, %swap3A_449], %add3A_448 {strides = array<i32>} : memref<80x128xi32, #tpu.memory_space<vmem>>, vector<80x128xi32>,
    return
  }
}

module attributes {stable_mosaic.version = 14 : i64} {
  func.func @_fin_body(%arg0: memref<64x32xf32, #tpu.memory_space<vmem>>, %arg1: memref<64x32xf32, #tpu.memory_space<vmem>>, %arg2: memref<64x32xf32, #tpu.memory_space<vmem>>, %arg3: memref<32x128xf32, #tpu.memory_space<vmem>>, %arg4: memref<128x128xf32, #tpu.memory_space<vmem>>, %arg5: memref<128x128xf32, #tpu.memory_space<vmem>>, %arg6: memref<128x128xf32, #tpu.memory_space<vmem>>, %arg7: memref<128x128xf32, #tpu.memory_space<vmem>>, %arg8: memref<1x128xf32, #tpu.memory_space<vmem>>, %arg9: memref<1x128xf32, #tpu.memory_space<vmem>>, %arg10: memref<64x1xf32, #tpu.memory_space<vmem>>, %arg11: memref<64x128xf32, #tpu.memory_space<vmem>>) attributes {dimension_semantics = [], scalar_prefetch = 0 : i64, scratch_operands = 0 : i64, tpu.core_type = #tpu.core_type<tc>} {
    %get3A = arith.constant 0 : index
    %get3A_0 = arith.constant 0 : index
    %get3A_1 = vector.load %arg3[%get3A, %get3A_0] : memref<32x128xf32, #tpu.memory_space<vmem>>, vector<32x128xf32>
    %get3A_2 = arith.constant 0 : index
    %get3A_3 = arith.constant 0 : index
    %get3A_4 = vector.load %arg4[%get3A_2, %get3A_3] : memref<128x128xf32, #tpu.memory_space<vmem>>, vector<128x128xf32>
    %dot_general3A = arith.constant dense<0.000000e+00> : vector<32x128xf32>
    %dot_general3A_5 = tpu.matmul %get3A_1, %get3A_4, %dot_general3A {dimension_numbers = #tpu.dot_dimension_numbers<[1], [1], [0], [0], [0, 0, 1, 0], [], []>, precision = #tpu.contract_precision<fp32>, transpose_lhs_hint = false} : vector<32x128xf32>, vector<128x128xf32>, vector<32x128xf32> -> vector<32x128xf32>
    %get3A_6 = arith.constant 0 : index
    %get3A_7 = arith.constant 0 : index
    %get3A_8 = vector.load %arg3[%get3A_6, %get3A_7] : memref<32x128xf32, #tpu.memory_space<vmem>>, vector<32x128xf32>
    %get3A_9 = arith.constant 0 : index
    %get3A_10 = arith.constant 0 : index
    %get3A_11 = vector.load %arg5[%get3A_9, %get3A_10] : memref<128x128xf32, #tpu.memory_space<vmem>>, vector<128x128xf32>
    %dot_general3A_12 = arith.constant dense<0.000000e+00> : vector<32x128xf32>
    %dot_general3A_13 = tpu.matmul %get3A_8, %get3A_11, %dot_general3A_12 {dimension_numbers = #tpu.dot_dimension_numbers<[1], [1], [0], [0], [0, 0, 1, 0], [], []>, precision = #tpu.contract_precision<fp32>, transpose_lhs_hint = false} : vector<32x128xf32>, vector<128x128xf32>, vector<32x128xf32> -> vector<32x128xf32>
    %get3A_14 = arith.constant 0 : index
    %get3A_15 = arith.constant 0 : index
    %get3A_16 = vector.load %arg1[%get3A_14, %get3A_15] : memref<64x32xf32, #tpu.memory_space<vmem>>, vector<64x32xf32>
    %reduce_sum3A = arith.constant dense<0.000000e+00> : vector<64xf32>
    %reduce_sum3A_17 = vector.multi_reduction <add>, %get3A_16, %reduce_sum3A [1] : vector<64x32xf32> to vector<64xf32>
    %broadcast_in_dim3A = vector.shape_cast %reduce_sum3A_17 : vector<64xf32> to vector<64x1xf32>
    %get3A_18 = arith.constant 0 : index
    %get3A_19 = arith.constant 0 : index
    %get3A_20 = vector.load %arg10[%get3A_18, %get3A_19] : memref<64x1xf32, #tpu.memory_space<vmem>>, vector<64x1xf32>
    %get3A_21 = arith.constant 0 : index
    %get3A_22 = arith.constant 0 : index
    %get3A_23 = vector.load %arg0[%get3A_21, %get3A_22] : memref<64x32xf32, #tpu.memory_space<vmem>>, vector<64x32xf32>
    %dot_general3A_24 = arith.constant dense<0.000000e+00> : vector<64x128xf32>
    %dot_general3A_25 = tpu.matmul %get3A_23, %dot_general3A_5, %dot_general3A_24 {dimension_numbers = #tpu.dot_dimension_numbers<[1], [0], [0], [1], [0, 0, 1, 1], [], []>, precision = #tpu.contract_precision<fp32>, transpose_lhs_hint = false} : vector<64x32xf32>, vector<32x128xf32>, vector<64x128xf32> -> vector<64x128xf32>
    %get3A_26 = arith.constant 0 : index
    %get3A_27 = arith.constant 0 : index
    %get3A_28 = vector.load %arg8[%get3A_26, %get3A_27] : memref<1x128xf32, #tpu.memory_space<vmem>>, vector<1x128xf32>
    %mul3A = vector.broadcast %broadcast_in_dim3A : vector<64x1xf32> to vector<64x128xf32>
    %mul3A_29 = vector.broadcast %get3A_28 : vector<1x128xf32> to vector<64x128xf32>
    %mul3A_30 = arith.mulf %mul3A, %mul3A_29 : vector<64x128xf32>
    %add3A = arith.addf %dot_general3A_25, %mul3A_30 : vector<64x128xf32>
    %dot_general3A_31 = arith.constant dense<0.000000e+00> : vector<64x128xf32>
    %dot_general3A_32 = tpu.matmul %get3A_16, %dot_general3A_13, %dot_general3A_31 {dimension_numbers = #tpu.dot_dimension_numbers<[1], [0], [0], [1], [0, 0, 1, 1], [], []>, precision = #tpu.contract_precision<fp32>, transpose_lhs_hint = false} : vector<64x32xf32>, vector<32x128xf32>, vector<64x128xf32> -> vector<64x128xf32>
    %add3A_33 = arith.addf %add3A, %dot_general3A_32 : vector<64x128xf32>
    %dot_general3A_34 = arith.constant dense<0.000000e+00> : vector<64x128xf32>
    %dot_general3A_35 = tpu.matmul %get3A_16, %dot_general3A_5, %dot_general3A_34 {dimension_numbers = #tpu.dot_dimension_numbers<[1], [0], [0], [1], [0, 0, 1, 1], [], []>, precision = #tpu.contract_precision<fp32>, transpose_lhs_hint = false} : vector<64x32xf32>, vector<32x128xf32>, vector<64x128xf32> -> vector<64x128xf32>
    %get3A_36 = arith.constant 0 : index
    %get3A_37 = arith.constant 0 : index
    %get3A_38 = vector.load %arg8[%get3A_36, %get3A_37] : memref<1x128xf32, #tpu.memory_space<vmem>>, vector<1x128xf32>
    %mul3A_39 = vector.broadcast %get3A_20 : vector<64x1xf32> to vector<64x128xf32>
    %mul3A_40 = vector.broadcast %get3A_38 : vector<1x128xf32> to vector<64x128xf32>
    %mul3A_41 = arith.mulf %mul3A_39, %mul3A_40 : vector<64x128xf32>
    %add3A_42 = arith.addf %dot_general3A_35, %mul3A_41 : vector<64x128xf32>
    %get3A_43 = arith.constant 0 : index
    %get3A_44 = arith.constant 0 : index
    %get3A_45 = vector.load %arg2[%get3A_43, %get3A_44] : memref<64x32xf32, #tpu.memory_space<vmem>>, vector<64x32xf32>
    %dot_general3A_46 = arith.constant dense<0.000000e+00> : vector<64x128xf32>
    %dot_general3A_47 = tpu.matmul %get3A_45, %dot_general3A_13, %dot_general3A_46 {dimension_numbers = #tpu.dot_dimension_numbers<[1], [0], [0], [1], [0, 0, 1, 1], [], []>, precision = #tpu.contract_precision<fp32>, transpose_lhs_hint = false} : vector<64x32xf32>, vector<32x128xf32>, vector<64x128xf32> -> vector<64x128xf32>
    %add3A_48 = arith.addf %add3A_42, %dot_general3A_47 : vector<64x128xf32>
    %get3A_49 = arith.constant 0 : index
    %get3A_50 = arith.constant 0 : index
    %get3A_51 = vector.load %arg6[%get3A_49, %get3A_50] : memref<128x128xf32, #tpu.memory_space<vmem>>, vector<128x128xf32>
    %dot_general3A_52 = arith.constant dense<0.000000e+00> : vector<64x128xf32>
    %dot_general3A_53 = tpu.matmul %add3A_33, %get3A_51, %dot_general3A_52 {dimension_numbers = #tpu.dot_dimension_numbers<[1], [1], [0], [0], [0, 0, 1, 0], [], []>, precision = #tpu.contract_precision<fp32>, transpose_lhs_hint = false} : vector<64x128xf32>, vector<128x128xf32>, vector<64x128xf32> -> vector<64x128xf32>
    %get3A_54 = arith.constant 0 : index
    %get3A_55 = arith.constant 0 : index
    %get3A_56 = vector.load %arg9[%get3A_54, %get3A_55] : memref<1x128xf32, #tpu.memory_space<vmem>>, vector<1x128xf32>
    %mul3A_57 = vector.broadcast %get3A_20 : vector<64x1xf32> to vector<64x128xf32>
    %mul3A_58 = vector.broadcast %get3A_56 : vector<1x128xf32> to vector<64x128xf32>
    %mul3A_59 = arith.mulf %mul3A_57, %mul3A_58 : vector<64x128xf32>
    %add3A_60 = arith.addf %dot_general3A_53, %mul3A_59 : vector<64x128xf32>
    %get3A_61 = arith.constant 0 : index
    %get3A_62 = arith.constant 0 : index
    %get3A_63 = vector.load %arg7[%get3A_61, %get3A_62] : memref<128x128xf32, #tpu.memory_space<vmem>>, vector<128x128xf32>
    %dot_general3A_64 = arith.constant dense<0.000000e+00> : vector<64x128xf32>
    %dot_general3A_65 = tpu.matmul %add3A_48, %get3A_63, %dot_general3A_64 {dimension_numbers = #tpu.dot_dimension_numbers<[1], [1], [0], [0], [0, 0, 1, 0], [], []>, precision = #tpu.contract_precision<fp32>, transpose_lhs_hint = false} : vector<64x128xf32>, vector<128x128xf32>, vector<64x128xf32> -> vector<64x128xf32>
    %add3A_66 = arith.addf %add3A_60, %dot_general3A_65 : vector<64x128xf32>
    %div3A = vector.broadcast %get3A_20 : vector<64x1xf32> to vector<64x128xf32>
    %div3A_67 = arith.divf %add3A_66, %div3A : vector<64x128xf32>
    %swap3A = arith.constant 0 : index
    %swap3A_68 = arith.constant 0 : index
    %swap3A_69 = vector.load %arg11[%swap3A, %swap3A_68] : memref<64x128xf32, #tpu.memory_space<vmem>>, vector<64x128xf32>
    tpu.vector_store %arg11[%swap3A, %swap3A_68], %div3A_67 {strides = array<i32>} : memref<64x128xf32, #tpu.memory_space<vmem>>, vector<64x128xf32>,
    return
  }
}

</mosaic_0001>

<sc_bundles>
// kernel: kernel.5.cloned.1.call-start
scs
__scs_entry_jumppad:
0x0: {  	(pc) =	sbr.rel $0x88, $3  }
0x1: {  	(tag) =	ssettag $0x0;
	lr =	simm.s32 $0x1  }
0x2: {  	[smem:$0x3F97] =	sst lr;
	_ =	strace $0xD0000000  }
0x3: {  	_ = 	snop  }
0x4: {  	_ = 	snop  }
0x5: {  	_ = 	snop  }
0x6: {  	_ = 	snop  }
0x7: {  	_ = 	snop  }
__scs_overlays_trampoline_lowered:
0x8: {  	[smem:$0x3FA6] =	sst s0  }
0x9: {  	[smem:$0x3FA7] =	sst s1  }
0xa: {  	[smem:$0x3FA8] =	sst s2  }
0xb: {  	[smem:$0x3FA9] =	sst s3  }
0xc: {  	[smem:$0x3FAA] =	sst s4  }
0xd: {  	[smem:$0x3FAB] =	sst s5  }
0xe: {  	[smem:$0x3FAC] =	sst s6  }
0xf: {  	[smem:$0x3FAD] =	sst s7  }
0x10: {  	[smem:$0x3FAE] =	sst s8  }
0x11: {  	[smem:$0x3FAF] =	sst s9;
	s0 =	simm.s32 @!p0 $0x0  }
0x12: {  	s1 =	sld [smem:$0x3F95];
	s0 =	simm.s32 @p0 $0x1  }
0x13: {  	[smem:$0x3FB0] =	sst s0;
	s0 =	simm.s32 @!p1 $0x0  }
0x14: {  	s2 =	sld [smem:$0x3F94];
	s0 =	simm.s32 @p1 $0x1  }
0x15: {  	[smem:$0x3FB1] =	sst s0;
	s0 =	simm.s32 @!p2 $0x0  }
0x16: {  	s3 =	sld [smem:$0x3FDB];
	s0 =	simm.s32 @p2 $0x1  }
0x17: {  	s4 =	simm.s32 $0x1BF5;
	[smem:$0x3FB3] =	sst s0  }
0x18: {  	s0 =	sld [smem:$0x3F96];
	_ =	swait.ge [sflag:s4], $0x0  }
0x19: {  	s7 =	sld [smem:$0x3F97]  }
0x1a: {  	s8 =	sadd.s32 $0xFFFFE003, lr  }
0x1b: {  	s9 =	sadd.s32 $0xFFFFFEF7, lr;
	s5 =	simm.s32 $0xFFFFFFFF;
	p2 =	slt.u32 s8, $0xFFFFF086  }
0x1c: {  	p1 =	slt.u32 s9, $0xF7A;
	s5 =	simm.s32 @!p2 $0x0  }
0x1d: {  	s5 =	simm.s32 @p1 $0x1;
	p0 =	seq.s32 s7, s2  }
0x1e: {  	s7 =	smul.u32 @!p0 $0xF7A, s2;
	p2 =	seq.s32 @!p0 s5, $0x0  }
0x1f: {  	s9 =	smul.u32 $0xF7A, s1;
	s8 =	simm.s32 @!p0 $0x1BF5;
	p2 =	por !p2, p0  }
0x20: {  	[sflag:s8] =	ssyncset.s32 @!p0 $0xFFFFF086;
	s6 =	sadd.s32 @!p0 s3, s7;
	s7 =	simm.s32 @!p0 $0x108  }
0x21: {  	s3 =	sadd.s32 s3, s9;
	s6 =	sadd.s32 @!p0 $0x88, s6;
	s7 =	simm.s32 @p2 $0x1082  }
0x22: {  	[simem:s7], [sflag:s8] =	dma.local @!p0 [hbm:s6], $0xF7A  }
0x23: {  	s9 =	sor.u32 $0xD0000000, s2;
	s6 =	simm.s32 $0x108;
	_ =	swait.ge @!p0 [sflag:s8], $0x0  }
0x24: {  	s3 =	sadd.s32 $0x88, s3;
	s6 =	simm.s32 @!p1 $0x1082;
	[sflag:s4] =	ssyncset.s32 $0xFFFFF086  }
0x25: {  	[simem:s6], [sflag:s4] =	dma.local [hbm:s3], $0xF7A  }
0x26: {  	[smem:$0x3F97] =	sst s1;
	(tag) =	ssettag s2;
	_ =	strace s9  }
0x27: {  	s1 =	sld [smem:$0x3FA7]  }
0x28: {  	s2 =	sld [smem:$0x3FA8]  }
0x29: {  	s4 =	sld [smem:$0x3FAA]  }
0x2a: {  	p0 =	seq.s32 s5, $0x0;
	s5 =	sld [smem:$0x3FAB]  }
0x2b: {  	s6 =	sld [smem:$0x3FAC]  }
0x2c: {  	s7 =	sld [smem:$0x3FAD]  }
0x2d: {  	s3 =	simm.s32 $0x108;
	s8 =	sld [smem:$0x3FAE]  }
0x2e: {  	s3 =	simm.s32 @!p0 $0x1082;
	s9 =	sld [smem:$0x3FAF]  }
0x2f: {  	lr =	sadd.s32 s0, s3;
	s0 =	sld [smem:$0x3FA6]  }
0x30: {  	s3 =	sld [smem:$0x3FA9]  }
0x31: {  	[smem:$0x3FB2] =	sst s10  }
0x32: {  	s10 =	sld [smem:$0x3FB0];
	_ =	sdelay $0x3  }
0x33: {  	p0 =	seq.s32 s10, $0x1;
	s10 =	sld [smem:$0x3FB2];
	_ =	sdelay $0x3  }
0x34: {  	[smem:$0x3FB2] =	sst s10  }
0x35: {  	s10 =	sld [smem:$0x3FB1];
	_ =	sdelay $0x3  }
0x36: {  	p1 =	seq.s32 s10, $0x1;
	s10 =	sld [smem:$0x3FB2];
	_ =	sdelay $0x3  }
0x37: {  	[smem:$0x3FB2] =	sst s10  }
0x38: {  	s10 =	sld [smem:$0x3FB3]  }
0x39: {  	_ = 	snop;
	(pc) =	sbr.ind lr, $3  }
0x3a: {  	_ = 	snop  }
0x3b: {  	_ = 	snop  }
0x3c: {  	p2 =	seq.s32 s10, $0x1;
	s10 =	sld [smem:$0x3FB2]  }
0x3d: {  	_ =	shalt  }
0x3e: {  	_ =	shalt  }
0x3f: {  	_ =	shalt  }
0x40: {  	_ =	shalt  }
0x41: {  	_ =	shalt  }
0x42: {  	_ =	shalt  }
0x43: {  	_ =	shalt  }
0x44: {  	_ =	shalt  }
0x45: {  	_ =	shalt  }
0x46: {  	_ =	shalt  }
0x47: {  	_ =	shalt  }
0x48: {  	_ =	shalt  }
0x49: {  	_ =	shalt  }
0x4a: {  	_ =	shalt  }
0x4b: {  	_ =	shalt  }
0x4c: {  	_ =	shalt  }
0x4d: {  	_ =	shalt  }
0x4e: {  	_ =	shalt  }
0x4f: {  	_ =	shalt  }
0x50: {  	_ =	shalt  }
0x51: {  	_ =	shalt  }
0x52: {  	_ =	shalt  }
0x53: {  	_ =	shalt  }
0x54: {  	_ =	shalt  }
0x55: {  	_ =	shalt  }
0x56: {  	_ =	shalt  }
0x57: {  	_ =	shalt  }
0x58: {  	_ =	shalt  }
0x59: {  	_ =	shalt  }
0x5a: {  	_ =	shalt  }
0x5b: {  	_ =	shalt  }
0x5c: {  	_ =	shalt  }
0x5d: {  	_ =	shalt  }
0x5e: {  	_ =	shalt  }
0x5f: {  	_ =	shalt  }
0x60: {  	_ =	shalt  }
0x61: {  	_ =	shalt  }
0x62: {  	_ =	shalt  }
0x63: {  	_ =	shalt  }
0x64: {  	_ =	shalt  }
0x65: {  	_ =	shalt  }
0x66: {  	_ =	shalt  }
0x67: {  	_ =	shalt  }
0x68: {  	_ =	shalt  }
0x69: {  	_ =	shalt  }
0x6a: {  	_ =	shalt  }
0x6b: {  	_ =	shalt  }
0x6c: {  	_ =	shalt  }
0x6d: {  	_ =	shalt  }
0x6e: {  	_ =	shalt  }
0x6f: {  	_ =	shalt  }
0x70: {  	_ =	shalt  }
0x71: {  	_ =	shalt  }
0x72: {  	_ =	shalt  }
0x73: {  	_ =	shalt  }
0x74: {  	_ =	shalt  }
0x75: {  	_ =	shalt  }
0x76: {  	_ =	shalt  }
0x77: {  	_ =	shalt  }
0x78: {  	_ =	shalt  }
0x79: {  	_ =	shalt  }
0x7a: {  	_ =	shalt  }
0x7b: {  	_ =	shalt  }
0x7c: {  	_ =	shalt  }
0x7d: {  	_ =	shalt  }
0x7e: {  	_ =	shalt  }
0x7f: {  	_ =	shalt  }
0x80: {  	_ =	shalt  }
0x81: {  	_ =	shalt  }
0x82: {  	_ =	shalt  }
0x83: {  	_ =	shalt  }
0x84: {  	_ =	shalt  }
0x85: {  	_ =	shalt  }
0x86: {  	_ =	shalt  }
0x87: {  	_ =	shalt  }
.Lfunc_end0:
.L_simem_size_0:
called_computation_lowered:
.L_overlay_start_0:
0x88: {  	s2 =	sld [smem:$0x3FD9]  }
0x89: {  	s3 =	sld [smem:$0x3FFE];
	_ =	sdelay $0x1  }
0x8a: {  	s1 =	srdreg.scid  }
0x8b: {  	s0 =	sand.u32 $0x1, s1  }
0x8c: {  	s17 =	sshll.u32 s0, $0xA;
	s2 =	sadd.s32 s3, s2  }
0x8d: {  	s2 =	sadd.s32 s2, s17  }
0x8e: {  	[smem:$0x3FBE] =	sst s2  }
0x8f: {  	_ = 	snop  }
0x90: {  	s2 =	sld [smem:$0x3FD0];
	(tm) =	ssettm $0x1  }
0x91: {  	s18 =	sld [smem:$0x3FFB];
	_ =	sdelay $0x3  }
0x92: {  	_ =	strace s18  }
0x93: {  	s3 =	sld [smem:$0x3FFC];
	_ =	sdelay $0x3  }
0x94: {  	_ =	strace s3  }
0x95: {  	s3 =	sld [smem:$0x3FFD];
	_ =	sdelay $0x3  }
0x96: {  	_ =	strace s3  }
0x97: {  	_ =	strace $0x8FFFFFFF  }
0x98: {  	s19 =	sld [smem:$0x3FDB];
	_ =	sdelay $0x1  }
0x99: {  	s4 =	simm.s32 $_scs_section_size  }
0x9a: {  	s5 =	simm.s32 $_size__tile_overlayer_lowered;
	s6 =	simm.s32 $_tile_overlayer_lowered  }
0x9b: {  	s22 =	simm.s32 $0x1BFF;
	s21 =	sshll.u32 s6, $0x1;
	s3 =	sadd.s32 s4, s19  }
0x9c: {  	s7 =	simm.s32 $0x0;
	s20 =	sshll.u32 s5, $0x1;
	s5 =	sadd.s32 s21, s3  }
0x9d: {  	[timem:s7], [sflag:s22] =	dma.local [hbm:s5], s20  }
0x9e: {  	_ =	swait.ge [sflag:s22], s20  }
0x9f: {  	s4 =	ssub.s32 $0x0, s20;
	[sflag:s22] =	ssyncset.done $0x0  }
0xa0: {  	[sflag:s22] =	ssyncadd.s32 s4;
	_ =	sdelay $0x1  }
0xa1: {  	s23 =	simm.s32 $0x1B8B  }
0xa2: {  	_ =	swait.ge [sflag:s23], $0x1  }
0xa3: {  	[sflag:s23] =	ssyncset.done $0x0  }
0xa4: {  	s25 =	simm.s32 $0x1B8E;
	s24 =	sld [smem:$0x3FFE];
	[sflag:s23] =	ssyncadd.s32 $0xFFFFFFFF  }
0xa5: {  	s26 =	simm.s32 $execute0_lowered;
	[smem:$0x3FD2] =	sst s25  }
0xa6: {  	s5 =	sshll.u32 s26, $0x1;
	_ =	strace $0x80000046;
	[dreg:$0x1] =	wrdreg $0xFFFFFFFF  }
0xa7: {  	s28 =	simm.s32 $_size_execute0_lowered;
	s3 =	sadd.s32 s3, s5;
	[dreg:$0x0] =	wrdreg $0x0  }
0xa8: {  	s5 =	sshll.u32 s28, $0x1;
	[dreg:$0x2] =	wrdreg s3  }
0xa9: {  	[dreg:$0x3] =	wrdreg s5  }
0xaa: {  	[dreg:$0x4] =	wrdreg $0xC0  }
0xab: {  	_ =	task [dreg:s7], $0x5FFFF  }
0xac: {  	[dreg:$0x1] =	wrdreg $0xFFFFFFFF  }
0xad: {  	[dreg:$0x0] =	wrdreg $0x60  }
0xae: {  	[dreg:$0x2] =	wrdreg s24  }
0xaf: {  	[dreg:$0x3] =	wrdreg s2  }
0xb0: {  	[dreg:$0x4] =	wrdreg $0x9  }
0xb1: {  	_ =	task.clear_ibuf [dreg:s7], $0x5FFFF;
	_ =	strace $0x90000046  }
0xb2: {  	s29 =	simm.s32 $0x9;
	_ =	strace $0x80000048  }
0xb3: {  	_ =	swait.ge [sflag:s29], $0x1  }
0xb4: {  	[sflag:s29] =	ssyncadd.s32 $0xFFFFFFFF  }
0xb5: {  	_ =	strace $0x90000048  }
0xb6: {  	_ =	sfence  }
0xb7: {  	s30 =	sld [smem:$0x0];
	_ =	sdelay $0x2  }
0xb8: {  	s31 =	sshll.u32 s1, $0xD;
	s1 =	sshrl.u32 s1, $0x2  }
0xb9: {  	s3 =	sand.u32 $0x4000, s31;
	s1 =	sadd.s32 s1, s30  }
0xba: {  	s0 =	sor.u32 s3, s0;
	s1 =	sshll.u32 s1, $0x11  }
0xbb: {  	s0 =	sor.u32 s1, s0  }
0xbc: {  	s0 =	sadd.s32 $0x8F2B, s0  }
0xbd: {  	[sflag:s0] =	ssyncadd.remote.s32 $0x1  }
0xbe: {  	_ =	sfence.sel $0xFFFF  }
0xbf: {  	[dreg:$0x0] =	wrdreg $0xFFFFFFFF;
	(pc) =	sbr.abs _section_cstart, $3  }
0xc0: {  	[dreg:$0x1] =	wrdreg $0xFFFFFFFF  }
0xc1: {  	_ =	task.clear_ibuf [dreg:s7], $0x2FFFF;
	_ =	strace $0x9FFFFFFF  }
0xc2: {  	(tm) =	ssettm $0x7FFFFFFF  }
0xc3: {  	_ =	shalt  }
tec
execute0_lowered:
.L_overlay_start_1:
0x0: {  	(tag) =	ssettag $0x1  }
0x1: {  	s0 =	rddreg [dreg:$0x0]  }
0x2: {  	s2 =	rddreg [dreg:$0x1]  }
0x3: {  	s1 =	simm.s32 $0x0;
	s3 =	srdreg.scid;
	s6 =	stileid.u32  }
0x4: {  	[smem:$0x7FF] =	sst s1;
	s3 =	sand.u32 $0x1, s3;
	s4 =	sadd.s32 $0xB200, s0  }
0x5: {  	s7 =	sadd.s32 $0x1400, s0;
	s8 =	sadd.s32 $0x15600, s0;
	s22 =	sadd.s32 $0x15000, s0  }
0x6: {  	s9 =	smul.u32 $0x4E20, s6;
	_ =	strace $0x80000047;
	[dreg:$0x3] =	wrdreg s8  }
0x7: {  	s5 =	sshll.u32 s3, $0x4;
	[dreg:$0x4] =	wrdreg s22;
	s3 =	ssub.s32 $0x2, s3  }
0x8: {  	s8 =	simm.s32 $0xB700;
	s15 =	sor.u32 s6, s5;
	s9 =	sshrl.u32 s9, $0x3  }
0x9: {  	s5 =	sadd.s32 $0x15C00, s0;
	s6 =	sadd.s32 $0x1FA00, s0;
	s25 =	sadd.s32 s4, s9  }
0xa: {  	s24 =	sshrl.u32 s3, $0x1;
	s26 =	sadd.s32 s7, s9;
	[dreg:$0x5] =	wrdreg s25  }
0xb: {  	s23 =	sshll.u32 s15, $0x4;
	s11 =	sadd.s32 s5, s9;
	[dreg:$0x6] =	wrdreg s26  }
0xc: {  	s12 =	sadd.s32 s6, s9;
	s13 =	sadd.s32 $0x1F4, s9;
	[dreg:$0x7] =	wrdreg s11  }
0xd: {  	s16 =	sadd.s32 $0x3E8, s9;
	[dreg:$0x8] =	wrdreg s12;
	s11 =	sadd.s32 s4, s13  }
0xe: {  	s21 =	sadd.s32 $0x5DC, s9;
	s14 =	sadd.s32 s7, s13;
	[dreg:$0x9] =	wrdreg s11  }
0xf: {  	s10 =	sadd.s32 s23, s0;
	s12 =	sadd.s32 s5, s13;
	[dreg:$0xa] =	wrdreg s14  }
0x10: {  	s0 =	ssub.s32 s3, s24;
	s3 =	sadd.s32 s6, s13;
	[dreg:$0xb] =	wrdreg s12  }
0x11: {  	s22 =	sadd.s32 $0x7D0, s9;
	s17 =	sadd.s32 s4, s16;
	[dreg:$0xc] =	wrdreg s3  }
0x12: {  	p0 =	sgt.u32 s15, $0x19;
	s18 =	sadd.s32 s7, s16;
	[dreg:$0xd] =	wrdreg s17  }
0x13: {  	s9 =	simm.s32 $0xC700;
	s2 =	sadd.s32 s2, s23;
	[dreg:$0xe] =	wrdreg s18  }
0x14: {  	v0 =	vmov s15;
	s15 =	simm.s32 $0x8280;
	s19 =	sadd.s32 s5, s16;
	[dreg:$0xf] =	wrdreg s2  }
0x15: {  	s20 =	sadd.s32 s6, s16;
	s24 =	sadd.s32 s4, s21;
	[dreg:$0x10] =	wrdreg s19  }
0x16: {  	s25 =	sadd.s32 s7, s21;
	s26 =	sadd.s32 s5, s21;
	[dreg:$0x11] =	wrdreg s20  }
0x17: {  	s23 =	sadd.s32 s6, s21;
	s28 =	sadd.s32 s6, s22;
	[dreg:$0x12] =	wrdreg s24  }
0x18: {  	s13 =	simm.s32 $0x2;
	s16 =	simm.s32 $0x7980;
	[dreg:$0x13] =	wrdreg s25  }
0x19: {  	[dreg:$0x14] =	wrdreg s26;
	s24 =	sadd.s32 s4, s22;
	s25 =	sadd.s32 s7, s22  }
.Ltmp0:
0x1a: {  	s26 =	sadd.s32 s5, s22;
	s29 =	sadd.s32 $0x29800, s10;
	(pc) =	sbr.rel .LBB2_1-.Ltmp0, $4  }
0x1b: {  	s30 =	sadd.s32 $0x29A00, s10;
	s31 =	smax.u32 s0, $0x1;
	s0 =	simm.s32 $0x3  }
0x1c: {  	s2 =	simm.s32 $0x2800;
	s3 =	simm.s32 $0x8700;
	s4 =	simm.s32 $0x9700  }
0x1d: {  	v3 =	vlaneseq.u32;
	s7 =	simm.s32 $0xA700;
	s10 =	simm.s32 $0x1;
	s11 =	simm.s32 $0xE680  }
0x1e: {  	v1 =	vimm.f32 $0.0e+00;
	v2 =	vimm.f32 $1.000000000e+00;
	v3 =	vmul.u32 $0x41, v3;
	s12 =	simm.s32 $0x5000;
	s14 =	simm.s32 $0x7E00;
	s17 =	simm.s32 $0x0  }
.LBB2_39:
0x1f: {  	s18 =	rddreg [dreg:$0xf];
	s19 =	simm.s32 $0x7800  }
0x20: {  	[hbm4b:s18+s1] =	stream.linear.scatter [tilespmem:s19], [sflag:$0x3], $0x80, $0x38;
	[tilespmem:$0x10600] =	vst v63  }
0x21: {  	_ =	swait.ge [sflag:s0], $0x80  }
0x22: {  	[sflag:s0] =	ssyncset.done $0x0  }
0x23: {  	s21 =	simm.s32 $0x7880;
	[sflag:s0] =	ssyncadd.s32 $0xFFFFFF80  }
0x24: {  	[hbm4b:s29+s1] =	stream.linear.scatter [tilespmem:s21], [sflag:$0x3], $0x80, $0x38;
	[tilespmem:$0x10600] =	vst v63  }
0x25: {  	s17 =	sadd.s32 $0x1, s17;
	_ =	swait.ge [sflag:s0], $0x80  }
0x26: {  	p1 =	sne.s32 s17, s31;
	[sflag:s0] =	ssyncset.done $0x0  }
.Ltmp1:
0x27: {  	s22 =	simm.s32 $0x7900;
	[sflag:s0] =	ssyncadd.s32 $0xFFFFFF80;
	(pc) =	sbr.rel @!p1 .LBB2_40-.Ltmp1, $4  }
0x28: {  	[hbm4b:s30+s1] =	stream.linear.scatter [tilespmem:s22], [sflag:$0x3], $0x80, $0x38;
	[tilespmem:$0x10600] =	vst v63  }
0x29: {  	_ =	swait.ge [sflag:s0], $0x80  }
0x2a: {  	[sflag:s0] =	ssyncset.done $0x0  }
0x2b: {  	[sflag:s0] =	ssyncadd.s32 $0xFFFFFF80  }
.LBB2_1:
0x2c: {  	s18 =	rddreg [dreg:$0x3]  }
0x2d: {  	[tilespmem:s1], [sflag:$0x3] =	stream.linear.gather [hbm4b:s18+s1], $0x2800, $0x38;
	[tilespmem:$0x10600] =	vst v63  }
0x2e: {  	_ =	swait.ge [sflag:s0], $0x2800  }
0x2f: {  	[sflag:s0] =	ssyncset.done $0x0  }
0x30: {  	s22 =	rddreg [dreg:$0x4];
	[sflag:s0] =	ssyncadd.s32 $0xFFFFD800  }
0x31: {  	[tilespmem:s2], [sflag:$0x3] =	stream.linear.gather [hbm4b:s22+s1], $0x2800, $0x38;
	[tilespmem:$0x10600] =	vst v63  }
0x32: {  	_ =	swait.ge [sflag:s0], $0x2800  }
0x33: {  	[sflag:s0] =	ssyncset.done $0x0  }
0x34: {  	s18 =	simm.s32 $0x5040;
	[sflag:s0] =	ssyncadd.s32 $0xFFFFD800  }
0x35: {  	[tilespmem:s18+$0xFFFFFFC0] =	vst v1  }
0x36: {  	[tilespmem:s18+$0x30] =	vst v1  }
0x37: {  	[tilespmem:s18+$0x20] =	vst v1  }
0x38: {  	[tilespmem:s18+$0x10] =	vst v1  }
0x39: {  	[tilespmem:s18+$0x0] =	vst v1  }
0x3a: {  	[tilespmem:s18+$0xFFFFFFF0] =	vst v1  }
0x3b: {  	s19 =	simm.s32 $0x0;
	[tilespmem:s18+$0xFFFFFFE0] =	vst v1  }
.LBB2_2:
0x3c: {  	s19 =	sadd.s32 $0x8, s19;
	[tilespmem:s18+$0xFFFFFFD0] =	vst v1;
	s18 =	sadd.s32 $0x80, s18  }
0x3d: {  	[tilespmem:s18+$0xFFFFFFC0] =	vst v1;
	p1 =	slt.u32 s19, $0x278  }
0x3e: {  	[tilespmem:s18+$0x30] =	vst v1  }
.Ltmp2:
0x3f: {  	[tilespmem:s18+$0x20] =	vst v1;
	(pc) =	sbr.rel @p1 .LBB2_2-.Ltmp2, $4  }
0x40: {  	[tilespmem:s18+$0x10] =	vst v1  }
0x41: {  	[tilespmem:s18+$0x0] =	vst v1  }
0x42: {  	[tilespmem:s18+$0xFFFFFFF0] =	vst v1  }
0x43: {  	[tilespmem:s18+$0xFFFFFFE0] =	vst v1  }
0x44: {  	[tilespmem:s18+$0xFFFFFFD0] =	vst v1  }
0x45: {  	[tilespmem:$0x7800] =	vst v1  }
0x46: {  	[tilespmem:$0x7810] =	vst v1  }
0x47: {  	[tilespmem:$0x7820] =	vst v1  }
0x48: {  	[tilespmem:$0x7830] =	vst v1  }
0x49: {  	[tilespmem:$0x7840] =	vst v1  }
0x4a: {  	[tilespmem:$0x7850] =	vst v1  }
0x4b: {  	[tilespmem:$0x7860] =	vst v1  }
0x4c: {  	[tilespmem:$0x7870] =	vst v1  }
0x4d: {  	[tilespmem:$0x7880] =	vst v1  }
0x4e: {  	[tilespmem:$0x7890] =	vst v1  }
0x4f: {  	[tilespmem:$0x78A0] =	vst v1  }
0x50: {  	[tilespmem:$0x78B0] =	vst v1  }
0x51: {  	[tilespmem:$0x78C0] =	vst v1  }
0x52: {  	[tilespmem:$0x78D0] =	vst v1  }
0x53: {  	[tilespmem:$0x78E0] =	vst v1  }
0x54: {  	[tilespmem:$0x78F0] =	vst v1  }
0x55: {  	[tilespmem:$0x7900] =	vst v1  }
0x56: {  	[tilespmem:$0x7910] =	vst v1  }
0x57: {  	[tilespmem:$0x7920] =	vst v1  }
0x58: {  	[tilespmem:$0x7930] =	vst v1  }
0x59: {  	[tilespmem:$0x7940] =	vst v1  }
0x5a: {  	[tilespmem:$0x7950] =	vst v1  }
0x5b: {  	[tilespmem:$0x7960] =	vst v1  }
0x5c: {  	[tilespmem:$0x7970] =	vst v1;
	s18 =	rddreg [dreg:$0x5]  }
0x5d: {  	[tilespmem:s3], [sflag:$0x3] =	stream.linear.gather [hbm4b:s18+s1], $0xFA0, $0x38;
	[tilespmem:$0x10600] =	vst v63  }
0x5e: {  	_ =	swait.ge [sflag:s0], $0xFA0  }
0x5f: {  	[sflag:s0] =	ssyncset.done $0x0  }
0x60: {  	s22 =	rddreg [dreg:$0x6];
	[sflag:s0] =	ssyncadd.s32 $0xFFFFF060  }
0x61: {  	[tilespmem:s4], [sflag:$0x3] =	stream.linear.gather [hbm4b:s22+s1], $0xFA0, $0x38;
	[tilespmem:$0x10600] =	vst v63  }
0x62: {  	_ =	swait.ge [sflag:s0], $0xFA0  }
0x63: {  	[sflag:s0] =	ssyncset.done $0x0  }
0x64: {  	s19 =	simm.s32 $0x8720;
	[sflag:s0] =	ssyncadd.s32 $0xFFFFF060  }
0x65: {  	s18 =	simm.s32 $0x9720;
	v6 =	vld [tilespmem:s19+$0x20]  }
0x66: {  	v8 =	vld [tilespmem:s18+$0x20]  }
0x67: {  	v4 =	vld [tilespmem:s18+$0xFFFFFFE0]  }
0x68: {  	v5 =	vld [tilespmem:s19+$0xFFFFFFF0]  }
0x69: {  	v9 =	vld [tilespmem:s18+$0xFFFFFFF0]  }
0x6a: {  	v12 =	vld [tilespmem:s19+$0x0]  }
0x6b: {  	v13 =	vld [tilespmem:s18+$0x0]  }
0x6c: {  	v15 =	vld [tilespmem:s19+$0x10]  }
0x6d: {  	v17 =	vld [tilespmem:s18+$0x10]  }
0x6e: {  	v18 =	vld [tilespmem:s19+$0xFFFFFFE0]  }
0x6f: {  	v14 =	vld.idx.msk [tilespmem:v6+s1+$0x0], $0xffff  }
0x70: {  	v16 =	vld.idx.msk [tilespmem:v8+s2+$0x0], $0xffff  }
0x71: {  	v19 =	vld.idx.msk [tilespmem:v4+s2+$0x0], $0xffff  }
0x72: {  	v20 =	vld.idx.msk [tilespmem:v5+s1+$0x0], $0xffff  }
0x73: {  	v10 =	vld.idx.msk [tilespmem:v9+s2+$0x0], $0xffff  }
0x74: {  	v7 =	vshll.u32 v5, $0x7;
	v21 =	vshll.u32 v9, $0x5;
	v11 =	vld.idx.msk [tilespmem:v12+s1+$0x0], $0xffff  }
0x75: {  	v4 =	vshll.u32 v4, $0x5;
	v5 =	vshll.u32 v12, $0x7;
	v9 =	vshll.u32 v8, $0x5;
	v12 =	vld.idx.msk [tilespmem:v13+s2+$0x0], $0xffff  }
0x76: {  	s19 =	simm.s32 $0xA720;
	v8 =	vshll.u32 v13, $0x5;
	v13 =	vshll.u32 v6, $0x7;
	v9 =	vadd.s32 v14, v9;
	v14 =	vld.idx.msk [tilespmem:v15+s1+$0x0], $0xffff  }
0x77: {  	s20 =	simm.s32 $0xB720;
	v6 =	vshll.u32 v15, $0x7;
	v15 =	vld.idx.msk [tilespmem:v17+s2+$0x0], $0xffff;
	[tilespmem:s19+$0x20] =	vst v9;
	v9 =	vadd.s32 v13, v16;
	v16 =	vshll.u32 v18, $0x7  }
0x78: {  	s21 =	simm.s32 $0x0;
	s22 =	simm.s32 $0x8770;
	v13 =	vshll.u32 v17, $0x5;
	v17 =	vadd.s32 v20, v21;
	[tilespmem:s20+$0x20] =	vst v9;
	v9 =	vadd.s32 v16, v19;
	v16 =	vld.idx.msk [tilespmem:v18+s1+$0x0], $0xffff  }
.LBB2_4:
0x79: {  	v18 =	vld [tilespmem:s22+$0x20];
	[tilespmem:s19+$0xFFFFFFF0] =	vst v17;
	v7 =	vadd.s32 v7, v10;
	s18 =	sadd.s32 $0x50, s18  }
0x7a: {  	s21 =	sadd.s32 $0x5, s21;
	v10 =	vld [tilespmem:s18+$0x20];
	[tilespmem:s20+$0xFFFFFFF0] =	vst v7;
	v7 =	vadd.s32 v11, v8  }
0x7b: {  	p1 =	slt.u32 s21, $0xF5;
	v5 =	vadd.s32 v5, v12;
	v11 =	vld [tilespmem:s18+$0xFFFFFFE0];
	[tilespmem:s19+$0x0] =	vst v7  }
0x7c: {  	v12 =	vld [tilespmem:s22+$0xFFFFFFF0];
	[tilespmem:s20+$0x0] =	vst v5;
	v5 =	vadd.s32 v14, v13  }
0x7d: {  	v13 =	vld [tilespmem:s18+$0xFFFFFFF0];
	[tilespmem:s19+$0x10] =	vst v5;
	v5 =	vadd.s32 v6, v15  }
0x7e: {  	v4 =	vadd.s32 v16, v4;
	v14 =	vld [tilespmem:s22+$0x0];
	[tilespmem:s20+$0x10] =	vst v5  }
0x7f: {  	v15 =	vld [tilespmem:s18+$0x0];
	[tilespmem:s19+$0xFFFFFFE0] =	vst v4  }
0x80: {  	v4 =	vshll.u32 v11, $0x5;
	v16 =	vld [tilespmem:s22+$0x10];
	[tilespmem:s20+$0xFFFFFFE0] =	vst v9  }
0x81: {  	v7 =	vshll.u32 v12, $0x7;
	v9 =	vld.idx.msk [tilespmem:v18+s1+$0x0], $0xffff  }
0x82: {  	v17 =	vshll.u32 v13, $0x5;
	v19 =	vld.idx.msk [tilespmem:v10+s2+$0x0], $0xffff  }
0x83: {  	v5 =	vshll.u32 v14, $0x7;
	v20 =	vld [tilespmem:s18+$0x10]  }
0x84: {  	v21 =	vld [tilespmem:s22+$0xFFFFFFE0];
	v8 =	vshll.u32 v15, $0x5  }
0x85: {  	v22 =	vld.idx.msk [tilespmem:v11+s2+$0x0], $0xffff;
	v6 =	vshll.u32 v16, $0x7  }
0x86: {  	v11 =	vshll.u32 v10, $0x5;
	v23 =	vld.idx.msk [tilespmem:v12+s1+$0x0], $0xffff  }
0x87: {  	s19 =	sadd.s32 $0x50, s19;
	v9 =	vadd.s32 v9, v11;
	v12 =	vshll.u32 v18, $0x7;
	v10 =	vld.idx.msk [tilespmem:v13+s2+$0x0], $0xffff  }
.Ltmp3:
0x88: {  	s20 =	sadd.s32 $0x50, s20;
	v11 =	vld.idx.msk [tilespmem:v14+s1+$0x0], $0xffff;
	v13 =	vshll.u32 v20, $0x5;
	[tilespmem:s19+$0x20] =	vst v9;
	v9 =	vadd.s32 v12, v19;
	(pc) =	sbr.rel @p1 .LBB2_4-.Ltmp3, $4  }
0x89: {  	v18 =	vshll.u32 v21, $0x7;
	v12 =	vld.idx.msk [tilespmem:v15+s2+$0x0], $0xffff;
	[tilespmem:s20+$0x20] =	vst v9  }
0x8a: {  	v14 =	vld.idx.msk [tilespmem:v16+s1+$0x0], $0xffff  }
0x8b: {  	v9 =	vadd.s32 v18, v22;
	v15 =	vld.idx.msk [tilespmem:v20+s2+$0x0], $0xffff  }
0x8c: {  	s22 =	sadd.s32 $0x50, s22;
	v17 =	vadd.s32 v23, v17;
	v16 =	vld.idx.msk [tilespmem:v21+s1+$0x0], $0xffff  }
0x8d: {  	[tilespmem:s19+$0xFFFFFFF0] =	vst v17;
	v7 =	vadd.s32 v7, v10  }
0x8e: {  	[tilespmem:s20+$0xFFFFFFF0] =	vst v7;
	v7 =	vadd.s32 v11, v8  }
0x8f: {  	v5 =	vadd.s32 v5, v12;
	[tilespmem:s19+$0x0] =	vst v7  }
0x90: {  	[tilespmem:s20+$0x0] =	vst v5;
	v5 =	vadd.s32 v14, v13  }
0x91: {  	[tilespmem:s19+$0x10] =	vst v5;
	v5 =	vadd.s32 v6, v15  }
0x92: {  	v4 =	vadd.s32 v16, v4;
	[tilespmem:s20+$0x10] =	vst v5  }
0x93: {  	[tilespmem:s19+$0xFFFFFFE0] =	vst v4  }
0x94: {  	[tilespmem:s20+$0xFFFFFFE0] =	vst v9  }
0x95: {  	s18 =	rddreg [dreg:$0x7]  }
0x96: {  	[hbm4b:s18+s1] =	stream.linear.scatter [tilespmem:s7], [sflag:$0x3], $0xFA0, $0x38;
	[tilespmem:$0x10600] =	vst v63  }
0x97: {  	_ =	swait.ge [sflag:s0], $0xFA0  }
0x98: {  	[sflag:s0] =	ssyncset.done $0x0  }
0x99: {  	s19 =	rddreg [dreg:$0x8];
	[sflag:s0] =	ssyncadd.s32 $0xFFFFF060  }
0x9a: {  	[hbm4b:s19+s1] =	stream.linear.scatter [tilespmem:s8], [sflag:$0x3], $0xFA0, $0x38;
	[tilespmem:$0x10600] =	vst v63  }
0x9b: {  	_ =	swait.ge [sflag:s0], $0xFA0  }
0x9c: {  	[sflag:s0] =	ssyncset.done $0x0  }
0x9d: {  	s20 =	rddreg [dreg:$0x9];
	[sflag:s0] =	ssyncadd.s32 $0xFFFFF060  }
0x9e: {  	[tilespmem:s3], [sflag:$0x3] =	stream.linear.gather [hbm4b:s20+s1], $0xFA0, $0x38;
	[tilespmem:$0x10600] =	vst v63  }
0x9f: {  	_ =	swait.ge [sflag:s0], $0xFA0  }
0xa0: {  	[sflag:s0] =	ssyncset.done $0x0  }
0xa1: {  	s21 =	rddreg [dreg:$0xa];
	[sflag:s0] =	ssyncadd.s32 $0xFFFFF060  }
0xa2: {  	[tilespmem:s4], [sflag:$0x3] =	stream.linear.gather [hbm4b:s21+s1], $0xFA0, $0x38;
	[tilespmem:$0x10600] =	vst v63  }
0xa3: {  	_ =	swait.ge [sflag:s0], $0xFA0  }
0xa4: {  	[sflag:s0] =	ssyncset.done $0x0  }
0xa5: {  	s22 =	simm.s32 $0x8720;
	[sflag:s0] =	ssyncadd.s32 $0xFFFFF060  }
0xa6: {  	s18 =	simm.s32 $0x9720;
	v6 =	vld [tilespmem:s22+$0x20]  }
0xa7: {  	v8 =	vld [tilespmem:s18+$0x20]  }
0xa8: {  	v4 =	vld [tilespmem:s18+$0xFFFFFFE0]  }
0xa9: {  	v5 =	vld [tilespmem:s22+$0xFFFFFFF0]  }
0xaa: {  	v9 =	vld [tilespmem:s18+$0xFFFFFFF0]  }
0xab: {  	v12 =	vld [tilespmem:s22+$0x0]  }
0xac: {  	v13 =	vld [tilespmem:s18+$0x0]  }
0xad: {  	v15 =	vld [tilespmem:s22+$0x10]  }
0xae: {  	v17 =	vld [tilespmem:s18+$0x10]  }
0xaf: {  	v18 =	vld [tilespmem:s22+$0xFFFFFFE0]  }
0xb0: {  	v14 =	vld.idx.msk [tilespmem:v6+s1+$0x0], $0xffff  }
0xb1: {  	v16 =	vld.idx.msk [tilespmem:v8+s2+$0x0], $0xffff  }
0xb2: {  	v19 =	vld.idx.msk [tilespmem:v4+s2+$0x0], $0xffff  }
0xb3: {  	v20 =	vld.idx.msk [tilespmem:v5+s1+$0x0], $0xffff  }
0xb4: {  	v10 =	vld.idx.msk [tilespmem:v9+s2+$0x0], $0xffff  }
0xb5: {  	v7 =	vshll.u32 v5, $0x7;
	v21 =	vshll.u32 v9, $0x5;
	v11 =	vld.idx.msk [tilespmem:v12+s1+$0x0], $0xffff  }
0xb6: {  	v4 =	vshll.u32 v4, $0x5;
	v5 =	vshll.u32 v12, $0x7;
	v9 =	vshll.u32 v8, $0x5;
	v12 =	vld.idx.msk [tilespmem:v13+s2+$0x0], $0xffff  }
0xb7: {  	s19 =	simm.s32 $0xA720;
	v8 =	vshll.u32 v13, $0x5;
	v13 =	vshll.u32 v6, $0x7;
	v9 =	vadd.s32 v14, v9;
	v14 =	vld.idx.msk [tilespmem:v15+s1+$0x0], $0xffff  }
0xb8: {  	s20 =	simm.s32 $0xB720;
	v6 =	vshll.u32 v15, $0x7;
	v15 =	vld.idx.msk [tilespmem:v17+s2+$0x0], $0xffff;
	[tilespmem:s19+$0x20] =	vst v9;
	v9 =	vadd.s32 v13, v16;
	v16 =	vshll.u32 v18, $0x7  }
0xb9: {  	s21 =	simm.s32 $0x0;
	s22 =	simm.s32 $0x8770;
	v13 =	vshll.u32 v17, $0x5;
	v17 =	vadd.s32 v20, v21;
	[tilespmem:s20+$0x20] =	vst v9;
	v9 =	vadd.s32 v16, v19;
	v16 =	vld.idx.msk [tilespmem:v18+s1+$0x0], $0xffff  }
.LBB2_6:
0xba: {  	v18 =	vld [tilespmem:s22+$0x20];
	[tilespmem:s19+$0xFFFFFFF0] =	vst v17;
	v7 =	vadd.s32 v7, v10;
	s18 =	sadd.s32 $0x50, s18  }
0xbb: {  	s21 =	sadd.s32 $0x5, s21;
	v10 =	vld [tilespmem:s18+$0x20];
	[tilespmem:s20+$0xFFFFFFF0] =	vst v7;
	v7 =	vadd.s32 v11, v8  }
0xbc: {  	p1 =	slt.u32 s21, $0xF5;
	v5 =	vadd.s32 v5, v12;
	v11 =	vld [tilespmem:s18+$0xFFFFFFE0];
	[tilespmem:s19+$0x0] =	vst v7  }
0xbd: {  	v12 =	vld [tilespmem:s22+$0xFFFFFFF0];
	[tilespmem:s20+$0x0] =	vst v5;
	v5 =	vadd.s32 v14, v13  }
0xbe: {  	v13 =	vld [tilespmem:s18+$0xFFFFFFF0];
	[tilespmem:s19+$0x10] =	vst v5;
	v5 =	vadd.s32 v6, v15  }
0xbf: {  	v4 =	vadd.s32 v16, v4;
	v14 =	vld [tilespmem:s22+$0x0];
	[tilespmem:s20+$0x10] =	vst v5  }
0xc0: {  	v15 =	vld [tilespmem:s18+$0x0];
	[tilespmem:s19+$0xFFFFFFE0] =	vst v4  }
0xc1: {  	v4 =	vshll.u32 v11, $0x5;
	v16 =	vld [tilespmem:s22+$0x10];
	[tilespmem:s20+$0xFFFFFFE0] =	vst v9  }
0xc2: {  	v7 =	vshll.u32 v12, $0x7;
	v9 =	vld.idx.msk [tilespmem:v18+s1+$0x0], $0xffff  }
0xc3: {  	v17 =	vshll.u32 v13, $0x5;
	v19 =	vld.idx.msk [tilespmem:v10+s2+$0x0], $0xffff  }
0xc4: {  	v5 =	vshll.u32 v14, $0x7;
	v20 =	vld [tilespmem:s18+$0x10]  }
0xc5: {  	v21 =	vld [tilespmem:s22+$0xFFFFFFE0];
	v8 =	vshll.u32 v15, $0x5  }
0xc6: {  	v22 =	vld.idx.msk [tilespmem:v11+s2+$0x0], $0xffff;
	v6 =	vshll.u32 v16, $0x7  }
0xc7: {  	v11 =	vshll.u32 v10, $0x5;
	v23 =	vld.idx.msk [tilespmem:v12+s1+$0x0], $0xffff  }
0xc8: {  	s19 =	sadd.s32 $0x50, s19;
	v9 =	vadd.s32 v9, v11;
	v12 =	vshll.u32 v18, $0x7;
	v10 =	vld.idx.msk [tilespmem:v13+s2+$0x0], $0xffff  }
.Ltmp4:
0xc9: {  	s20 =	sadd.s32 $0x50, s20;
	v11 =	vld.idx.msk [tilespmem:v14+s1+$0x0], $0xffff;
	v13 =	vshll.u32 v20, $0x5;
	[tilespmem:s19+$0x20] =	vst v9;
	v9 =	vadd.s32 v12, v19;
	(pc) =	sbr.rel @p1 .LBB2_6-.Ltmp4, $4  }
0xca: {  	v18 =	vshll.u32 v21, $0x7;
	v12 =	vld.idx.msk [tilespmem:v15+s2+$0x0], $0xffff;
	[tilespmem:s20+$0x20] =	vst v9  }
0xcb: {  	v14 =	vld.idx.msk [tilespmem:v16+s1+$0x0], $0xffff  }
0xcc: {  	v9 =	vadd.s32 v18, v22;
	v15 =	vld.idx.msk [tilespmem:v20+s2+$0x0], $0xffff  }
0xcd: {  	s22 =	sadd.s32 $0x50, s22;
	v17 =	vadd.s32 v23, v17;
	v16 =	vld.idx.msk [tilespmem:v21+s1+$0x0], $0xffff  }
0xce: {  	[tilespmem:s19+$0xFFFFFFF0] =	vst v17;
	v7 =	vadd.s32 v7, v10  }
0xcf: {  	[tilespmem:s20+$0xFFFFFFF0] =	vst v7;
	v7 =	vadd.s32 v11, v8  }
0xd0: {  	v5 =	vadd.s32 v5, v12;
	[tilespmem:s19+$0x0] =	vst v7  }
0xd1: {  	[tilespmem:s20+$0x0] =	vst v5;
	v5 =	vadd.s32 v14, v13  }
0xd2: {  	[tilespmem:s19+$0x10] =	vst v5;
	v5 =	vadd.s32 v6, v15  }
0xd3: {  	v4 =	vadd.s32 v16, v4;
	[tilespmem:s20+$0x10] =	vst v5  }
0xd4: {  	[tilespmem:s19+$0xFFFFFFE0] =	vst v4  }
0xd5: {  	[tilespmem:s20+$0xFFFFFFE0] =	vst v9  }
0xd6: {  	s18 =	rddreg [dreg:$0xb]  }
0xd7: {  	[hbm4b:s18+s1] =	stream.linear.scatter [tilespmem:s7], [sflag:$0x3], $0xFA0, $0x38;
	[tilespmem:$0x10600] =	vst v63  }
0xd8: {  	_ =	swait.ge [sflag:s0], $0xFA0  }
0xd9: {  	[sflag:s0] =	ssyncset.done $0x0  }
0xda: {  	s19 =	rddreg [dreg:$0xc];
	[sflag:s0] =	ssyncadd.s32 $0xFFFFF060  }
0xdb: {  	[hbm4b:s19+s1] =	stream.linear.scatter [tilespmem:s8], [sflag:$0x3], $0xFA0, $0x38;
	[tilespmem:$0x10600] =	vst v63  }
0xdc: {  	_ =	swait.ge [sflag:s0], $0xFA0  }
0xdd: {  	[sflag:s0] =	ssyncset.done $0x0  }
0xde: {  	s20 =	rddreg [dreg:$0xd];
	[sflag:s0] =	ssyncadd.s32 $0xFFFFF060  }
0xdf: {  	[tilespmem:s3], [sflag:$0x3] =	stream.linear.gather [hbm4b:s20+s1], $0xFA0, $0x38;
	[tilespmem:$0x10600] =	vst v63  }
0xe0: {  	_ =	swait.ge [sflag:s0], $0xFA0  }
0xe1: {  	[sflag:s0] =	ssyncset.done $0x0  }
0xe2: {  	s21 =	rddreg [dreg:$0xe];
	[sflag:s0] =	ssyncadd.s32 $0xFFFFF060  }
0xe3: {  	[tilespmem:s4], [sflag:$0x3] =	stream.linear.gather [hbm4b:s21+s1], $0xFA0, $0x38;
	[tilespmem:$0x10600] =	vst v63  }
0xe4: {  	_ =	swait.ge [sflag:s0], $0xFA0  }
0xe5: {  	[sflag:s0] =	ssyncset.done $0x0  }
0xe6: {  	s22 =	simm.s32 $0x8720;
	[sflag:s0] =	ssyncadd.s32 $0xFFFFF060  }
0xe7: {  	s18 =	simm.s32 $0x9720;
	v6 =	vld [tilespmem:s22+$0x20]  }
0xe8: {  	v8 =	vld [tilespmem:s18+$0x20]  }
0xe9: {  	v4 =	vld [tilespmem:s18+$0xFFFFFFE0]  }
0xea: {  	v5 =	vld [tilespmem:s22+$0xFFFFFFF0]  }
0xeb: {  	v9 =	vld [tilespmem:s18+$0xFFFFFFF0]  }
0xec: {  	v12 =	vld [tilespmem:s22+$0x0]  }
0xed: {  	v13 =	vld [tilespmem:s18+$0x0]  }
0xee: {  	v15 =	vld [tilespmem:s22+$0x10]  }
0xef: {  	v17 =	vld [tilespmem:s18+$0x10]  }
0xf0: {  	v18 =	vld [tilespmem:s22+$0xFFFFFFE0]  }
0xf1: {  	v14 =	vld.idx.msk [tilespmem:v6+s1+$0x0], $0xffff  }
0xf2: {  	v16 =	vld.idx.msk [tilespmem:v8+s2+$0x0], $0xffff  }
0xf3: {  	v19 =	vld.idx.msk [tilespmem:v4+s2+$0x0], $0xffff  }
0xf4: {  	v20 =	vld.idx.msk [tilespmem:v5+s1+$0x0], $0xffff  }
0xf5: {  	v10 =	vld.idx.msk [tilespmem:v9+s2+$0x0], $0xffff  }
0xf6: {  	v7 =	vshll.u32 v5, $0x7;
	v21 =	vshll.u32 v9, $0x5;
	v11 =	vld.idx.msk [tilespmem:v12+s1+$0x0], $0xffff  }
0xf7: {  	v4 =	vshll.u32 v4, $0x5;
	v5 =	vshll.u32 v12, $0x7;
	v9 =	vshll.u32 v8, $0x5;
	v12 =	vld.idx.msk [tilespmem:v13+s2+$0x0], $0xffff  }
0xf8: {  	s19 =	simm.s32 $0xA720;
	v8 =	vshll.u32 v13, $0x5;
	v13 =	vshll.u32 v6, $0x7;
	v9 =	vadd.s32 v14, v9;
	v14 =	vld.idx.msk [tilespmem:v15+s1+$0x0], $0xffff  }
0xf9: {  	s20 =	simm.s32 $0xB720;
	v6 =	vshll.u32 v15, $0x7;
	v15 =	vld.idx.msk [tilespmem:v17+s2+$0x0], $0xffff;
	[tilespmem:s19+$0x20] =	vst v9;
	v9 =	vadd.s32 v13, v16;
	v16 =	vshll.u32 v18, $0x7  }
0xfa: {  	s21 =	simm.s32 $0x0;
	s22 =	simm.s32 $0x8770;
	v13 =	vshll.u32 v17, $0x5;
	v17 =	vadd.s32 v20, v21;
	[tilespmem:s20+$0x20] =	vst v9;
	v9 =	vadd.s32 v16, v19;
	v16 =	vld.idx.msk [tilespmem:v18+s1+$0x0], $0xffff  }
.LBB2_8:
0xfb: {  	v18 =	vld [tilespmem:s22+$0x20];
	[tilespmem:s19+$0xFFFFFFF0] =	vst v17;
	v7 =	vadd.s32 v7, v10;
	s18 =	sadd.s32 $0x50, s18  }
0xfc: {  	s21 =	sadd.s32 $0x5, s21;
	v10 =	vld [tilespmem:s18+$0x20];
	[tilespmem:s20+$0xFFFFFFF0] =	vst v7;
	v7 =	vadd.s32 v11, v8  }
0xfd: {  	p1 =	slt.u32 s21, $0xF5;
	v5 =	vadd.s32 v5, v12;
	v11 =	vld [tilespmem:s18+$0xFFFFFFE0];
	[tilespmem:s19+$0x0] =	vst v7  }
0xfe: {  	v12 =	vld [tilespmem:s22+$0xFFFFFFF0];
	[tilespmem:s20+$0x0] =	vst v5;
	v5 =	vadd.s32 v14, v13  }
0xff: {  	v13 =	vld [tilespmem:s18+$0xFFFFFFF0];
	[tilespmem:s19+$0x10] =	vst v5;
	v5 =	vadd.s32 v6, v15  }
0x100: {  	v4 =	vadd.s32 v16, v4;
	v14 =	vld [tilespmem:s22+$0x0];
	[tilespmem:s20+$0x10] =	vst v5  }
0x101: {  	v15 =	vld [tilespmem:s18+$0x0];
	[tilespmem:s19+$0xFFFFFFE0] =	vst v4  }
0x102: {  	v4 =	vshll.u32 v11, $0x5;
	v16 =	vld [tilespmem:s22+$0x10];
	[tilespmem:s20+$0xFFFFFFE0] =	vst v9  }
0x103: {  	v7 =	vshll.u32 v12, $0x7;
	v9 =	vld.idx.msk [tilespmem:v18+s1+$0x0], $0xffff  }
0x104: {  	v17 =	vshll.u32 v13, $0x5;
	v19 =	vld.idx.msk [tilespmem:v10+s2+$0x0], $0xffff  }
0x105: {  	v5 =	vshll.u32 v14, $0x7;
	v20 =	vld [tilespmem:s18+$0x10]  }
0x106: {  	v21 =	vld [tilespmem:s22+$0xFFFFFFE0];
	v8 =	vshll.u32 v15, $0x5  }
0x107: {  	v22 =	vld.idx.msk [tilespmem:v11+s2+$0x0], $0xffff;
	v6 =	vshll.u32 v16, $0x7  }
0x108: {  	v11 =	vshll.u32 v10, $0x5;
	v23 =	vld.idx.msk [tilespmem:v12+s1+$0x0], $0xffff  }
0x109: {  	s19 =	sadd.s32 $0x50, s19;
	v9 =	vadd.s32 v9, v11;
	v12 =	vshll.u32 v18, $0x7;
	v10 =	vld.idx.msk [tilespmem:v13+s2+$0x0], $0xffff  }
.Ltmp5:
0x10a: {  	s20 =	sadd.s32 $0x50, s20;
	v11 =	vld.idx.msk [tilespmem:v14+s1+$0x0], $0xffff;
	v13 =	vshll.u32 v20, $0x5;
	[tilespmem:s19+$0x20] =	vst v9;
	v9 =	vadd.s32 v12, v19;
	(pc) =	sbr.rel @p1 .LBB2_8-.Ltmp5, $4  }
0x10b: {  	v18 =	vshll.u32 v21, $0x7;
	v12 =	vld.idx.msk [tilespmem:v15+s2+$0x0], $0xffff;
	[tilespmem:s20+$0x20] =	vst v9  }
0x10c: {  	v14 =	vld.idx.msk [tilespmem:v16+s1+$0x0], $0xffff  }
0x10d: {  	v9 =	vadd.s32 v18, v22;
	v15 =	vld.idx.msk [tilespmem:v20+s2+$0x0], $0xffff  }
0x10e: {  	s22 =	sadd.s32 $0x50, s22;
	v17 =	vadd.s32 v23, v17;
	v16 =	vld.idx.msk [tilespmem:v21+s1+$0x0], $0xffff  }
0x10f: {  	[tilespmem:s19+$0xFFFFFFF0] =	vst v17;
	v7 =	vadd.s32 v7, v10  }
0x110: {  	[tilespmem:s20+$0xFFFFFFF0] =	vst v7;
	v7 =	vadd.s32 v11, v8  }
0x111: {  	v5 =	vadd.s32 v5, v12;
	[tilespmem:s19+$0x0] =	vst v7  }
0x112: {  	[tilespmem:s20+$0x0] =	vst v5;
	v5 =	vadd.s32 v14, v13  }
0x113: {  	[tilespmem:s19+$0x10] =	vst v5;
	v5 =	vadd.s32 v6, v15  }
0x114: {  	v4 =	vadd.s32 v16, v4;
	[tilespmem:s20+$0x10] =	vst v5  }
0x115: {  	[tilespmem:s19+$0xFFFFFFE0] =	vst v4  }
0x116: {  	[tilespmem:s20+$0xFFFFFFE0] =	vst v9  }
0x117: {  	s18 =	rddreg [dreg:$0x10]  }
0x118: {  	[hbm4b:s18+s1] =	stream.linear.scatter [tilespmem:s7], [sflag:$0x3], $0xFA0, $0x38;
	[tilespmem:$0x10600] =	vst v63  }
0x119: {  	_ =	swait.ge [sflag:s0], $0xFA0  }
0x11a: {  	[sflag:s0] =	ssyncset.done $0x0  }
0x11b: {  	s19 =	rddreg [dreg:$0x11];
	[sflag:s0] =	ssyncadd.s32 $0xFFFFF060  }
0x11c: {  	[hbm4b:s19+s1] =	stream.linear.scatter [tilespmem:s8], [sflag:$0x3], $0xFA0, $0x38;
	[tilespmem:$0x10600] =	vst v63  }
0x11d: {  	_ =	swait.ge [sflag:s0], $0xFA0  }
0x11e: {  	[sflag:s0] =	ssyncset.done $0x0  }
0x11f: {  	s20 =	rddreg [dreg:$0x12];
	[sflag:s0] =	ssyncadd.s32 $0xFFFFF060  }
0x120: {  	[tilespmem:s3], [sflag:$0x3] =	stream.linear.gather [hbm4b:s20+s1], $0xFA0, $0x38;
	[tilespmem:$0x10600] =	vst v63  }
0x121: {  	_ =	swait.ge [sflag:s0], $0xFA0  }
0x122: {  	[sflag:s0] =	ssyncset.done $0x0  }
0x123: {  	s21 =	rddreg [dreg:$0x13];
	[sflag:s0] =	ssyncadd.s32 $0xFFFFF060  }
0x124: {  	[tilespmem:s4], [sflag:$0x3] =	stream.linear.gather [hbm4b:s21+s1], $0xFA0, $0x38;
	[tilespmem:$0x10600] =	vst v63  }
0x125: {  	_ =	swait.ge [sflag:s0], $0xFA0  }
0x126: {  	[sflag:s0] =	ssyncset.done $0x0  }
0x127: {  	s22 =	simm.s32 $0x8720;
	[sflag:s0] =	ssyncadd.s32 $0xFFFFF060  }
0x128: {  	s18 =	simm.s32 $0x9720;
	v6 =	vld [tilespmem:s22+$0x20]  }
0x129: {  	v8 =	vld [tilespmem:s18+$0x20]  }
0x12a: {  	v4 =	vld [tilespmem:s18+$0xFFFFFFE0]  }
0x12b: {  	v5 =	vld [tilespmem:s22+$0xFFFFFFF0]  }
0x12c: {  	v9 =	vld [tilespmem:s18+$0xFFFFFFF0]  }
0x12d: {  	v12 =	vld [tilespmem:s22+$0x0]  }
0x12e: {  	v13 =	vld [tilespmem:s18+$0x0]  }
0x12f: {  	v15 =	vld [tilespmem:s22+$0x10]  }
0x130: {  	v17 =	vld [tilespmem:s18+$0x10]  }
0x131: {  	v18 =	vld [tilespmem:s22+$0xFFFFFFE0]  }
0x132: {  	v14 =	vld.idx.msk [tilespmem:v6+s1+$0x0], $0xffff  }
0x133: {  	v16 =	vld.idx.msk [tilespmem:v8+s2+$0x0], $0xffff  }
0x134: {  	v19 =	vld.idx.msk [tilespmem:v4+s2+$0x0], $0xffff  }
0x135: {  	v20 =	vld.idx.msk [tilespmem:v5+s1+$0x0], $0xffff  }
0x136: {  	v10 =	vld.idx.msk [tilespmem:v9+s2+$0x0], $0xffff  }
0x137: {  	v7 =	vshll.u32 v5, $0x7;
	v21 =	vshll.u32 v9, $0x5;
	v11 =	vld.idx.msk [tilespmem:v12+s1+$0x0], $0xffff  }
0x138: {  	v4 =	vshll.u32 v4, $0x5;
	v5 =	vshll.u32 v12, $0x7;
	v9 =	vshll.u32 v8, $0x5;
	v12 =	vld.idx.msk [tilespmem:v13+s2+$0x0], $0xffff  }
0x139: {  	s19 =	simm.s32 $0xA720;
	v8 =	vshll.u32 v13, $0x5;
	v13 =	vshll.u32 v6, $0x7;
	v9 =	vadd.s32 v14, v9;
	v14 =	vld.idx.msk [tilespmem:v15+s1+$0x0], $0xffff  }
0x13a: {  	s20 =	simm.s32 $0xB720;
	v6 =	vshll.u32 v15, $0x7;
	v15 =	vld.idx.msk [tilespmem:v17+s2+$0x0], $0xffff;
	[tilespmem:s19+$0x20] =	vst v9;
	v9 =	vadd.s32 v13, v16;
	v16 =	vshll.u32 v18, $0x7  }
0x13b: {  	s21 =	simm.s32 $0x0;
	s22 =	simm.s32 $0x8770;
	v13 =	vshll.u32 v17, $0x5;
	v17 =	vadd.s32 v20, v21;
	[tilespmem:s20+$0x20] =	vst v9;
	v9 =	vadd.s32 v16, v19;
	v16 =	vld.idx.msk [tilespmem:v18+s1+$0x0], $0xffff  }
.LBB2_10:
0x13c: {  	v18 =	vld [tilespmem:s22+$0x20];
	[tilespmem:s19+$0xFFFFFFF0] =	vst v17;
	v7 =	vadd.s32 v7, v10;
	s18 =	sadd.s32 $0x50, s18  }
0x13d: {  	s21 =	sadd.s32 $0x5, s21;
	v10 =	vld [tilespmem:s18+$0x20];
	[tilespmem:s20+$0xFFFFFFF0] =	vst v7;
	v7 =	vadd.s32 v11, v8  }
0x13e: {  	p1 =	slt.u32 s21, $0xF5;
	v5 =	vadd.s32 v5, v12;
	v11 =	vld [tilespmem:s18+$0xFFFFFFE0];
	[tilespmem:s19+$0x0] =	vst v7  }
0x13f: {  	v12 =	vld [tilespmem:s22+$0xFFFFFFF0];
	[tilespmem:s20+$0x0] =	vst v5;
	v5 =	vadd.s32 v14, v13  }
0x140: {  	v13 =	vld [tilespmem:s18+$0xFFFFFFF0];
	[tilespmem:s19+$0x10] =	vst v5;
	v5 =	vadd.s32 v6, v15  }
0x141: {  	v4 =	vadd.s32 v16, v4;
	v14 =	vld [tilespmem:s22+$0x0];
	[tilespmem:s20+$0x10] =	vst v5  }
0x142: {  	v15 =	vld [tilespmem:s18+$0x0];
	[tilespmem:s19+$0xFFFFFFE0] =	vst v4  }
0x143: {  	v4 =	vshll.u32 v11, $0x5;
	v16 =	vld [tilespmem:s22+$0x10];
	[tilespmem:s20+$0xFFFFFFE0] =	vst v9  }
0x144: {  	v7 =	vshll.u32 v12, $0x7;
	v9 =	vld.idx.msk [tilespmem:v18+s1+$0x0], $0xffff  }
0x145: {  	v17 =	vshll.u32 v13, $0x5;
	v19 =	vld.idx.msk [tilespmem:v10+s2+$0x0], $0xffff  }
0x146: {  	v5 =	vshll.u32 v14, $0x7;
	v20 =	vld [tilespmem:s18+$0x10]  }
0x147: {  	v21 =	vld [tilespmem:s22+$0xFFFFFFE0];
	v8 =	vshll.u32 v15, $0x5  }
0x148: {  	v22 =	vld.idx.msk [tilespmem:v11+s2+$0x0], $0xffff;
	v6 =	vshll.u32 v16, $0x7  }
0x149: {  	v11 =	vshll.u32 v10, $0x5;
	v23 =	vld.idx.msk [tilespmem:v12+s1+$0x0], $0xffff  }
0x14a: {  	s19 =	sadd.s32 $0x50, s19;
	v9 =	vadd.s32 v9, v11;
	v12 =	vshll.u32 v18, $0x7;
	v10 =	vld.idx.msk [tilespmem:v13+s2+$0x0], $0xffff  }
.Ltmp6:
0x14b: {  	s20 =	sadd.s32 $0x50, s20;
	v11 =	vld.idx.msk [tilespmem:v14+s1+$0x0], $0xffff;
	v13 =	vshll.u32 v20, $0x5;
	[tilespmem:s19+$0x20] =	vst v9;
	v9 =	vadd.s32 v12, v19;
	(pc) =	sbr.rel @p1 .LBB2_10-.Ltmp6, $4  }
0x14c: {  	v18 =	vshll.u32 v21, $0x7;
	v12 =	vld.idx.msk [tilespmem:v15+s2+$0x0], $0xffff;
	[tilespmem:s20+$0x20] =	vst v9  }
0x14d: {  	v14 =	vld.idx.msk [tilespmem:v16+s1+$0x0], $0xffff  }
0x14e: {  	v9 =	vadd.s32 v18, v22;
	v15 =	vld.idx.msk [tilespmem:v20+s2+$0x0], $0xffff  }
0x14f: {  	s22 =	sadd.s32 $0x50, s22;
	v17 =	vadd.s32 v23, v17;
	v16 =	vld.idx.msk [tilespmem:v21+s1+$0x0], $0xffff  }
0x150: {  	[tilespmem:s19+$0xFFFFFFF0] =	vst v17;
	v7 =	vadd.s32 v7, v10  }
0x151: {  	[tilespmem:s20+$0xFFFFFFF0] =	vst v7;
	v7 =	vadd.s32 v11, v8  }
0x152: {  	v5 =	vadd.s32 v5, v12;
	[tilespmem:s19+$0x0] =	vst v7  }
0x153: {  	[tilespmem:s20+$0x0] =	vst v5;
	v5 =	vadd.s32 v14, v13  }
0x154: {  	[tilespmem:s19+$0x10] =	vst v5;
	v5 =	vadd.s32 v6, v15  }
0x155: {  	v4 =	vadd.s32 v16, v4;
	[tilespmem:s20+$0x10] =	vst v5  }
0x156: {  	[tilespmem:s19+$0xFFFFFFE0] =	vst v4  }
0x157: {  	[tilespmem:s20+$0xFFFFFFE0] =	vst v9  }
0x158: {  	s18 =	rddreg [dreg:$0x14]  }
0x159: {  	[hbm4b:s18+s1] =	stream.linear.scatter [tilespmem:s7], [sflag:$0x3], $0xFA0, $0x38;
	[tilespmem:$0x10600] =	vst v63  }
0x15a: {  	_ =	swait.ge [sflag:s0], $0xFA0  }
0x15b: {  	[sflag:s0] =	ssyncset.done $0x0  }
0x15c: {  	[sflag:s0] =	ssyncadd.s32 $0xFFFFF060  }
0x15d: {  	[hbm4b:s23+s1] =	stream.linear.scatter [tilespmem:s8], [sflag:$0x3], $0xFA0, $0x38;
	[tilespmem:$0x10600] =	vst v63  }
0x15e: {  	_ =	swait.ge [sflag:s0], $0xFA0  }
0x15f: {  	[sflag:s0] =	ssyncset.done $0x0  }
0x160: {  	[sflag:s0] =	ssyncadd.s32 $0xFFFFF060  }
0x161: {  	[tilespmem:s3], [sflag:$0x3] =	stream.linear.gather [hbm4b:s24+s1], $0xFA0, $0x38;
	[tilespmem:$0x10600] =	vst v63  }
0x162: {  	_ =	swait.ge [sflag:s0], $0xFA0  }
0x163: {  	[sflag:s0] =	ssyncset.done $0x0  }
0x164: {  	[sflag:s0] =	ssyncadd.s32 $0xFFFFF060  }
0x165: {  	[tilespmem:s4], [sflag:$0x3] =	stream.linear.gather [hbm4b:s25+s1], $0xFA0, $0x38;
	[tilespmem:$0x10600] =	vst v63  }
0x166: {  	_ =	swait.ge [sflag:s0], $0xFA0  }
0x167: {  	[sflag:s0] =	ssyncset.done $0x0  }
0x168: {  	s22 =	simm.s32 $0x8720;
	[sflag:s0] =	ssyncadd.s32 $0xFFFFF060  }
0x169: {  	s18 =	simm.s32 $0x9720;
	v6 =	vld [tilespmem:s22+$0x20]  }
0x16a: {  	v8 =	vld [tilespmem:s18+$0x20]  }
0x16b: {  	v4 =	vld [tilespmem:s18+$0xFFFFFFE0]  }
0x16c: {  	v5 =	vld [tilespmem:s22+$0xFFFFFFF0]  }
0x16d: {  	v9 =	vld [tilespmem:s18+$0xFFFFFFF0]  }
0x16e: {  	v12 =	vld [tilespmem:s22+$0x0]  }
0x16f: {  	v13 =	vld [tilespmem:s18+$0x0]  }
0x170: {  	v15 =	vld [tilespmem:s22+$0x10]  }
0x171: {  	v17 =	vld [tilespmem:s18+$0x10]  }
0x172: {  	v18 =	vld [tilespmem:s22+$0xFFFFFFE0]  }
0x173: {  	v14 =	vld.idx.msk [tilespmem:v6+s1+$0x0], $0xffff  }
0x174: {  	v16 =	vld.idx.msk [tilespmem:v8+s2+$0x0], $0xffff  }
0x175: {  	v19 =	vld.idx.msk [tilespmem:v4+s2+$0x0], $0xffff  }
0x176: {  	v20 =	vld.idx.msk [tilespmem:v5+s1+$0x0], $0xffff  }
0x177: {  	v10 =	vld.idx.msk [tilespmem:v9+s2+$0x0], $0xffff  }
0x178: {  	v7 =	vshll.u32 v5, $0x7;
	v21 =	vshll.u32 v9, $0x5;
	v11 =	vld.idx.msk [tilespmem:v12+s1+$0x0], $0xffff  }
0x179: {  	v4 =	vshll.u32 v4, $0x5;
	v5 =	vshll.u32 v12, $0x7;
	v9 =	vshll.u32 v8, $0x5;
	v12 =	vld.idx.msk [tilespmem:v13+s2+$0x0], $0xffff  }
0x17a: {  	s19 =	simm.s32 $0xA720;
	v8 =	vshll.u32 v13, $0x5;
	v13 =	vshll.u32 v6, $0x7;
	v9 =	vadd.s32 v14, v9;
	v14 =	vld.idx.msk [tilespmem:v15+s1+$0x0], $0xffff  }
0x17b: {  	s20 =	simm.s32 $0xB720;
	v6 =	vshll.u32 v15, $0x7;
	v15 =	vld.idx.msk [tilespmem:v17+s2+$0x0], $0xffff;
	[tilespmem:s19+$0x20] =	vst v9;
	v9 =	vadd.s32 v13, v16;
	v16 =	vshll.u32 v18, $0x7  }
0x17c: {  	s21 =	simm.s32 $0x0;
	s22 =	simm.s32 $0x8770;
	v13 =	vshll.u32 v17, $0x5;
	v17 =	vadd.s32 v20, v21;
	[tilespmem:s20+$0x20] =	vst v9;
	v9 =	vadd.s32 v16, v19;
	v16 =	vld.idx.msk [tilespmem:v18+s1+$0x0], $0xffff  }
.LBB2_12:
0x17d: {  	v18 =	vld [tilespmem:s22+$0x20];
	[tilespmem:s19+$0xFFFFFFF0] =	vst v17;
	v7 =	vadd.s32 v7, v10;
	s18 =	sadd.s32 $0x50, s18  }
0x17e: {  	s21 =	sadd.s32 $0x5, s21;
	v10 =	vld [tilespmem:s18+$0x20];
	[tilespmem:s20+$0xFFFFFFF0] =	vst v7;
	v7 =	vadd.s32 v11, v8  }
0x17f: {  	p1 =	slt.u32 s21, $0xF5;
	v5 =	vadd.s32 v5, v12;
	v11 =	vld [tilespmem:s18+$0xFFFFFFE0];
	[tilespmem:s19+$0x0] =	vst v7  }
0x180: {  	v12 =	vld [tilespmem:s22+$0xFFFFFFF0];
	[tilespmem:s20+$0x0] =	vst v5;
	v5 =	vadd.s32 v14, v13  }
0x181: {  	v13 =	vld [tilespmem:s18+$0xFFFFFFF0];
	[tilespmem:s19+$0x10] =	vst v5;
	v5 =	vadd.s32 v6, v15  }
0x182: {  	v4 =	vadd.s32 v16, v4;
	v14 =	vld [tilespmem:s22+$0x0];
	[tilespmem:s20+$0x10] =	vst v5  }
0x183: {  	v15 =	vld [tilespmem:s18+$0x0];
	[tilespmem:s19+$0xFFFFFFE0] =	vst v4  }
0x184: {  	v4 =	vshll.u32 v11, $0x5;
	v16 =	vld [tilespmem:s22+$0x10];
	[tilespmem:s20+$0xFFFFFFE0] =	vst v9  }
0x185: {  	v7 =	vshll.u32 v12, $0x7;
	v9 =	vld.idx.msk [tilespmem:v18+s1+$0x0], $0xffff  }
0x186: {  	v17 =	vshll.u32 v13, $0x5;
	v19 =	vld.idx.msk [tilespmem:v10+s2+$0x0], $0xffff  }
0x187: {  	v5 =	vshll.u32 v14, $0x7;
	v20 =	vld [tilespmem:s18+$0x10]  }
0x188: {  	v21 =	vld [tilespmem:s22+$0xFFFFFFE0];
	v8 =	vshll.u32 v15, $0x5  }
0x189: {  	v22 =	vld.idx.msk [tilespmem:v11+s2+$0x0], $0xffff;
	v6 =	vshll.u32 v16, $0x7  }
0x18a: {  	v11 =	vshll.u32 v10, $0x5;
	v23 =	vld.idx.msk [tilespmem:v12+s1+$0x0], $0xffff  }
0x18b: {  	s19 =	sadd.s32 $0x50, s19;
	v9 =	vadd.s32 v9, v11;
	v12 =	vshll.u32 v18, $0x7;
	v10 =	vld.idx.msk [tilespmem:v13+s2+$0x0], $0xffff  }
.Ltmp7:
0x18c: {  	s20 =	sadd.s32 $0x50, s20;
	v11 =	vld.idx.msk [tilespmem:v14+s1+$0x0], $0xffff;
	v13 =	vshll.u32 v20, $0x5;
	[tilespmem:s19+$0x20] =	vst v9;
	v9 =	vadd.s32 v12, v19;
	(pc) =	sbr.rel @p1 .LBB2_12-.Ltmp7, $4  }
0x18d: {  	v18 =	vshll.u32 v21, $0x7;
	v12 =	vld.idx.msk [tilespmem:v15+s2+$0x0], $0xffff;
	[tilespmem:s20+$0x20] =	vst v9  }
0x18e: {  	v14 =	vld.idx.msk [tilespmem:v16+s1+$0x0], $0xffff  }
0x18f: {  	v9 =	vadd.s32 v18, v22;
	v15 =	vld.idx.msk [tilespmem:v20+s2+$0x0], $0xffff  }
0x190: {  	s22 =	sadd.s32 $0x50, s22;
	v17 =	vadd.s32 v23, v17;
	v16 =	vld.idx.msk [tilespmem:v21+s1+$0x0], $0xffff  }
0x191: {  	[tilespmem:s19+$0xFFFFFFF0] =	vst v17;
	v7 =	vadd.s32 v7, v10  }
0x192: {  	v63 =	vadd.s32 v11, v8;
	[tilespmem:s20+$0xFFFFFFF0] =	vst v7  }
0x193: {  	[tilespmem:s19+$0x0] =	vst v63;
	v5 =	vadd.s32 v5, v12  }
0x194: {  	[tilespmem:s20+$0x0] =	vst v5;
	v5 =	vadd.s32 v14, v13  }
0x195: {  	[tilespmem:s19+$0x10] =	vst v5;
	v5 =	vadd.s32 v6, v15  }
0x196: {  	v4 =	vadd.s32 v16, v4;
	[tilespmem:s20+$0x10] =	vst v5  }
0x197: {  	[tilespmem:s19+$0xFFFFFFE0] =	vst v4  }
0x198: {  	[tilespmem:s20+$0xFFFFFFE0] =	vst v9  }
0x199: {  	[hbm4b:s26+s1] =	stream.linear.scatter [tilespmem:s7], [sflag:$0x3], $0xFA0, $0x38;
	[tilespmem:$0x10600] =	vst v63  }
0x19a: {  	_ =	swait.ge [sflag:s0], $0xFA0  }
0x19b: {  	[sflag:s0] =	ssyncset.done $0x0  }
0x19c: {  	[sflag:s0] =	ssyncadd.s32 $0xFFFFF060  }
0x19d: {  	[hbm4b:s28+s1] =	stream.linear.scatter [tilespmem:s8], [sflag:$0x3], $0xFA0, $0x38;
	[tilespmem:$0x10600] =	vst v63  }
.Ltmp8:
0x19e: {  	_ =	swait.ge [sflag:s0], $0xFA0;
	(pc) =	sbr.rel @p0 .LBB2_39-.Ltmp8, $3  }
0x19f: {  	[sflag:s0] =	ssyncset.done $0x0  }
0x1a0: {  	[sflag:s0] =	ssyncadd.s32 $0xFFFFF060  }
0x1a1: {  	[bflag:$0x0] =	sbarrier.arrive $0xFFFF;
	_ =	sdelay $0x1  }
0x1a2: {  	s18 =	simm.s32 $0x79C0  }
0x1a3: {  	[tilespmem:s18+$0xFFFFFFD0] =	vst v1  }
0x1a4: {  	[tilespmem:s18+$0x0] =	vst v1  }
0x1a5: {  	[tilespmem:s18+$0xFFFFFFC0] =	vst v1  }
0x1a6: {  	[tilespmem:s18+$0x30] =	vst v1  }
0x1a7: {  	[tilespmem:s18+$0xFFFFFFF0] =	vst v1  }
0x1a8: {  	[tilespmem:s18+$0xFFFFFFE0] =	vst v1  }
0x1a9: {  	[tilespmem:s18+$0x10] =	vst v1  }
0x1aa: {  	s20 =	simm.s32 $0x7E40;
	[tilespmem:s18+$0x20] =	vst v1  }
0x1ab: {  	[tilespmem:s20+$0xFFFFFFC0] =	vst v1  }
0x1ac: {  	[tilespmem:s20+$0x30] =	vst v1  }
0x1ad: {  	[tilespmem:s20+$0x0] =	vst v1  }
0x1ae: {  	[tilespmem:s20+$0x20] =	vst v1  }
0x1af: {  	[tilespmem:s20+$0x10] =	vst v1  }
0x1b0: {  	[tilespmem:s20+$0xFFFFFFD0] =	vst v1  }
0x1b1: {  	[tilespmem:s20+$0xFFFFFFE0] =	vst v1  }
0x1b2: {  	s19 =	simm.s32 $0x82C0;
	[tilespmem:s20+$0xFFFFFFF0] =	vst v1  }
0x1b3: {  	[tilespmem:s19+$0xFFFFFFC0] =	vst v1  }
0x1b4: {  	[tilespmem:s19+$0x30] =	vst v1  }
0x1b5: {  	[tilespmem:s19+$0x20] =	vst v1  }
0x1b6: {  	[tilespmem:s19+$0x10] =	vst v1  }
0x1b7: {  	s21 =	simm.s32 $0x0;
	s22 =	simm.s32 $0x8340;
	[tilespmem:s19+$0xFFFFFFD0] =	vst v1  }
.LBB2_15:
0x1b8: {  	s21 =	sadd.s32 $0x8, s21;
	[tilespmem:s19+$0xFFFFFFE0] =	vst v1;
	s18 =	sadd.s32 $0x80, s18;
	s20 =	sadd.s32 $0x80, s20  }
0x1b9: {  	p1 =	slt.u32 s21, $0x38;
	[tilespmem:s19+$0x0] =	vst v1  }
0x1ba: {  	[tilespmem:s19+$0xFFFFFFF0] =	vst v1;
	s19 =	smov.u32 s22  }
0x1bb: {  	[tilespmem:s18+$0xFFFFFFD0] =	vst v1  }
0x1bc: {  	[tilespmem:s18+$0x0] =	vst v1  }
0x1bd: {  	[tilespmem:s18+$0xFFFFFFC0] =	vst v1  }
0x1be: {  	[tilespmem:s20+$0xFFFFFFC0] =	vst v1  }
0x1bf: {  	[tilespmem:s22+$0xFFFFFFC0] =	vst v1  }
0x1c0: {  	[tilespmem:s18+$0x30] =	vst v1  }
0x1c1: {  	[tilespmem:s20+$0x30] =	vst v1  }
0x1c2: {  	[tilespmem:s22+$0x30] =	vst v1  }
0x1c3: {  	[tilespmem:s20+$0x0] =	vst v1  }
0x1c4: {  	[tilespmem:s18+$0xFFFFFFF0] =	vst v1  }
0x1c5: {  	[tilespmem:s18+$0xFFFFFFE0] =	vst v1  }
0x1c6: {  	[tilespmem:s18+$0x10] =	vst v1  }
0x1c7: {  	[tilespmem:s18+$0x20] =	vst v1  }
0x1c8: {  	[tilespmem:s20+$0x20] =	vst v1  }
0x1c9: {  	[tilespmem:s22+$0x20] =	vst v1  }
0x1ca: {  	[tilespmem:s20+$0x10] =	vst v1  }
.Ltmp9:
0x1cb: {  	[tilespmem:s22+$0x10] =	vst v1;
	(pc) =	sbr.rel @p1 .LBB2_15-.Ltmp9, $4  }
0x1cc: {  	[tilespmem:s20+$0xFFFFFFD0] =	vst v1  }
0x1cd: {  	[tilespmem:s20+$0xFFFFFFE0] =	vst v1  }
0x1ce: {  	[tilespmem:s22+$0xFFFFFFD0] =	vst v1  }
0x1cf: {  	s22 =	sadd.s32 $0x80, s22;
	[tilespmem:s20+$0xFFFFFFF0] =	vst v1  }
0x1d0: {  	[tilespmem:s19+$0xFFFFFFE0] =	vst v1  }
0x1d1: {  	[tilespmem:s19+$0x0] =	vst v1  }
0x1d2: {  	[tilespmem:s19+$0xFFFFFFF0] =	vst v1  }
0x1d3: {  	[tilespmem:$0x7D80] =	vst v1  }
0x1d4: {  	[tilespmem:$0x8200] =	vst v1  }
0x1d5: {  	s18 =	simm.s32 $0x0;
	[tilespmem:$0x8680] =	vst v1  }
0x1d6: {  	[tilespmem:s9], [sflag:$0x1] =	stream.linear.gather [hbm4b:s5+s18], $0x1F40, $0x38;
	[tilespmem:$0x10600] =	vst v63  }
.LBB2_17:
0x1d7: {  	s19 =	smul.u32 $0x3E80, s18;
	_ =	sdelay $0x1  }
0x1d8: {  	_ =	swait.ge [sflag:s10], $0x1F40;
	s19 =	sshrl.u32 s19, $0x3  }
0x1d9: {  	[sflag:s10] =	ssyncset.done $0x0;
	s19 =	sadd.s32 s5, s19  }
0x1da: {  	[sflag:s10] =	ssyncadd.s32 $0xFFFFE0C0;
	s19 =	sadd.s32 $0x3E8, s19  }
0x1db: {  	[tilespmem:s11], [sflag:$0x2] =	stream.linear.gather [hbm4b:s19+s1], $0x1F40, $0x38;
	[tilespmem:$0x10600] =	vst v63  }
0x1dc: {  	s19 =	simm.s32 $0xC780  }
0x1dd: {  	v5 =	vld [tilespmem:s19+$0xFFFFFF80]  }
0x1de: {  	v4 =	vld [tilespmem:s19+$0xFFFFFFE0]  }
0x1df: {  	v6 =	vld [tilespmem:s19+$0xFFFFFFA0]  }
0x1e0: {  	v7 =	vld [tilespmem:s19+$0xFFFFFFB0]  }
0x1e1: {  	v8 =	vld [tilespmem:s19+$0x70]  }
0x1e2: {  	v9 =	vld [tilespmem:s19+$0x60];
	v10 =	vand.u32 $0x1F, v5  }
0x1e3: {  	v48 =	vld [tilespmem:s19+$0x40];
	vm0 =	veq.s32 v10, v0  }
0x1e4: {  	v12 =	vld [tilespmem:s19+$0x30];
	v5 =	vshrl.u32 v5, $0x5  }
0x1e5: {  	v11 =	vld [tilespmem:s19+$0x50]  }
0x1e6: {  	v13 =	vld [tilespmem:s19+$0x20]  }
0x1e7: {  	v15 =	vld [tilespmem:s19+$0x10];
	v16 =	vand.u32 $0x1F, v9  }
0x1e8: {  	v49 =	vld [tilespmem:s19+$0x0];
	v17 =	vand.u32 $0x1F, v48;
	vm2 =	veq.s32 v16, v0  }
0x1e9: {  	v9 =	vshrl.u32 v9, $0x5;
	[tilespmem:v5+s12+$0x0] =	vst.idx.add.f32.msk vm0, v2;
	v5 =	vand.u32 $0x1F, v12;
	vm0 =	veq.s32 v17, v0  }
0x1ea: {  	v53 =	vld [tilespmem:s19+$0xFFFFFFC0];
	v14 =	vand.u32 $0x1F, v8;
	vm3 =	veq.s32 v5, v0;
	v5 =	vshrl.u32 v48, $0x5  }
0x1eb: {  	v50 =	vld [tilespmem:s19+$0xFFFFFFF0];
	v52 =	vshrl.u32 v12, $0x5;
	vm1 =	veq.s32 v14, v0  }
0x1ec: {  	v51 =	vld [tilespmem:s19+$0xFFFFFFD0];
	v8 =	vshrl.u32 v8, $0x5;
	v18 =	vand.u32 $0x1F, v13  }
0x1ed: {  	v57 =	vld [tilespmem:s19+$0xFFFFFF90];
	v19 =	vand.u32 $0x1F, v15;
	vm4 =	veq.s32 v18, v0  }
0x1ee: {  	v13 =	vshrl.u32 v13, $0x5;
	v55 =	vand.u32 $0x1F, v11;
	vm5 =	veq.s32 v19, v0;
	[tilespmem:v9+s12+$0x0] =	vst.idx.add.f32.msk vm2, v2  }
0x1ef: {  	v15 =	vshrl.u32 v15, $0x5;
	vm2 =	veq.s32 v55, v0;
	[tilespmem:v5+s12+$0x0] =	vst.idx.add.f32.msk vm0, v2;
	v5 =	vand.u32 $0x1F, v53  }
0x1f0: {  	v54 =	vand.u32 $0x1F, v49;
	v11 =	vshrl.u32 v11, $0x5;
	[tilespmem:v52+s12+$0x0] =	vst.idx.add.f32.msk vm3, v2;
	vm3 =	veq.s32 v5, v0  }
0x1f1: {  	v58 =	vand.u32 $0x1F, v4;
	[tilespmem:v8+s12+$0x0] =	vst.idx.add.f32.msk vm1, v2;
	vm1 =	veq.s32 v54, v0;
	v5 =	vshrl.u32 v53, $0x5  }
0x1f2: {  	v56 =	vshrl.u32 v49, $0x5;
	v61 =	vand.u32 $0x1F, v7;
	vm6 =	veq.s32 v58, v0  }
0x1f3: {  	v4 =	vshrl.u32 v4, $0x5;
	v62 =	vand.u32 $0x1F, v6;
	vm14 =	veq.s32 v61, v0;
	[tilespmem:v13+s12+$0x0] =	vst.idx.add.f32.msk vm4, v2  }
0x1f4: {  	v59 =	vand.u32 $0x1F, v51;
	v7 =	vshrl.u32 v7, $0x5;
	vm15 =	veq.s32 v62, v0;
	[tilespmem:v15+s12+$0x0] =	vst.idx.add.f32.msk vm5, v2  }
0x1f5: {  	v6 =	vshrl.u32 v6, $0x5;
	v63 =	vand.u32 $0x1F, v57;
	vm0 =	veq.s32 v59, v0;
	[tilespmem:v11+s12+$0x0] =	vst.idx.add.f32.msk vm2, v2  }
0x1f6: {  	v60 =	vshrl.u32 v51, $0x5;
	vm2 =	veq.s32 v63, v0;
	[tilespmem:v5+s12+$0x0] =	vst.idx.add.f32.msk vm3, v2;
	v5 =	vand.u32 $0x1F, v50  }
0x1f7: {  	[tilespmem:v56+s12+$0x0] =	vst.idx.add.f32.msk vm1, v2;
	vm1 =	veq.s32 v5, v0;
	v5 =	vshrl.u32 v57, $0x5  }
0x1f8: {  	[tilespmem:v4+s12+$0x0] =	vst.idx.add.f32.msk vm6, v2;
	v4 =	vshrl.u32 v50, $0x5  }
0x1f9: {  	[tilespmem:v7+s12+$0x0] =	vst.idx.add.f32.msk vm14, v2  }
0x1fa: {  	[tilespmem:v6+s12+$0x0] =	vst.idx.add.f32.msk vm15, v2  }
0x1fb: {  	s20 =	simm.s32 $0x0;
	[tilespmem:v60+s12+$0x0] =	vst.idx.add.f32.msk vm0, v2  }
.LBB2_18:
0x1fc: {  	s20 =	sadd.s32 $0x10, s20;
	[tilespmem:v5+s12+$0x0] =	vst.idx.add.f32.msk vm2, v2;
	s19 =	sadd.s32 $0x100, s19  }
0x1fd: {  	p1 =	slt.u32 s20, $0x1E0;
	[tilespmem:v4+s12+$0x0] =	vst.idx.add.f32.msk vm1, v2  }
0x1fe: {  	v5 =	vld [tilespmem:s19+$0xFFFFFFE0]  }
0x1ff: {  	v4 =	vld [tilespmem:s19+$0xFFFFFF80]  }
0x200: {  	v6 =	vld [tilespmem:s19+$0xFFFFFFA0]  }
0x201: {  	v7 =	vld [tilespmem:s19+$0xFFFFFFB0]  }
0x202: {  	v8 =	vld [tilespmem:s19+$0x70]  }
0x203: {  	v9 =	vld [tilespmem:s19+$0x60]  }
0x204: {  	v10 =	vand.u32 $0x1F, v4;
	v11 =	vld [tilespmem:s19+$0x50]  }
0x205: {  	vm1 =	veq.s32 v10, v0;
	v10 =	vld [tilespmem:s19+$0x40]  }
0x206: {  	v4 =	vshrl.u32 v4, $0x5;
	v12 =	vld [tilespmem:s19+$0x30]  }
0x207: {  	v13 =	vld [tilespmem:s19+$0x20];
	v14 =	vand.u32 $0x1F, v8  }
0x208: {  	v8 =	vshrl.u32 v8, $0x5;
	v15 =	vld [tilespmem:s19+$0x10];
	v16 =	vand.u32 $0x1F, v9;
	vm2 =	veq.s32 v14, v0  }
0x209: {  	v14 =	vld [tilespmem:s19+$0x0];
	v17 =	vshrl.u32 v11, $0x5;
	v11 =	vand.u32 $0x1F, v11;
	vm3 =	veq.s32 v16, v0  }
0x20a: {  	v9 =	vshrl.u32 v9, $0x5;
	v16 =	vld [tilespmem:s19+$0xFFFFFFF0];
	v18 =	vand.u32 $0x1F, v10;
	vm0 =	veq.s32 v11, v0  }
0x20b: {  	[tilespmem:v4+s12+$0x0] =	vst.idx.add.f32.msk vm1, v2;
	v11 =	vshrl.u32 v12, $0x5;
	v4 =	vand.u32 $0x1F, v12;
	vm1 =	veq.s32 v18, v0  }
0x20c: {  	v10 =	vshrl.u32 v10, $0x5;
	v12 =	vld [tilespmem:s19+$0xFFFFFFD0];
	v18 =	vand.u32 $0x1F, v13;
	vm4 =	veq.s32 v4, v0  }
0x20d: {  	v19 =	vld [tilespmem:s19+$0xFFFFFFC0];
	v20 =	vshrl.u32 v15, $0x5;
	v4 =	vand.u32 $0x1F, v15;
	vm5 =	veq.s32 v18, v0  }
0x20e: {  	v13 =	vshrl.u32 v13, $0x5;
	v15 =	vand.u32 $0x1F, v14;
	vm6 =	veq.s32 v4, v0;
	[tilespmem:v8+s12+$0x0] =	vst.idx.add.f32.msk vm2, v2  }
0x20f: {  	v8 =	vshrl.u32 v14, $0x5;
	v4 =	vshrl.u32 v16, $0x5;
	vm2 =	veq.s32 v15, v0;
	[tilespmem:v9+s12+$0x0] =	vst.idx.add.f32.msk vm3, v2  }
0x210: {  	v14 =	vshrl.u32 v5, $0x5;
	v5 =	vand.u32 $0x1F, v5;
	v15 =	vand.u32 $0x1F, v16;
	v9 =	vld [tilespmem:s19+$0xFFFFFF90]  }
0x211: {  	vm3 =	veq.s32 v5, v0;
	v16 =	vshrl.u32 v12, $0x5;
	v12 =	vand.u32 $0x1F, v12;
	[tilespmem:v10+s12+$0x0] =	vst.idx.add.f32.msk vm1, v2  }
0x212: {  	v10 =	vshrl.u32 v19, $0x5;
	v5 =	vand.u32 $0x1F, v19;
	vm7 =	veq.s32 v12, v0;
	[tilespmem:v11+s12+$0x0] =	vst.idx.add.f32.msk vm4, v2  }
0x213: {  	v11 =	vshrl.u32 v7, $0x5;
	v7 =	vand.u32 $0x1F, v7;
	vm4 =	veq.s32 v5, v0;
	[tilespmem:v13+s12+$0x0] =	vst.idx.add.f32.msk vm5, v2  }
0x214: {  	v5 =	vand.u32 $0x1F, v6;
	vm5 =	veq.s32 v7, v0;
	[tilespmem:v20+s12+$0x0] =	vst.idx.add.f32.msk vm6, v2  }
0x215: {  	vm6 =	veq.s32 v5, v0;
	v7 =	vand.u32 $0x1F, v9;
	[tilespmem:v8+s12+$0x0] =	vst.idx.add.f32.msk vm2, v2  }
0x216: {  	vm1 =	veq.s32 v15, v0;
	v6 =	vshrl.u32 v6, $0x5;
	vm2 =	veq.s32 v7, v0;
	[tilespmem:v17+s12+$0x0] =	vst.idx.add.f32.msk vm0, v2  }
.Ltmp10:
0x217: {  	v5 =	vshrl.u32 v9, $0x5;
	[tilespmem:v14+s12+$0x0] =	vst.idx.add.f32.msk vm3, v2;
	(pc) =	sbr.rel @p1 .LBB2_18-.Ltmp10, $4  }
0x218: {  	[tilespmem:v16+s12+$0x0] =	vst.idx.add.f32.msk vm7, v2  }
0x219: {  	[tilespmem:v10+s12+$0x0] =	vst.idx.add.f32.msk vm4, v2  }
0x21a: {  	[tilespmem:v11+s12+$0x0] =	vst.idx.add.f32.msk vm5, v2  }
0x21b: {  	[tilespmem:v6+s12+$0x0] =	vst.idx.add.f32.msk vm6, v2  }
0x21c: {  	_ =	sdelay $0x4  }
0x21d: {  	[tilespmem:v5+s12+$0x0] =	vst.idx.add.f32.msk vm2, v2  }
0x21e: {  	s19 =	simm.s32 $0x0;
	[tilespmem:v4+s12+$0x0] =	vst.idx.add.f32.msk vm1, v2  }
.LBB2_20:
0x21f: {  	s20 =	sshra.s32 s19, $0x2  }
0x220: {  	v4 =	vld [tilespmem:s20+$0xE600];
	_ =	sdelay $0x4  }
0x221: {  	v5 =	vand.u32 $0x1F, v4  }
0x222: {  	vm0 =	veq.s32 v5, v0  }
0x223: {  	p1 =	sne.s32 s19, $0xC0;
	v4 =	vshrl.u32 v4, $0x5  }
.Ltmp11:
0x224: {  	_ = 	snop;
	(pc) =	sbr.rel @p1 .LBB2_20-.Ltmp11, $2  }
0x225: {  	_ =	sdelay $0x2  }
0x226: {  	s19 =	sadd.s32 $0x40, s19;
	[tilespmem:v4+s12+$0x0] =	vst.idx.add.f32.msk vm0, v2  }
0x227: {  	s19 =	sshll.u32 s18, $0x1  }
0x228: {  	s19 =	smin.u32 s19, $0x25  }
0x229: {  	s19 =	smul.u32 $0x1F40, s19;
	_ =	sdelay $0x1  }
0x22a: {  	_ =	swait.ge [sflag:s13], $0x1F40;
	s19 =	sshrl.u32 s19, $0x3  }
0x22b: {  	[sflag:s13] =	ssyncset.done $0x0;
	s19 =	sadd.s32 s5, s19  }
0x22c: {  	[sflag:s13] =	ssyncadd.s32 $0xFFFFE0C0;
	s19 =	sadd.s32 $0x7D0, s19  }
0x22d: {  	[tilespmem:s9], [sflag:$0x1] =	stream.linear.gather [hbm4b:s19+s1], $0x1F40, $0x38;
	[tilespmem:$0x10600] =	vst v63  }
0x22e: {  	s19 =	simm.s32 $0xE700  }
0x22f: {  	v5 =	vld [tilespmem:s19+$0xFFFFFF80]  }
0x230: {  	v4 =	vld [tilespmem:s19+$0xFFFFFFE0]  }
0x231: {  	v6 =	vld [tilespmem:s19+$0xFFFFFFA0]  }
0x232: {  	v7 =	vld [tilespmem:s19+$0xFFFFFFB0]  }
0x233: {  	v8 =	vld [tilespmem:s19+$0x70]  }
0x234: {  	v9 =	vld [tilespmem:s19+$0x60];
	v10 =	vand.u32 $0x1F, v5  }
0x235: {  	v48 =	vld [tilespmem:s19+$0x40];
	vm0 =	veq.s32 v10, v0  }
0x236: {  	v12 =	vld [tilespmem:s19+$0x30];
	v5 =	vshrl.u32 v5, $0x5  }
0x237: {  	v11 =	vld [tilespmem:s19+$0x50]  }
0x238: {  	v13 =	vld [tilespmem:s19+$0x20]  }
0x239: {  	v15 =	vld [tilespmem:s19+$0x10];
	v16 =	vand.u32 $0x1F, v9  }
0x23a: {  	v49 =	vld [tilespmem:s19+$0x0];
	v17 =	vand.u32 $0x1F, v48;
	vm2 =	veq.s32 v16, v0  }
0x23b: {  	v9 =	vshrl.u32 v9, $0x5;
	[tilespmem:v5+s12+$0x0] =	vst.idx.add.f32.msk vm0, v2;
	v5 =	vand.u32 $0x1F, v12;
	vm0 =	veq.s32 v17, v0  }
0x23c: {  	v53 =	vld [tilespmem:s19+$0xFFFFFFC0];
	v14 =	vand.u32 $0x1F, v8;
	vm3 =	veq.s32 v5, v0;
	v5 =	vshrl.u32 v48, $0x5  }
0x23d: {  	v50 =	vld [tilespmem:s19+$0xFFFFFFF0];
	v52 =	vshrl.u32 v12, $0x5;
	vm1 =	veq.s32 v14, v0  }
0x23e: {  	v51 =	vld [tilespmem:s19+$0xFFFFFFD0];
	v8 =	vshrl.u32 v8, $0x5;
	v18 =	vand.u32 $0x1F, v13  }
0x23f: {  	v57 =	vld [tilespmem:s19+$0xFFFFFF90];
	v19 =	vand.u32 $0x1F, v15;
	vm4 =	veq.s32 v18, v0  }
0x240: {  	v13 =	vshrl.u32 v13, $0x5;
	v55 =	vand.u32 $0x1F, v11;
	vm5 =	veq.s32 v19, v0;
	[tilespmem:v9+s12+$0x0] =	vst.idx.add.f32.msk vm2, v2  }
0x241: {  	v15 =	vshrl.u32 v15, $0x5;
	vm2 =	veq.s32 v55, v0;
	[tilespmem:v5+s12+$0x0] =	vst.idx.add.f32.msk vm0, v2;
	v5 =	vand.u32 $0x1F, v53  }
0x242: {  	v54 =	vand.u32 $0x1F, v49;
	v11 =	vshrl.u32 v11, $0x5;
	[tilespmem:v52+s12+$0x0] =	vst.idx.add.f32.msk vm3, v2;
	vm3 =	veq.s32 v5, v0  }
0x243: {  	v58 =	vand.u32 $0x1F, v4;
	[tilespmem:v8+s12+$0x0] =	vst.idx.add.f32.msk vm1, v2;
	vm1 =	veq.s32 v54, v0;
	v5 =	vshrl.u32 v53, $0x5  }
0x244: {  	v56 =	vshrl.u32 v49, $0x5;
	v61 =	vand.u32 $0x1F, v7;
	vm6 =	veq.s32 v58, v0  }
0x245: {  	v4 =	vshrl.u32 v4, $0x5;
	v62 =	vand.u32 $0x1F, v6;
	vm14 =	veq.s32 v61, v0;
	[tilespmem:v13+s12+$0x0] =	vst.idx.add.f32.msk vm4, v2  }
0x246: {  	v59 =	vand.u32 $0x1F, v51;
	v7 =	vshrl.u32 v7, $0x5;
	vm15 =	veq.s32 v62, v0;
	[tilespmem:v15+s12+$0x0] =	vst.idx.add.f32.msk vm5, v2  }
0x247: {  	v6 =	vshrl.u32 v6, $0x5;
	v63 =	vand.u32 $0x1F, v57;
	vm0 =	veq.s32 v59, v0;
	[tilespmem:v11+s12+$0x0] =	vst.idx.add.f32.msk vm2, v2  }
0x248: {  	v60 =	vshrl.u32 v51, $0x5;
	vm2 =	veq.s32 v63, v0;
	[tilespmem:v5+s12+$0x0] =	vst.idx.add.f32.msk vm3, v2;
	v5 =	vand.u32 $0x1F, v50  }
0x249: {  	[tilespmem:v56+s12+$0x0] =	vst.idx.add.f32.msk vm1, v2;
	vm1 =	veq.s32 v5, v0;
	v5 =	vshrl.u32 v57, $0x5  }
0x24a: {  	[tilespmem:v4+s12+$0x0] =	vst.idx.add.f32.msk vm6, v2;
	v4 =	vshrl.u32 v50, $0x5  }
0x24b: {  	[tilespmem:v7+s12+$0x0] =	vst.idx.add.f32.msk vm14, v2  }
0x24c: {  	[tilespmem:v6+s12+$0x0] =	vst.idx.add.f32.msk vm15, v2  }
0x24d: {  	s20 =	simm.s32 $0x0;
	[tilespmem:v60+s12+$0x0] =	vst.idx.add.f32.msk vm0, v2  }
.LBB2_22:
0x24e: {  	s20 =	sadd.s32 $0x10, s20;
	[tilespmem:v5+s12+$0x0] =	vst.idx.add.f32.msk vm2, v2;
	s19 =	sadd.s32 $0x100, s19  }
0x24f: {  	p1 =	slt.u32 s20, $0x1E0;
	[tilespmem:v4+s12+$0x0] =	vst.idx.add.f32.msk vm1, v2  }
0x250: {  	v5 =	vld [tilespmem:s19+$0xFFFFFFE0]  }
0x251: {  	v4 =	vld [tilespmem:s19+$0xFFFFFF80]  }
0x252: {  	v6 =	vld [tilespmem:s19+$0xFFFFFFA0]  }
0x253: {  	v7 =	vld [tilespmem:s19+$0xFFFFFFB0]  }
0x254: {  	v8 =	vld [tilespmem:s19+$0x70]  }
0x255: {  	v9 =	vld [tilespmem:s19+$0x60]  }
0x256: {  	v10 =	vand.u32 $0x1F, v4;
	v11 =	vld [tilespmem:s19+$0x50]  }
0x257: {  	vm1 =	veq.s32 v10, v0;
	v10 =	vld [tilespmem:s19+$0x40]  }
0x258: {  	v4 =	vshrl.u32 v4, $0x5;
	v12 =	vld [tilespmem:s19+$0x30]  }
0x259: {  	v13 =	vld [tilespmem:s19+$0x20];
	v14 =	vand.u32 $0x1F, v8  }
0x25a: {  	v8 =	vshrl.u32 v8, $0x5;
	v15 =	vld [tilespmem:s19+$0x10];
	v16 =	vand.u32 $0x1F, v9;
	vm2 =	veq.s32 v14, v0  }
0x25b: {  	v14 =	vld [tilespmem:s19+$0x0];
	v17 =	vshrl.u32 v11, $0x5;
	v11 =	vand.u32 $0x1F, v11;
	vm3 =	veq.s32 v16, v0  }
0x25c: {  	v9 =	vshrl.u32 v9, $0x5;
	v16 =	vld [tilespmem:s19+$0xFFFFFFF0];
	v18 =	vand.u32 $0x1F, v10;
	vm0 =	veq.s32 v11, v0  }
0x25d: {  	[tilespmem:v4+s12+$0x0] =	vst.idx.add.f32.msk vm1, v2;
	v11 =	vshrl.u32 v12, $0x5;
	v4 =	vand.u32 $0x1F, v12;
	vm1 =	veq.s32 v18, v0  }
0x25e: {  	v10 =	vshrl.u32 v10, $0x5;
	v12 =	vld [tilespmem:s19+$0xFFFFFFD0];
	v18 =	vand.u32 $0x1F, v13;
	vm4 =	veq.s32 v4, v0  }
0x25f: {  	v19 =	vld [tilespmem:s19+$0xFFFFFFC0];
	v20 =	vshrl.u32 v15, $0x5;
	v4 =	vand.u32 $0x1F, v15;
	vm5 =	veq.s32 v18, v0  }
0x260: {  	v13 =	vshrl.u32 v13, $0x5;
	v15 =	vand.u32 $0x1F, v14;
	vm6 =	veq.s32 v4, v0;
	[tilespmem:v8+s12+$0x0] =	vst.idx.add.f32.msk vm2, v2  }
0x261: {  	v8 =	vshrl.u32 v14, $0x5;
	v4 =	vshrl.u32 v16, $0x5;
	vm2 =	veq.s32 v15, v0;
	[tilespmem:v9+s12+$0x0] =	vst.idx.add.f32.msk vm3, v2  }
0x262: {  	v14 =	vshrl.u32 v5, $0x5;
	v5 =	vand.u32 $0x1F, v5;
	v15 =	vand.u32 $0x1F, v16;
	v9 =	vld [tilespmem:s19+$0xFFFFFF90]  }
0x263: {  	vm3 =	veq.s32 v5, v0;
	v16 =	vshrl.u32 v12, $0x5;
	v12 =	vand.u32 $0x1F, v12;
	[tilespmem:v10+s12+$0x0] =	vst.idx.add.f32.msk vm1, v2  }
0x264: {  	v10 =	vshrl.u32 v19, $0x5;
	v5 =	vand.u32 $0x1F, v19;
	vm7 =	veq.s32 v12, v0;
	[tilespmem:v11+s12+$0x0] =	vst.idx.add.f32.msk vm4, v2  }
0x265: {  	v11 =	vshrl.u32 v7, $0x5;
	v7 =	vand.u32 $0x1F, v7;
	vm4 =	veq.s32 v5, v0;
	[tilespmem:v13+s12+$0x0] =	vst.idx.add.f32.msk vm5, v2  }
0x266: {  	v5 =	vand.u32 $0x1F, v6;
	vm5 =	veq.s32 v7, v0;
	[tilespmem:v20+s12+$0x0] =	vst.idx.add.f32.msk vm6, v2  }
0x267: {  	vm6 =	veq.s32 v5, v0;
	v7 =	vand.u32 $0x1F, v9;
	[tilespmem:v8+s12+$0x0] =	vst.idx.add.f32.msk vm2, v2  }
0x268: {  	vm1 =	veq.s32 v15, v0;
	v6 =	vshrl.u32 v6, $0x5;
	vm2 =	veq.s32 v7, v0;
	[tilespmem:v17+s12+$0x0] =	vst.idx.add.f32.msk vm0, v2  }
.Ltmp12:
0x269: {  	v5 =	vshrl.u32 v9, $0x5;
	[tilespmem:v14+s12+$0x0] =	vst.idx.add.f32.msk vm3, v2;
	(pc) =	sbr.rel @p1 .LBB2_22-.Ltmp12, $4  }
0x26a: {  	[tilespmem:v16+s12+$0x0] =	vst.idx.add.f32.msk vm7, v2  }
0x26b: {  	[tilespmem:v10+s12+$0x0] =	vst.idx.add.f32.msk vm4, v2  }
0x26c: {  	[tilespmem:v11+s12+$0x0] =	vst.idx.add.f32.msk vm5, v2  }
0x26d: {  	[tilespmem:v6+s12+$0x0] =	vst.idx.add.f32.msk vm6, v2  }
0x26e: {  	_ =	sdelay $0x4  }
0x26f: {  	[tilespmem:v5+s12+$0x0] =	vst.idx.add.f32.msk vm2, v2  }
0x270: {  	s19 =	simm.s32 $0x0;
	[tilespmem:v4+s12+$0x0] =	vst.idx.add.f32.msk vm1, v2  }
.LBB2_24:
0x271: {  	s20 =	sshra.s32 s19, $0x2  }
0x272: {  	v4 =	vld [tilespmem:s20+$0x10580];
	_ =	sdelay $0x4  }
0x273: {  	v5 =	vand.u32 $0x1F, v4  }
0x274: {  	vm0 =	veq.s32 v5, v0  }
0x275: {  	p1 =	sne.s32 s19, $0xC0;
	v4 =	vshrl.u32 v4, $0x5  }
.Ltmp13:
0x276: {  	_ = 	snop;
	(pc) =	sbr.rel @p1 .LBB2_24-.Ltmp13, $2  }
0x277: {  	_ =	sdelay $0x2  }
0x278: {  	s19 =	sadd.s32 $0x40, s19;
	[tilespmem:v4+s12+$0x0] =	vst.idx.add.f32.msk vm0, v2  }
0x279: {  	s18 =	sadd.s32 $0x1, s18  }
0x27a: {  	p1 =	sne.s32 s18, $0x14  }
.Ltmp14:
0x27b: {  	_ = 	snop;
	(pc) =	sbr.rel @p1 .LBB2_17-.Ltmp14, $1  }
0x27c: {  	_ =	sdelay $0x3  }
0x27d: {  	_ =	swait.ge [sflag:s10], $0x1F40  }
0x27e: {  	[sflag:s10] =	ssyncset.done $0x0  }
0x27f: {  	s18 =	simm.s32 $0x5020;
	[sflag:s10] =	ssyncadd.s32 $0xFFFFE0C0  }
0x280: {  	v5 =	vld [tilespmem:s18+$0xFFFFFFE0]  }
0x281: {  	v4 =	vld [tilespmem:s18+$0x10]  }
0x282: {  	s20 =	simm.s32 $0x20;
	v7 =	vld [tilespmem:s18+$0x20]  }
0x283: {  	s19 =	simm.s32 $0x2820;
	v8 =	vld [tilespmem:s20+$0x20]  }
0x284: {  	v9 =	vld [tilespmem:s19+$0x20]  }
0x285: {  	v10 =	vld [tilespmem:s20+$0x10]  }
0x286: {  	v11 =	vld [tilespmem:s19+$0x10]  }
0x287: {  	v13 =	vld [tilespmem:s19+$0x0]  }
0x288: {  	v12 =	vld [tilespmem:s20+$0x0]  }
0x289: {  	v14 =	vld [tilespmem:s20+$0xFFFFFFF0]  }
0x28a: {  	v62 =	vld [tilespmem:s19+$0xFFFFFFF0];
	v9 =	vadd.s32 v3, v9  }
0x28b: {  	v63 =	vld [tilespmem:s19+$0xFFFFFFE0];
	v11 =	vadd.s32 v3, v11  }
0x28c: {  	v16 =	vld [tilespmem:s18+$0x0];
	vm0 =	veq.s32 v8, v0;
	v13 =	vadd.s32 v3, v13  }
0x28d: {  	v15 =	vld [tilespmem:s20+$0xFFFFFFE0];
	vm1 =	veq.s32 v10, v0  }
0x28e: {  	v6 =	vld [tilespmem:s18+$0xFFFFFFF0];
	vm2 =	veq.s32 v12, v0  }
0x28f: {  	[tilespmem:v9+s14+$0x0] =	vst.idx.add.f32.msk $0xffff, v7  }
0x290: {  	v7 =	vadd.s32 v3, v62;
	[tilespmem:v11+s14+$0x0] =	vst.idx.add.f32.msk $0xffff, v4  }
0x291: {  	vm3 =	veq.s32 v14, v0;
	v4 =	vadd.s32 v3, v63;
	[tilespmem:v13+s14+$0x0] =	vst.idx.add.f32.msk $0xffff, v16  }
0x292: {  	[tilespmem:v9+s15+$0x0] =	vst.idx.add.f32.msk vm0, v2;
	vm0 =	veq.s32 v15, v0  }
0x293: {  	[tilespmem:v11+s15+$0x0] =	vst.idx.add.f32.msk vm1, v2  }
0x294: {  	[tilespmem:v13+s15+$0x0] =	vst.idx.add.f32.msk vm2, v2  }
0x295: {  	[tilespmem:v7+s14+$0x0] =	vst.idx.add.f32.msk $0xffff, v6  }
0x296: {  	[tilespmem:v4+s14+$0x0] =	vst.idx.add.f32.msk $0xffff, v5  }
0x297: {  	s21 =	simm.s32 $0x70;
	s20 =	simm.s32 $0x0;
	[tilespmem:v7+s15+$0x0] =	vst.idx.add.f32.msk vm3, v2  }
.LBB2_27:
0x298: {  	s20 =	sadd.s32 $0x5, s20;
	[tilespmem:v4+s15+$0x0] =	vst.idx.add.f32.msk vm0, v2;
	s18 =	sadd.s32 $0x50, s18;
	s19 =	sadd.s32 $0x50, s19  }
0x299: {  	v5 =	vld [tilespmem:s18+$0xFFFFFFE0];
	p1 =	slt.u32 s20, $0x26C  }
0x29a: {  	v6 =	vld [tilespmem:s18+$0xFFFFFFF0]  }
0x29b: {  	v4 =	vld [tilespmem:s18+$0x10]  }
0x29c: {  	v7 =	vld [tilespmem:s18+$0x20]  }
0x29d: {  	v8 =	vld [tilespmem:s21+$0x20]  }
0x29e: {  	v9 =	vld [tilespmem:s19+$0x20]  }
0x29f: {  	v10 =	vld [tilespmem:s21+$0x10]  }
0x2a0: {  	v11 =	vld [tilespmem:s19+$0x10]  }
0x2a1: {  	v12 =	vld [tilespmem:s21+$0x0]  }
0x2a2: {  	v13 =	vld [tilespmem:s19+$0x0]  }
0x2a3: {  	vm0 =	veq.s32 v8, v0;
	v14 =	vld [tilespmem:s21+$0xFFFFFFF0];
	v9 =	vadd.s32 v3, v9  }
0x2a4: {  	v8 =	vld [tilespmem:s19+$0xFFFFFFF0]  }
0x2a5: {  	vm1 =	veq.s32 v10, v0;
	v15 =	vld [tilespmem:s21+$0xFFFFFFE0];
	v11 =	vadd.s32 v3, v11  }
0x2a6: {  	v10 =	vld [tilespmem:s19+$0xFFFFFFE0]  }
0x2a7: {  	vm2 =	veq.s32 v12, v0;
	v16 =	vld [tilespmem:s18+$0x0];
	v13 =	vadd.s32 v3, v13  }
0x2a8: {  	vm3 =	veq.s32 v14, v0;
	[tilespmem:v9+s14+$0x0] =	vst.idx.add.f32.msk $0xffff, v7  }
0x2a9: {  	v7 =	vadd.s32 v3, v8;
	[tilespmem:v9+s15+$0x0] =	vst.idx.add.f32.msk vm0, v2  }
0x2aa: {  	[tilespmem:v11+s14+$0x0] =	vst.idx.add.f32.msk $0xffff, v4  }
0x2ab: {  	vm0 =	veq.s32 v15, v0;
	v4 =	vadd.s32 v3, v10;
	[tilespmem:v11+s15+$0x0] =	vst.idx.add.f32.msk vm1, v2  }
.Ltmp15:
0x2ac: {  	[tilespmem:v13+s14+$0x0] =	vst.idx.add.f32.msk $0xffff, v16;
	(pc) =	sbr.rel @p1 .LBB2_27-.Ltmp15, $4  }
0x2ad: {  	[tilespmem:v13+s15+$0x0] =	vst.idx.add.f32.msk vm2, v2  }
0x2ae: {  	[tilespmem:v7+s14+$0x0] =	vst.idx.add.f32.msk $0xffff, v6  }
0x2af: {  	[tilespmem:v7+s15+$0x0] =	vst.idx.add.f32.msk vm3, v2  }
0x2b0: {  	s21 =	sadd.s32 $0x50, s21;
	[tilespmem:v4+s14+$0x0] =	vst.idx.add.f32.msk $0xffff, v5  }
0x2b1: {  	_ =	sdelay $0x4  }
0x2b2: {  	[tilespmem:v4+s15+$0x0] =	vst.idx.add.f32.msk vm0, v2;
	s18 =	simm.s32 $0x0  }
0x2b3: {  	[tilespmem:s9], [sflag:$0x1] =	stream.linear.gather [hbm4b:s6+s18], $0x1F40, $0x38;
	[tilespmem:$0x10600] =	vst v63  }
.LBB2_29:
0x2b4: {  	s19 =	smul.u32 $0x3E80, s18;
	_ =	sdelay $0x1  }
0x2b5: {  	_ =	swait.ge [sflag:s10], $0x1F40;
	s19 =	sshrl.u32 s19, $0x3  }
0x2b6: {  	[sflag:s10] =	ssyncset.done $0x0;
	s19 =	sadd.s32 s6, s19  }
0x2b7: {  	[sflag:s10] =	ssyncadd.s32 $0xFFFFE0C0;
	s19 =	sadd.s32 $0x3E8, s19  }
0x2b8: {  	[tilespmem:s11], [sflag:$0x2] =	stream.linear.gather [hbm4b:s19+s1], $0x1F40, $0x38;
	[tilespmem:$0x10600] =	vst v63  }
0x2b9: {  	s19 =	simm.s32 $0xC780  }
0x2ba: {  	v13 =	vld [tilespmem:s19+$0xFFFFFF90]  }
0x2bb: {  	v8 =	vld [tilespmem:s19+$0x0]  }
0x2bc: {  	v4 =	vld [tilespmem:s19+$0x10]  }
0x2bd: {  	v5 =	vld [tilespmem:s19+$0xFFFFFF80]  }
0x2be: {  	v6 =	vld [tilespmem:s19+$0x70]  }
0x2bf: {  	v16 =	vld [tilespmem:s19+$0xFFFFFFA0]  }
0x2c0: {  	v11 =	vld [tilespmem:s19+$0xFFFFFFB0]  }
0x2c1: {  	v9 =	vld [tilespmem:s19+$0xFFFFFFC0]  }
0x2c2: {  	v10 =	vld [tilespmem:s19+$0x60]  }
0x2c3: {  	v12 =	vld [tilespmem:s19+$0x50]  }
0x2c4: {  	v15 =	vld [tilespmem:s19+$0x40];
	v7 =	vshrl.u32 v5, $0x7  }
0x2c5: {  	v17 =	vld [tilespmem:s19+$0x30]  }
0x2c6: {  	v18 =	vld [tilespmem:s19+$0x20];
	v14 =	vshrl.u32 v6, $0x7  }
0x2c7: {  	v21 =	vld [tilespmem:s19+$0xFFFFFFF0];
	v19 =	vshrl.u32 v10, $0x7  }
0x2c8: {  	v22 =	vld [tilespmem:s19+$0xFFFFFFE0];
	v5 =	vand.u32 $0x7F, v5;
	v25 =	vshrl.u32 v4, $0x7  }
0x2c9: {  	v5 =	vadd.s32 v3, v5;
	v7 =	vld.idx.msk [tilespmem:v7+s12+$0x0], $0xffff  }
0x2ca: {  	v23 =	vld [tilespmem:s19+$0xFFFFFFD0];
	v6 =	vand.u32 $0x7F, v6;
	v20 =	vshrl.u32 v12, $0x7  }
0x2cb: {  	v6 =	vadd.s32 v3, v6;
	v14 =	vld.idx.msk [tilespmem:v14+s12+$0x0], $0xffff  }
0x2cc: {  	v24 =	vshrl.u32 v18, $0x7;
	v10 =	vand.u32 $0x7F, v10;
	v19 =	vld.idx.msk [tilespmem:v19+s12+$0x0], $0xffff  }
0x2cd: {  	v10 =	vadd.s32 v3, v10;
	v25 =	vld.idx.msk [tilespmem:v25+s12+$0x0], $0xffff  }
0x2ce: {  	v61 =	vshrl.u32 v15, $0x7;
	[tilespmem:v5+s16+$0x0] =	vst.idx.add.f32.msk $0xffff, v7  }
0x2cf: {  	v5 =	vshrl.u32 v8, $0x7;
	v7 =	vand.u32 $0x7F, v12;
	v12 =	vld.idx.msk [tilespmem:v20+s12+$0x0], $0xffff  }
0x2d0: {  	v4 =	vand.u32 $0x7F, v4;
	[tilespmem:v6+s16+$0x0] =	vst.idx.add.f32.msk $0xffff, v14;
	v6 =	vshrl.u32 v17, $0x7  }
0x2d1: {  	v28 =	vadd.s32 v3, v4;
	v14 =	vld.idx.msk [tilespmem:v24+s12+$0x0], $0xffff  }
0x2d2: {  	[tilespmem:v10+s16+$0x0] =	vst.idx.add.f32.msk $0xffff, v19;
	v20 =	vadd.s32 v3, v7  }
0x2d3: {  	v26 =	vshrl.u32 v21, $0x7;
	v24 =	vld.idx.msk [tilespmem:v61+s12+$0x0], $0xffff  }
0x2d4: {  	v4 =	vand.u32 $0x7F, v17;
	v7 =	vld.idx.msk [tilespmem:v5+s12+$0x0], $0xffff;
	v5 =	vand.u32 $0x7F, v18;
	v18 =	vshrl.u32 v23, $0x7  }
0x2d5: {  	v63 =	vadd.s32 v3, v4;
	v27 =	vld.idx.msk [tilespmem:v6+s12+$0x0], $0xffff  }
0x2d6: {  	[tilespmem:v28+s16+$0x0] =	vst.idx.add.f32.msk $0xffff, v25;
	v19 =	vadd.s32 v3, v5  }
0x2d7: {  	[tilespmem:v20+s16+$0x0] =	vst.idx.add.f32.msk $0xffff, v12;
	v20 =	vshrl.u32 v9, $0x7;
	v5 =	vand.u32 $0x7F, v15  }
0x2d8: {  	v62 =	vshrl.u32 v22, $0x7;
	v4 =	vand.u32 $0x7F, v22;
	v12 =	vld.idx.msk [tilespmem:v26+s12+$0x0], $0xffff;
	v17 =	vadd.s32 v3, v5  }
0x2d9: {  	v4 =	vadd.s32 v3, v4;
	v6 =	vand.u32 $0x7F, v23;
	v10 =	vld.idx.msk [tilespmem:v18+s12+$0x0], $0xffff;
	v18 =	vand.u32 $0x7F, v8  }
0x2da: {  	v6 =	vadd.s32 v3, v6;
	v5 =	vand.u32 $0x7F, v21;
	[tilespmem:v63+s16+$0x0] =	vst.idx.add.f32.msk $0xffff, v27;
	v18 =	vadd.s32 v3, v18  }
0x2db: {  	v5 =	vadd.s32 v3, v5;
	[tilespmem:v19+s16+$0x0] =	vst.idx.add.f32.msk $0xffff, v14;
	v19 =	vand.u32 $0x7F, v9;
	v9 =	vshrl.u32 v11, $0x7  }
0x2dc: {  	v15 =	vld.idx.msk [tilespmem:v20+s12+$0x0], $0xffff;
	v14 =	vand.u32 $0x7F, v11;
	v11 =	vshrl.u32 v16, $0x7;
	v16 =	vand.u32 $0x7F, v16  }
0x2dd: {  	v8 =	vadd.s32 v3, v14;
	[tilespmem:v17+s16+$0x0] =	vst.idx.add.f32.msk $0xffff, v24;
	v14 =	vshrl.u32 v13, $0x7;
	v17 =	vand.u32 $0x7F, v13  }
0x2de: {  	s20 =	simm.s32 $0x0;
	v13 =	vadd.s32 v3, v19;
	v16 =	vadd.s32 v3, v16;
	v19 =	vld.idx.msk [tilespmem:v62+s12+$0x0], $0xffff;
	v17 =	vadd.s32 v3, v17  }
.LBB2_30:
0x2df: {  	s20 =	sadd.s32 $0x10, s20;
	[tilespmem:v18+s16+$0x0] =	vst.idx.add.f32.msk $0xffff, v7;
	s19 =	sadd.s32 $0x100, s19  }
0x2e0: {  	p1 =	slt.u32 s20, $0x1E0;
	[tilespmem:v5+s16+$0x0] =	vst.idx.add.f32.msk $0xffff, v12  }
0x2e1: {  	v5 =	vld.idx.msk [tilespmem:v9+s12+$0x0], $0xffff  }
0x2e2: {  	v7 =	vld.idx.msk [tilespmem:v11+s12+$0x0], $0xffff  }
0x2e3: {  	v9 =	vld.idx.msk [tilespmem:v14+s12+$0x0], $0xffff  }
0x2e4: {  	[tilespmem:v4+s16+$0x0] =	vst.idx.add.f32.msk $0xffff, v19  }
0x2e5: {  	[tilespmem:v6+s16+$0x0] =	vst.idx.add.f32.msk $0xffff, v10  }
0x2e6: {  	[tilespmem:v13+s16+$0x0] =	vst.idx.add.f32.msk $0xffff, v15  }
0x2e7: {  	[tilespmem:v8+s16+$0x0] =	vst.idx.add.f32.msk $0xffff, v5  }
0x2e8: {  	[tilespmem:v16+s16+$0x0] =	vst.idx.add.f32.msk $0xffff, v7  }
0x2e9: {  	[tilespmem:v17+s16+$0x0] =	vst.idx.add.f32.msk $0xffff, v9  }
0x2ea: {  	v15 =	vld [tilespmem:s19+$0xFFFFFF90]  }
0x2eb: {  	v7 =	vld [tilespmem:s19+$0x0]  }
0x2ec: {  	v4 =	vld [tilespmem:s19+$0x10]  }
0x2ed: {  	v5 =	vld [tilespmem:s19+$0xFFFFFF80]  }
0x2ee: {  	v6 =	vld [tilespmem:s19+$0x70]  }
0x2ef: {  	v10 =	vld [tilespmem:s19+$0xFFFFFFA0]  }
0x2f0: {  	v8 =	vld [tilespmem:s19+$0xFFFFFFB0]  }
0x2f1: {  	v9 =	vld [tilespmem:s19+$0xFFFFFFC0]  }
0x2f2: {  	v11 =	vshrl.u32 v5, $0x7;
	v5 =	vand.u32 $0x7F, v5;
	v12 =	vld [tilespmem:s19+$0x60]  }
0x2f3: {  	v13 =	vld [tilespmem:s19+$0x50];
	v14 =	vshrl.u32 v6, $0x7;
	v6 =	vand.u32 $0x7F, v6  }
0x2f4: {  	v16 =	vld [tilespmem:s19+$0x40]  }
0x2f5: {  	v17 =	vld [tilespmem:s19+$0x30]  }
0x2f6: {  	v18 =	vld [tilespmem:s19+$0x20]  }
0x2f7: {  	v11 =	vld.idx.msk [tilespmem:v11+s12+$0x0], $0xffff;
	v19 =	vshrl.u32 v12, $0x7;
	v12 =	vand.u32 $0x7F, v12  }
0x2f8: {  	v5 =	vadd.s32 v3, v5;
	v20 =	vshrl.u32 v13, $0x7;
	v13 =	vand.u32 $0x7F, v13;
	v14 =	vld.idx.msk [tilespmem:v14+s12+$0x0], $0xffff  }
0x2f9: {  	v6 =	vadd.s32 v3, v6;
	v21 =	vld [tilespmem:s19+$0xFFFFFFF0];
	v22 =	vshrl.u32 v16, $0x7;
	v16 =	vand.u32 $0x7F, v16  }
0x2fa: {  	v12 =	vadd.s32 v3, v12;
	v23 =	vld [tilespmem:s19+$0xFFFFFFE0];
	v24 =	vand.u32 $0x7F, v17  }
0x2fb: {  	v27 =	vadd.s32 v3, v13;
	v25 =	vld [tilespmem:s19+$0xFFFFFFD0];
	v26 =	vshrl.u32 v18, $0x7;
	v18 =	vand.u32 $0x7F, v18  }
0x2fc: {  	v13 =	vshrl.u32 v4, $0x7;
	v4 =	vand.u32 $0x7F, v4;
	v28 =	vadd.s32 v3, v18;
	v19 =	vld.idx.msk [tilespmem:v19+s12+$0x0], $0xffff  }
0x2fd: {  	v29 =	vadd.s32 v3, v4;
	v30 =	vadd.s32 v3, v16;
	[tilespmem:v5+s16+$0x0] =	vst.idx.add.f32.msk $0xffff, v11;
	v11 =	vshrl.u32 v7, $0x7  }
0x2fe: {  	v17 =	vshrl.u32 v17, $0x7;
	v16 =	vshrl.u32 v21, $0x7;
	v4 =	vand.u32 $0x7F, v21;
	v20 =	vld.idx.msk [tilespmem:v20+s12+$0x0], $0xffff  }
0x2ff: {  	v21 =	vshrl.u32 v23, $0x7;
	v18 =	vand.u32 $0x7F, v23;
	v5 =	vadd.s32 v3, v4;
	[tilespmem:v6+s16+$0x0] =	vst.idx.add.f32.msk $0xffff, v14  }
0x300: {  	v23 =	vshrl.u32 v25, $0x7;
	v6 =	vand.u32 $0x7F, v25;
	v4 =	vadd.s32 v3, v18;
	v25 =	vld.idx.msk [tilespmem:v26+s12+$0x0], $0xffff  }
0x301: {  	v31 =	vand.u32 $0x7F, v9;
	v26 =	vshrl.u32 v9, $0x7;
	v6 =	vadd.s32 v3, v6;
	v32 =	vld.idx.msk [tilespmem:v13+s12+$0x0], $0xffff  }
0x302: {  	v9 =	vshrl.u32 v8, $0x7;
	v8 =	vand.u32 $0x7F, v8;
	v13 =	vand.u32 $0x7F, v7;
	v7 =	vld.idx.msk [tilespmem:v11+s12+$0x0], $0xffff  }
0x303: {  	v8 =	vadd.s32 v3, v8;
	v11 =	vshrl.u32 v10, $0x7;
	v18 =	vadd.s32 v3, v13;
	[tilespmem:v12+s16+$0x0] =	vst.idx.add.f32.msk $0xffff, v19  }
0x304: {  	v14 =	vshrl.u32 v15, $0x7;
	v13 =	vadd.s32 v3, v31;
	v19 =	vand.u32 $0x7F, v10;
	[tilespmem:v27+s16+$0x0] =	vst.idx.add.f32.msk $0xffff, v20  }
0x305: {  	v20 =	vld.idx.msk [tilespmem:v17+s12+$0x0], $0xffff  }
0x306: {  	v22 =	vld.idx.msk [tilespmem:v22+s12+$0x0], $0xffff  }
0x307: {  	v24 =	vadd.s32 v3, v24;
	v12 =	vld.idx.msk [tilespmem:v16+s12+$0x0], $0xffff  }
0x308: {  	v10 =	vld.idx.msk [tilespmem:v23+s12+$0x0], $0xffff  }
0x309: {  	v15 =	vand.u32 $0x7F, v15;
	v16 =	vadd.s32 v3, v19;
	[tilespmem:v28+s16+$0x0] =	vst.idx.add.f32.msk $0xffff, v25  }
.Ltmp16:
0x30a: {  	v17 =	vadd.s32 v3, v15;
	v15 =	vld.idx.msk [tilespmem:v26+s12+$0x0], $0xffff;
	(pc) =	sbr.rel @p1 .LBB2_30-.Ltmp16, $4  }
0x30b: {  	[tilespmem:v29+s16+$0x0] =	vst.idx.add.f32.msk $0xffff, v32  }
0x30c: {  	[tilespmem:v30+s16+$0x0] =	vst.idx.add.f32.msk $0xffff, v22  }
0x30d: {  	[tilespmem:v24+s16+$0x0] =	vst.idx.add.f32.msk $0xffff, v20  }
0x30e: {  	v19 =	vld.idx.msk [tilespmem:v21+s12+$0x0], $0xffff  }
0x30f: {  	_ =	sdelay $0x3  }
0x310: {  	[tilespmem:v18+s16+$0x0] =	vst.idx.add.f32.msk $0xffff, v7  }
0x311: {  	[tilespmem:v5+s16+$0x0] =	vst.idx.add.f32.msk $0xffff, v12  }
0x312: {  	v5 =	vld.idx.msk [tilespmem:v9+s12+$0x0], $0xffff  }
0x313: {  	v62 =	vld.idx.msk [tilespmem:v11+s12+$0x0], $0xffff  }
0x314: {  	v63 =	vld.idx.msk [tilespmem:v14+s12+$0x0], $0xffff  }
0x315: {  	[tilespmem:v6+s16+$0x0] =	vst.idx.add.f32.msk $0xffff, v10  }
0x316: {  	[tilespmem:v13+s16+$0x0] =	vst.idx.add.f32.msk $0xffff, v15  }
0x317: {  	[tilespmem:v4+s16+$0x0] =	vst.idx.add.f32.msk $0xffff, v19  }
0x318: {  	[tilespmem:v8+s16+$0x0] =	vst.idx.add.f32.msk $0xffff, v5  }
0x319: {  	[tilespmem:v16+s16+$0x0] =	vst.idx.add.f32.msk $0xffff, v62  }
0x31a: {  	s19 =	simm.s32 $0x0;
	[tilespmem:v17+s16+$0x0] =	vst.idx.add.f32.msk $0xffff, v63  }
.LBB2_32:
0x31b: {  	s20 =	sshra.s32 s19, $0x2  }
0x31c: {  	v4 =	vld [tilespmem:s20+$0xE600];
	_ =	sdelay $0x4  }
0x31d: {  	v5 =	vshrl.u32 v4, $0x7;
	_ =	sdelay $0x3  }
0x31e: {  	v4 =	vand.u32 $0x7F, v4  }
0x31f: {  	p1 =	sne.s32 s19, $0xC0;
	v4 =	vadd.s32 v3, v4;
	v5 =	vld.idx.msk [tilespmem:v5+s12+$0x0], $0xffff  }
.Ltmp17:
0x320: {  	_ = 	snop;
	(pc) =	sbr.rel @p1 .LBB2_32-.Ltmp17, $2  }
0x321: {  	_ =	sdelay $0x2  }
0x322: {  	s19 =	sadd.s32 $0x40, s19;
	[tilespmem:v4+s16+$0x0] =	vst.idx.add.f32.msk $0xffff, v5  }
0x323: {  	s19 =	sshll.u32 s18, $0x1  }
0x324: {  	s19 =	smin.u32 s19, $0x25  }
0x325: {  	s19 =	smul.u32 $0x1F40, s19;
	_ =	sdelay $0x1  }
0x326: {  	_ =	swait.ge [sflag:s13], $0x1F40;
	s19 =	sshrl.u32 s19, $0x3  }
0x327: {  	[sflag:s13] =	ssyncset.done $0x0;
	s19 =	sadd.s32 s6, s19  }
0x328: {  	[sflag:s13] =	ssyncadd.s32 $0xFFFFE0C0;
	s19 =	sadd.s32 $0x7D0, s19  }
0x329: {  	[tilespmem:s9], [sflag:$0x1] =	stream.linear.gather [hbm4b:s19+s1], $0x1F40, $0x38;
	[tilespmem:$0x10600] =	vst v63  }
0x32a: {  	s19 =	simm.s32 $0xE700  }
0x32b: {  	v13 =	vld [tilespmem:s19+$0xFFFFFF90]  }
0x32c: {  	v8 =	vld [tilespmem:s19+$0x0]  }
0x32d: {  	v4 =	vld [tilespmem:s19+$0x10]  }
0x32e: {  	v5 =	vld [tilespmem:s19+$0xFFFFFF80]  }
0x32f: {  	v6 =	vld [tilespmem:s19+$0x70]  }
0x330: {  	v16 =	vld [tilespmem:s19+$0xFFFFFFA0]  }
0x331: {  	v11 =	vld [tilespmem:s19+$0xFFFFFFB0]  }
0x332: {  	v9 =	vld [tilespmem:s19+$0xFFFFFFC0]  }
0x333: {  	v10 =	vld [tilespmem:s19+$0x60]  }
0x334: {  	v12 =	vld [tilespmem:s19+$0x50]  }
0x335: {  	v15 =	vld [tilespmem:s19+$0x40];
	v7 =	vshrl.u32 v5, $0x7  }
0x336: {  	v17 =	vld [tilespmem:s19+$0x30]  }
0x337: {  	v18 =	vld [tilespmem:s19+$0x20];
	v14 =	vshrl.u32 v6, $0x7  }
0x338: {  	v21 =	vld [tilespmem:s19+$0xFFFFFFF0];
	v19 =	vshrl.u32 v10, $0x7  }
0x339: {  	v22 =	vld [tilespmem:s19+$0xFFFFFFE0];
	v5 =	vand.u32 $0x7F, v5;
	v25 =	vshrl.u32 v4, $0x7  }
0x33a: {  	v5 =	vadd.s32 v3, v5;
	v7 =	vld.idx.msk [tilespmem:v7+s12+$0x0], $0xffff  }
0x33b: {  	v23 =	vld [tilespmem:s19+$0xFFFFFFD0];
	v6 =	vand.u32 $0x7F, v6;
	v20 =	vshrl.u32 v12, $0x7  }
0x33c: {  	v6 =	vadd.s32 v3, v6;
	v14 =	vld.idx.msk [tilespmem:v14+s12+$0x0], $0xffff  }
0x33d: {  	v24 =	vshrl.u32 v18, $0x7;
	v10 =	vand.u32 $0x7F, v10;
	v19 =	vld.idx.msk [tilespmem:v19+s12+$0x0], $0xffff  }
0x33e: {  	v10 =	vadd.s32 v3, v10;
	v25 =	vld.idx.msk [tilespmem:v25+s12+$0x0], $0xffff  }
0x33f: {  	v61 =	vshrl.u32 v15, $0x7;
	[tilespmem:v5+s16+$0x0] =	vst.idx.add.f32.msk $0xffff, v7  }
0x340: {  	v5 =	vshrl.u32 v8, $0x7;
	v7 =	vand.u32 $0x7F, v12;
	v12 =	vld.idx.msk [tilespmem:v20+s12+$0x0], $0xffff  }
0x341: {  	v4 =	vand.u32 $0x7F, v4;
	[tilespmem:v6+s16+$0x0] =	vst.idx.add.f32.msk $0xffff, v14;
	v6 =	vshrl.u32 v17, $0x7  }
0x342: {  	v28 =	vadd.s32 v3, v4;
	v14 =	vld.idx.msk [tilespmem:v24+s12+$0x0], $0xffff  }
0x343: {  	[tilespmem:v10+s16+$0x0] =	vst.idx.add.f32.msk $0xffff, v19;
	v20 =	vadd.s32 v3, v7  }
0x344: {  	v26 =	vshrl.u32 v21, $0x7;
	v24 =	vld.idx.msk [tilespmem:v61+s12+$0x0], $0xffff  }
0x345: {  	v4 =	vand.u32 $0x7F, v17;
	v7 =	vld.idx.msk [tilespmem:v5+s12+$0x0], $0xffff;
	v5 =	vand.u32 $0x7F, v18;
	v18 =	vshrl.u32 v23, $0x7  }
0x346: {  	v63 =	vadd.s32 v3, v4;
	v27 =	vld.idx.msk [tilespmem:v6+s12+$0x0], $0xffff  }
0x347: {  	[tilespmem:v28+s16+$0x0] =	vst.idx.add.f32.msk $0xffff, v25;
	v19 =	vadd.s32 v3, v5  }
0x348: {  	[tilespmem:v20+s16+$0x0] =	vst.idx.add.f32.msk $0xffff, v12;
	v20 =	vshrl.u32 v9, $0x7;
	v5 =	vand.u32 $0x7F, v15  }
0x349: {  	v62 =	vshrl.u32 v22, $0x7;
	v4 =	vand.u32 $0x7F, v22;
	v12 =	vld.idx.msk [tilespmem:v26+s12+$0x0], $0xffff;
	v17 =	vadd.s32 v3, v5  }
0x34a: {  	v4 =	vadd.s32 v3, v4;
	v6 =	vand.u32 $0x7F, v23;
	v10 =	vld.idx.msk [tilespmem:v18+s12+$0x0], $0xffff;
	v18 =	vand.u32 $0x7F, v8  }
0x34b: {  	v6 =	vadd.s32 v3, v6;
	v5 =	vand.u32 $0x7F, v21;
	[tilespmem:v63+s16+$0x0] =	vst.idx.add.f32.msk $0xffff, v27;
	v18 =	vadd.s32 v3, v18  }
0x34c: {  	v5 =	vadd.s32 v3, v5;
	[tilespmem:v19+s16+$0x0] =	vst.idx.add.f32.msk $0xffff, v14;
	v19 =	vand.u32 $0x7F, v9;
	v9 =	vshrl.u32 v11, $0x7  }
0x34d: {  	v15 =	vld.idx.msk [tilespmem:v20+s12+$0x0], $0xffff;
	v14 =	vand.u32 $0x7F, v11;
	v11 =	vshrl.u32 v16, $0x7;
	v16 =	vand.u32 $0x7F, v16  }
0x34e: {  	v8 =	vadd.s32 v3, v14;
	[tilespmem:v17+s16+$0x0] =	vst.idx.add.f32.msk $0xffff, v24;
	v14 =	vshrl.u32 v13, $0x7;
	v17 =	vand.u32 $0x7F, v13  }
0x34f: {  	s20 =	simm.s32 $0x0;
	v13 =	vadd.s32 v3, v19;
	v16 =	vadd.s32 v3, v16;
	v19 =	vld.idx.msk [tilespmem:v62+s12+$0x0], $0xffff;
	v17 =	vadd.s32 v3, v17  }
.LBB2_34:
0x350: {  	s20 =	sadd.s32 $0x10, s20;
	[tilespmem:v18+s16+$0x0] =	vst.idx.add.f32.msk $0xffff, v7;
	s19 =	sadd.s32 $0x100, s19  }
0x351: {  	p1 =	slt.u32 s20, $0x1E0;
	[tilespmem:v5+s16+$0x0] =	vst.idx.add.f32.msk $0xffff, v12  }
0x352: {  	v5 =	vld.idx.msk [tilespmem:v9+s12+$0x0], $0xffff  }
0x353: {  	v7 =	vld.idx.msk [tilespmem:v11+s12+$0x0], $0xffff  }
0x354: {  	v9 =	vld.idx.msk [tilespmem:v14+s12+$0x0], $0xffff  }
0x355: {  	[tilespmem:v4+s16+$0x0] =	vst.idx.add.f32.msk $0xffff, v19  }
0x356: {  	[tilespmem:v6+s16+$0x0] =	vst.idx.add.f32.msk $0xffff, v10  }
0x357: {  	[tilespmem:v13+s16+$0x0] =	vst.idx.add.f32.msk $0xffff, v15  }
0x358: {  	[tilespmem:v8+s16+$0x0] =	vst.idx.add.f32.msk $0xffff, v5  }
0x359: {  	[tilespmem:v16+s16+$0x0] =	vst.idx.add.f32.msk $0xffff, v7  }
0x35a: {  	[tilespmem:v17+s16+$0x0] =	vst.idx.add.f32.msk $0xffff, v9  }
0x35b: {  	v15 =	vld [tilespmem:s19+$0xFFFFFF90]  }
0x35c: {  	v7 =	vld [tilespmem:s19+$0x0]  }
0x35d: {  	v4 =	vld [tilespmem:s19+$0x10]  }
0x35e: {  	v5 =	vld [tilespmem:s19+$0xFFFFFF80]  }
0x35f: {  	v6 =	vld [tilespmem:s19+$0x70]  }
0x360: {  	v10 =	vld [tilespmem:s19+$0xFFFFFFA0]  }
0x361: {  	v8 =	vld [tilespmem:s19+$0xFFFFFFB0]  }
0x362: {  	v9 =	vld [tilespmem:s19+$0xFFFFFFC0]  }
0x363: {  	v11 =	vshrl.u32 v5, $0x7;
	v5 =	vand.u32 $0x7F, v5;
	v12 =	vld [tilespmem:s19+$0x60]  }
0x364: {  	v13 =	vld [tilespmem:s19+$0x50];
	v14 =	vshrl.u32 v6, $0x7;
	v6 =	vand.u32 $0x7F, v6  }
0x365: {  	v16 =	vld [tilespmem:s19+$0x40]  }
0x366: {  	v17 =	vld [tilespmem:s19+$0x30]  }
0x367: {  	v18 =	vld [tilespmem:s19+$0x20]  }
0x368: {  	v11 =	vld.idx.msk [tilespmem:v11+s12+$0x0], $0xffff;
	v19 =	vshrl.u32 v12, $0x7;
	v12 =	vand.u32 $0x7F, v12  }
0x369: {  	v5 =	vadd.s32 v3, v5;
	v20 =	vshrl.u32 v13, $0x7;
	v13 =	vand.u32 $0x7F, v13;
	v14 =	vld.idx.msk [tilespmem:v14+s12+$0x0], $0xffff  }
0x36a: {  	v6 =	vadd.s32 v3, v6;
	v21 =	vld [tilespmem:s19+$0xFFFFFFF0];
	v22 =	vshrl.u32 v16, $0x7;
	v16 =	vand.u32 $0x7F, v16  }
0x36b: {  	v12 =	vadd.s32 v3, v12;
	v23 =	vld [tilespmem:s19+$0xFFFFFFE0];
	v24 =	vand.u32 $0x7F, v17  }
0x36c: {  	v27 =	vadd.s32 v3, v13;
	v25 =	vld [tilespmem:s19+$0xFFFFFFD0];
	v26 =	vshrl.u32 v18, $0x7;
	v18 =	vand.u32 $0x7F, v18  }
0x36d: {  	v13 =	vshrl.u32 v4, $0x7;
	v4 =	vand.u32 $0x7F, v4;
	v28 =	vadd.s32 v3, v18;
	v19 =	vld.idx.msk [tilespmem:v19+s12+$0x0], $0xffff  }
0x36e: {  	v29 =	vadd.s32 v3, v4;
	v30 =	vadd.s32 v3, v16;
	[tilespmem:v5+s16+$0x0] =	vst.idx.add.f32.msk $0xffff, v11;
	v11 =	vshrl.u32 v7, $0x7  }
0x36f: {  	v17 =	vshrl.u32 v17, $0x7;
	v16 =	vshrl.u32 v21, $0x7;
	v4 =	vand.u32 $0x7F, v21;
	v20 =	vld.idx.msk [tilespmem:v20+s12+$0x0], $0xffff  }
0x370: {  	v21 =	vshrl.u32 v23, $0x7;
	v18 =	vand.u32 $0x7F, v23;
	v5 =	vadd.s32 v3, v4;
	[tilespmem:v6+s16+$0x0] =	vst.idx.add.f32.msk $0xffff, v14  }
0x371: {  	v23 =	vshrl.u32 v25, $0x7;
	v6 =	vand.u32 $0x7F, v25;
	v4 =	vadd.s32 v3, v18;
	v25 =	vld.idx.msk [tilespmem:v26+s12+$0x0], $0xffff  }
0x372: {  	v31 =	vand.u32 $0x7F, v9;
	v26 =	vshrl.u32 v9, $0x7;
	v6 =	vadd.s32 v3, v6;
	v32 =	vld.idx.msk [tilespmem:v13+s12+$0x0], $0xffff  }
0x373: {  	v9 =	vshrl.u32 v8, $0x7;
	v8 =	vand.u32 $0x7F, v8;
	v13 =	vand.u32 $0x7F, v7;
	v7 =	vld.idx.msk [tilespmem:v11+s12+$0x0], $0xffff  }
0x374: {  	v8 =	vadd.s32 v3, v8;
	v11 =	vshrl.u32 v10, $0x7;
	v18 =	vadd.s32 v3, v13;
	[tilespmem:v12+s16+$0x0] =	vst.idx.add.f32.msk $0xffff, v19  }
0x375: {  	v14 =	vshrl.u32 v15, $0x7;
	v13 =	vadd.s32 v3, v31;
	v19 =	vand.u32 $0x7F, v10;
	[tilespmem:v27+s16+$0x0] =	vst.idx.add.f32.msk $0xffff, v20  }
0x376: {  	v20 =	vld.idx.msk [tilespmem:v17+s12+$0x0], $0xffff  }
0x377: {  	v22 =	vld.idx.msk [tilespmem:v22+s12+$0x0], $0xffff  }
0x378: {  	v24 =	vadd.s32 v3, v24;
	v12 =	vld.idx.msk [tilespmem:v16+s12+$0x0], $0xffff  }
0x379: {  	v10 =	vld.idx.msk [tilespmem:v23+s12+$0x0], $0xffff  }
0x37a: {  	v15 =	vand.u32 $0x7F, v15;
	v16 =	vadd.s32 v3, v19;
	[tilespmem:v28+s16+$0x0] =	vst.idx.add.f32.msk $0xffff, v25  }
.Ltmp18:
0x37b: {  	v17 =	vadd.s32 v3, v15;
	v15 =	vld.idx.msk [tilespmem:v26+s12+$0x0], $0xffff;
	(pc) =	sbr.rel @p1 .LBB2_34-.Ltmp18, $4  }
0x37c: {  	[tilespmem:v29+s16+$0x0] =	vst.idx.add.f32.msk $0xffff, v32  }
0x37d: {  	[tilespmem:v30+s16+$0x0] =	vst.idx.add.f32.msk $0xffff, v22  }
0x37e: {  	[tilespmem:v24+s16+$0x0] =	vst.idx.add.f32.msk $0xffff, v20  }
0x37f: {  	v19 =	vld.idx.msk [tilespmem:v21+s12+$0x0], $0xffff  }
0x380: {  	_ =	sdelay $0x3  }
0x381: {  	[tilespmem:v18+s16+$0x0] =	vst.idx.add.f32.msk $0xffff, v7  }
0x382: {  	[tilespmem:v5+s16+$0x0] =	vst.idx.add.f32.msk $0xffff, v12  }
0x383: {  	v5 =	vld.idx.msk [tilespmem:v9+s12+$0x0], $0xffff  }
0x384: {  	v62 =	vld.idx.msk [tilespmem:v11+s12+$0x0], $0xffff  }
0x385: {  	v63 =	vld.idx.msk [tilespmem:v14+s12+$0x0], $0xffff  }
0x386: {  	[tilespmem:v6+s16+$0x0] =	vst.idx.add.f32.msk $0xffff, v10  }
0x387: {  	[tilespmem:v13+s16+$0x0] =	vst.idx.add.f32.msk $0xffff, v15  }
0x388: {  	[tilespmem:v4+s16+$0x0] =	vst.idx.add.f32.msk $0xffff, v19  }
0x389: {  	[tilespmem:v8+s16+$0x0] =	vst.idx.add.f32.msk $0xffff, v5  }
0x38a: {  	[tilespmem:v16+s16+$0x0] =	vst.idx.add.f32.msk $0xffff, v62  }
0x38b: {  	s19 =	simm.s32 $0x0;
	[tilespmem:v17+s16+$0x0] =	vst.idx.add.f32.msk $0xffff, v63  }
.LBB2_36:
0x38c: {  	s20 =	sshra.s32 s19, $0x2  }
0x38d: {  	v4 =	vld [tilespmem:s20+$0x10580];
	_ =	sdelay $0x4  }
0x38e: {  	v5 =	vshrl.u32 v4, $0x7;
	_ =	sdelay $0x3  }
0x38f: {  	v4 =	vand.u32 $0x7F, v4  }
0x390: {  	p1 =	sne.s32 s19, $0xC0;
	v4 =	vadd.s32 v3, v4;
	v5 =	vld.idx.msk [tilespmem:v5+s12+$0x0], $0xffff  }
.Ltmp19:
0x391: {  	_ = 	snop;
	(pc) =	sbr.rel @p1 .LBB2_36-.Ltmp19, $2  }
0x392: {  	_ =	sdelay $0x2  }
0x393: {  	s19 =	sadd.s32 $0x40, s19;
	[tilespmem:v4+s16+$0x0] =	vst.idx.add.f32.msk $0xffff, v5  }
0x394: {  	s18 =	sadd.s32 $0x1, s18  }
0x395: {  	p1 =	sne.s32 s18, $0x14  }
.Ltmp20:
0x396: {  	_ = 	snop;
	(pc) =	sbr.rel @p1 .LBB2_29-.Ltmp20, $1  }
0x397: {  	_ =	sdelay $0x3  }
0x398: {  	_ =	swait.ge [sflag:s10], $0x1F40  }
0x399: {  	[sflag:s10] =	ssyncset.done $0x0  }
0x39a: {  	[sflag:s10] =	ssyncadd.s32 $0xFFFFE0C0  }
0x39b: {  	v5 =	vld [tilespmem:$0x858C];
	_ =	sdelay $0x4  }
0x39c: {  	[tilespmem:$0x1FDC0] =	vst v5;
	v5 =	vld [tilespmem:$0x7CCD];
	_ =	sdelay $0x4  }
0x39d: {  	[tilespmem:$0x1FDD0] =	vst v5;
	v5 =	vld [tilespmem:$0x814D];
	_ =	sdelay $0x4  }
0x39e: {  	[tilespmem:$0x1FDE0] =	vst v5;
	v5 =	vld [tilespmem:$0x85CD];
	_ =	sdelay $0x4  }
0x39f: {  	[tilespmem:$0x1FDF0] =	vst v5;
	v5 =	vld [tilespmem:$0x7D0E];
	_ =	sdelay $0x4  }
0x3a0: {  	[tilespmem:$0x1FE00] =	vst v5;
	v5 =	vld [tilespmem:$0x818E];
	_ =	sdelay $0x4  }
0x3a1: {  	[tilespmem:$0x1FE30] =	vst v5;
	v5 =	vld [tilespmem:$0x860E];
	_ =	sdelay $0x3  }
0x3a2: {  	v4 =	vld [tilespmem:$0x7980]  }
0x3a3: {  	[tilespmem:$0x1FE70] =	vst v5;
	v5 =	vld [tilespmem:$0x7D4F]  }
0x3a4: {  	v39 =	vld [tilespmem:$0x7E00]  }
0x3a5: {  	v40 =	vld [tilespmem:$0x8280]  }
0x3a6: {  	v41 =	vld [tilespmem:$0x79C1]  }
0x3a7: {  	v42 =	vld [tilespmem:$0x7E41]  }
0x3a8: {  	[tilespmem:$0x1FEB0] =	vst v5;
	v5 =	vld [tilespmem:$0x81CF]  }
0x3a9: {  	v43 =	vld [tilespmem:$0x82C1]  }
0x3aa: {  	v44 =	vld [tilespmem:$0x7A02]  }
0x3ab: {  	v45 =	vld [tilespmem:$0x7E82]  }
0x3ac: {  	v46 =	vld [tilespmem:$0x8302]  }
0x3ad: {  	[tilespmem:$0x1FEF0] =	vst v5;
	v5 =	vld [tilespmem:$0x864F]  }
0x3ae: {  	v47 =	vld [tilespmem:$0x7A43]  }
0x3af: {  	v48 =	vld [tilespmem:$0x7EC3]  }
0x3b0: {  	v49 =	vld [tilespmem:$0x8343]  }
0x3b1: {  	v50 =	vld [tilespmem:$0x7A84]  }
0x3b2: {  	[tilespmem:$0x1FF30] =	vst v5;
	v5 =	vld [tilespmem:$0x7B57]  }
0x3b3: {  	v51 =	vld [tilespmem:$0x7F04]  }
0x3b4: {  	v52 =	vld [tilespmem:$0x8384]  }
0x3b5: {  	v53 =	vld [tilespmem:$0x7AC5]  }
0x3b6: {  	v54 =	vld [tilespmem:$0x7F45]  }
0x3b7: {  	[tilespmem:$0x1FE10] =	vst v5;
	v5 =	vld [tilespmem:$0x7FD7]  }
0x3b8: {  	v55 =	vld [tilespmem:$0x83C5]  }
0x3b9: {  	v56 =	vld [tilespmem:$0x7B06]  }
0x3ba: {  	v57 =	vld [tilespmem:$0x7F86]  }
0x3bb: {  	v58 =	vld [tilespmem:$0x8406]  }
0x3bc: {  	[tilespmem:$0x1FE20] =	vst v5;
	v5 =	vld [tilespmem:$0x8457]  }
0x3bd: {  	v59 =	vld [tilespmem:$0x7B47]  }
0x3be: {  	v60 =	vld [tilespmem:$0x7FC7]  }
0x3bf: {  	v61 =	vld [tilespmem:$0x8447]  }
0x3c0: {  	v62 =	vld [tilespmem:$0x7B88]  }
0x3c1: {  	[tilespmem:$0x1FE40] =	vst v5;
	v5 =	vld [tilespmem:$0x7B98]  }
0x3c2: {  	v63 =	vld [tilespmem:$0x8008]  }
0x3c3: {  	v12 =	vld [tilespmem:$0x8488]  }
0x3c4: {  	v15 =	vld [tilespmem:$0x7BC9]  }
0x3c5: {  	v17 =	vld [tilespmem:$0x8049]  }
0x3c6: {  	[tilespmem:$0x1FE50] =	vst v5;
	v5 =	vld [tilespmem:$0x8018]  }
0x3c7: {  	v16 =	vld [tilespmem:$0x84C9]  }
0x3c8: {  	v19 =	vld [tilespmem:$0x7C0A]  }
0x3c9: {  	v20 =	vld [tilespmem:$0x808A]  }
0x3ca: {  	v23 =	vld [tilespmem:$0x850A]  }
0x3cb: {  	[tilespmem:$0x1FE60] =	vst v5;
	v5 =	vld [tilespmem:$0x8498]  }
0x3cc: {  	v24 =	vld [tilespmem:$0x7C4B]  }
0x3cd: {  	v25 =	vld [tilespmem:$0x80CB]  }
0x3ce: {  	v27 =	vld [tilespmem:$0x854B]  }
0x3cf: {  	v33 =	vld [tilespmem:$0x7C8C]  }
0x3d0: {  	[tilespmem:$0x1FE80] =	vst v5;
	v5 =	vld [tilespmem:$0x7BD9]  }
0x3d1: {  	v38 =	vld [tilespmem:$0x810C]  }
0x3d2: {  	v7 =	vld [tilespmem:$0x7990]  }
0x3d3: {  	v6 =	vld [tilespmem:$0x7E10]  }
0x3d4: {  	v8 =	vld [tilespmem:$0x8290]  }
0x3d5: {  	[tilespmem:$0x1FE90] =	vst v5;
	v5 =	vld [tilespmem:$0x8059]  }
0x3d6: {  	v10 =	vld [tilespmem:$0x79D1]  }
0x3d7: {  	v9 =	vld [tilespmem:$0x7E51]  }
0x3d8: {  	v11 =	vld [tilespmem:$0x82D1]  }
0x3d9: {  	v13 =	vld [tilespmem:$0x7A12]  }
0x3da: {  	[tilespmem:$0x1FEA0] =	vst v5;
	v5 =	vld [tilespmem:$0x84D9]  }
0x3db: {  	v14 =	vld [tilespmem:$0x7E92]  }
0x3dc: {  	v18 =	vld [tilespmem:$0x8312]  }
0x3dd: {  	v21 =	vld [tilespmem:$0x7A53]  }
0x3de: {  	v22 =	vld [tilespmem:$0x7ED3]  }
0x3df: {  	[tilespmem:$0x1FEC0] =	vst v5;
	v5 =	vld [tilespmem:$0x7C1A]  }
0x3e0: {  	v26 =	vld [tilespmem:$0x8353]  }
0x3e1: {  	v29 =	vld [tilespmem:$0x7A94]  }
0x3e2: {  	v28 =	vld [tilespmem:$0x7F14]  }
0x3e3: {  	v30 =	vld [tilespmem:$0x8394]  }
0x3e4: {  	[tilespmem:$0x1FED0] =	vst v5;
	v5 =	vld [tilespmem:$0x809A]  }
0x3e5: {  	v31 =	vld [tilespmem:$0x7AD5]  }
0x3e6: {  	v32 =	vld [tilespmem:$0x7F55]  }
0x3e7: {  	v34 =	vld [tilespmem:$0x83D5]  }
0x3e8: {  	v36 =	vld [tilespmem:$0x7B16]  }
0x3e9: {  	[tilespmem:$0x1FEE0] =	vst v5;
	v5 =	vld [tilespmem:$0x851A]  }
0x3ea: {  	v35 =	vld [tilespmem:$0x7F96];
	v4 =	vadd.f32 $0.0e+00, v4  }
0x3eb: {  	v37 =	vld [tilespmem:$0x8416];
	v39 =	vadd.f32 $0.0e+00, v39  }
0x3ec: {  	v41 =	vadd.f32 v41, v4;
	v4 =	vld [tilespmem:$0x79A0]  }
0x3ed: {  	v7 =	vadd.f32 $0.0e+00, v7;
	v39 =	vadd.f32 v42, v39;
	v42 =	vld [tilespmem:$0x7E20]  }
0x3ee: {  	v6 =	vadd.f32 $0.0e+00, v6;
	[tilespmem:$0x1FF00] =	vst v5;
	v5 =	vld [tilespmem:$0x7C5B]  }
0x3ef: {  	v8 =	vadd.f32 $0.0e+00, v8;
	v7 =	vadd.f32 v10, v7;
	v10 =	vld [tilespmem:$0x7BA8]  }
0x3f0: {  	v6 =	vadd.f32 v9, v6;
	v41 =	vadd.f32 v44, v41;
	v44 =	vld [tilespmem:$0x79E1]  }
0x3f1: {  	v39 =	vadd.f32 v45, v39;
	v45 =	vld [tilespmem:$0x7E61]  }
0x3f2: {  	v8 =	vadd.f32 v11, v8;
	v6 =	vadd.f32 v14, v6;
	v14 =	vld [tilespmem:$0x84A8]  }
0x3f3: {  	[tilespmem:$0x1FF10] =	vst v5;
	v5 =	vld [tilespmem:$0x80DB]  }
0x3f4: {  	v8 =	vadd.f32 v18, v8;
	v18 =	vld [tilespmem:$0x7BE9]  }
0x3f5: {  	v7 =	vadd.f32 v13, v7;
	v41 =	vadd.f32 v47, v41;
	v47 =	vld [tilespmem:$0x7A22]  }
0x3f6: {  	v39 =	vadd.f32 v48, v39;
	v48 =	vld [tilespmem:$0x7EA2]  }
0x3f7: {  	v7 =	vadd.f32 v21, v7;
	v21 =	vld [tilespmem:$0x8069]  }
0x3f8: {  	[tilespmem:$0x1FF20] =	vst v5;
	v5 =	vld [tilespmem:$0x855B]  }
0x3f9: {  	v6 =	vadd.f32 v22, v6;
	v22 =	vld [tilespmem:$0x84E9]  }
0x3fa: {  	v8 =	vadd.f32 v26, v8;
	v26 =	vld [tilespmem:$0x7C2A]  }
0x3fb: {  	v41 =	vadd.f32 v50, v41;
	v50 =	vld [tilespmem:$0x7A63]  }
0x3fc: {  	v39 =	vadd.f32 v51, v39;
	v51 =	vld [tilespmem:$0x7EE3]  }
0x3fd: {  	[tilespmem:$0x1FF40] =	vst v5;
	v5 =	vld [tilespmem:$0x7C9C]  }
0x3fe: {  	v4 =	vadd.f32 $0.0e+00, v4;
	v7 =	vadd.f32 v29, v7;
	v29 =	vld [tilespmem:$0x80AA]  }
0x3ff: {  	v42 =	vadd.f32 $0.0e+00, v42;
	v8 =	vadd.f32 v30, v8;
	v30 =	vld [tilespmem:$0x852A]  }
0x400: {  	v4 =	vadd.f32 v44, v4;
	v44 =	vld [tilespmem:$0x7E30]  }
0x401: {  	v42 =	vadd.f32 v45, v42;
	v45 =	vld [tilespmem:$0x82B0]  }
0x402: {  	[tilespmem:$0x1FF50] =	vst v5;
	v5 =	vld [tilespmem:$0x811C]  }
0x403: {  	v6 =	vadd.f32 v28, v6;
	v41 =	vadd.f32 v53, v41;
	v53 =	vld [tilespmem:$0x7AA4]  }
0x404: {  	v39 =	vadd.f32 v54, v39;
	v54 =	vld [tilespmem:$0x7F24]  }
0x405: {  	v6 =	vadd.f32 v32, v6;
	v32 =	vld [tilespmem:$0x7C6B]  }
0x406: {  	v8 =	vadd.f32 v34, v8;
	v34 =	vld [tilespmem:$0x80EB]  }
0x407: {  	[tilespmem:$0x1FF60] =	vst v5;
	v5 =	vld [tilespmem:$0x859C]  }
0x408: {  	v4 =	vadd.f32 v47, v4;
	v47 =	vld [tilespmem:$0x7E71]  }
0x409: {  	v42 =	vadd.f32 v48, v42;
	v48 =	vld [tilespmem:$0x82F1]  }
0x40a: {  	v41 =	vadd.f32 v56, v41;
	v56 =	vld [tilespmem:$0x1FDD0]  }
0x40b: {  	v39 =	vadd.f32 v57, v39;
	v57 =	vld [tilespmem:$0x1FDE0]  }
0x40c: {  	v7 =	vadd.f32 v31, v7;
	[tilespmem:$0x1FF70] =	vst v5;
	v5 =	vld [tilespmem:$0x7CDD]  }
0x40d: {  	v6 =	vadd.f32 v35, v6;
	v35 =	vld [tilespmem:$0x856B]  }
0x40e: {  	v7 =	vadd.f32 v36, v7;
	v8 =	vadd.f32 v37, v8;
	v36 =	vld [tilespmem:$0x7CAC]  }
0x40f: {  	v37 =	vld [tilespmem:$0x812C];
	v41 =	vadd.f32 v59, v41;
	v39 =	vadd.f32 v60, v39  }
0x410: {  	v4 =	vadd.f32 v50, v4;
	v50 =	vld [tilespmem:$0x7EB2]  }
0x411: {  	v41 =	vadd.f32 v62, v41;
	v39 =	vadd.f32 v63, v39;
	[tilespmem:$0x1FF80] =	vst v5;
	v5 =	vld [tilespmem:$0x815D]  }
0x412: {  	v42 =	vadd.f32 v51, v42;
	v51 =	vld [tilespmem:$0x8332]  }
0x413: {  	v15 =	vadd.f32 v15, v41;
	v41 =	vld [tilespmem:$0x7F65];
	v17 =	vadd.f32 v17, v39  }
0x414: {  	v39 =	vld [tilespmem:$0x7B26]  }
0x415: {  	v17 =	vadd.f32 v20, v17;
	v20 =	vld [tilespmem:$0x7FA6]  }
0x416: {  	v15 =	vadd.f32 v19, v15;
	[tilespmem:$0x1FF90] =	vst v5;
	v5 =	vld [tilespmem:$0x85DD]  }
0x417: {  	v59 =	vld [tilespmem:$0x1FE00]  }
0x418: {  	v42 =	vadd.f32 v54, v42;
	v15 =	vadd.f32 v24, v15;
	v24 =	vld [tilespmem:$0x8426]  }
0x419: {  	v17 =	vadd.f32 v25, v17;
	v25 =	vld [tilespmem:$0x7B67]  }
0x41a: {  	v4 =	vadd.f32 v53, v4;
	v53 =	vadd.f32 v41, v42;
	v41 =	vld [tilespmem:$0x7A73]  }
0x41b: {  	[tilespmem:$0x1FFA0] =	vst v5;
	v5 =	vld [tilespmem:$0x7D1E]  }
0x41c: {  	v42 =	vld [tilespmem:$0x7EF3]  }
0x41d: {  	v15 =	vadd.f32 v33, v15;
	v33 =	vld [tilespmem:$0x8467]  }
0x41e: {  	v63 =	vadd.f32 v38, v17;
	v38 =	vld [tilespmem:$0x8028]  }
0x41f: {  	v62 =	vld [tilespmem:$0x1FE30]  }
0x420: {  	[tilespmem:$0x1FFB0] =	vst v5;
	v5 =	vld [tilespmem:$0x819E]  }
0x421: {  	v9 =	vadd.f32 v57, v63;
	v63 =	vld [tilespmem:$0x1FE40]  }
0x422: {  	v11 =	vadd.f32 v56, v15;
	v56 =	vld [tilespmem:$0x85AC]  }
0x423: {  	v57 =	vld [tilespmem:$0x7CED]  }
0x424: {  	v11 =	vadd.f32 v59, v11;
	v59 =	vld [tilespmem:$0x1FEB0]  }
0x425: {  	[tilespmem:$0x1FFC0] =	vst v5;
	v5 =	vld [tilespmem:$0x861E]  }
0x426: {  	v8 =	vadd.f32 v63, v8;
	v63 =	vld [tilespmem:$0x1FEF0]  }
0x427: {  	v60 =	vld [tilespmem:$0x1FE10]  }
0x428: {  	v17 =	vld [tilespmem:$0x1FE50]  }
0x429: {  	v9 =	vadd.f32 v62, v9;
	v19 =	vld [tilespmem:$0x1FE60]  }
0x42a: {  	[tilespmem:$0x1FFD0] =	vst v5;
	v5 =	vld [tilespmem:$0x7D5F]  }
0x42b: {  	v13 =	vadd.f32 v63, v9;
	v9 =	vld [tilespmem:$0x81EF]  }
0x42c: {  	v28 =	vld [tilespmem:$0x1FE80]  }
0x42d: {  	v31 =	vld [tilespmem:$0x1FE90]  }
0x42e: {  	v7 =	vadd.f32 v60, v7;
	v60 =	vld [tilespmem:$0x1FEC0]  }
0x42f: {  	[tilespmem:$0x1FFE0] =	vst v5;
	v5 =	vld [tilespmem:$0x81DF]  }
0x430: {  	v7 =	vadd.f32 v17, v7;
	v17 =	vld [tilespmem:$0x1FF00]  }
0x431: {  	v8 =	vadd.f32 v28, v8;
	v28 =	vld [tilespmem:$0x7D2E]  }
0x432: {  	v7 =	vadd.f32 v31, v7;
	v31 =	vld [tilespmem:$0x85ED]  }
0x433: {  	v8 =	vadd.f32 v60, v8;
	v60 =	vld [tilespmem:$0x1FF30]  }
0x434: {  	v62 =	vld [tilespmem:$0x1FEE0];
	[tilespmem:$0x1FFF0] =	vst v5;
	v5 =	vadd.f32 $0.0e+00, v40  }
0x435: {  	v8 =	vadd.f32 v17, v8;
	v17 =	vld [tilespmem:$0x7D6F]  }
0x436: {  	v11 =	vadd.f32 v59, v11;
	v59 =	vld [tilespmem:$0x1FF20];
	v5 =	vadd.f32 v43, v5  }
0x437: {  	v43 =	vld [tilespmem:$0x82A0]  }
0x438: {  	v63 =	vld [tilespmem:$0x1FF70];
	v5 =	vadd.f32 v46, v5  }
0x439: {  	v46 =	vld [tilespmem:$0x82E1]  }
0x43a: {  	v54 =	vld [tilespmem:$0x1FFC0];
	v5 =	vadd.f32 v49, v5  }
0x43b: {  	v49 =	vld [tilespmem:$0x8322]  }
0x43c: {  	v40 =	vld [tilespmem:$0x865F];
	v43 =	vadd.f32 $0.0e+00, v43;
	v5 =	vadd.f32 v52, v5  }
0x43d: {  	v52 =	vld [tilespmem:$0x8363]  }
0x43e: {  	v43 =	vadd.f32 v46, v43;
	v46 =	vld [tilespmem:$0x79F1];
	v5 =	vadd.f32 v55, v5  }
0x43f: {  	v55 =	vld [tilespmem:$0x83A4]  }
0x440: {  	v43 =	vadd.f32 v49, v43;
	v49 =	vld [tilespmem:$0x7A32];
	v5 =	vadd.f32 v58, v5  }
0x441: {  	v58 =	vld [tilespmem:$0x1FDF0]  }
0x442: {  	v43 =	vadd.f32 v52, v43;
	v5 =	vadd.f32 v61, v5;
	v61 =	vld [tilespmem:$0x1FE20]  }
0x443: {  	v52 =	vld [tilespmem:$0x8477]  }
0x444: {  	v43 =	vadd.f32 v55, v43;
	v55 =	vld [tilespmem:$0x1FFD0];
	v5 =	vadd.f32 v12, v5  }
0x445: {  	v12 =	vld [tilespmem:$0x7AE5]  }
0x446: {  	v5 =	vadd.f32 v16, v5;
	v16 =	vld [tilespmem:$0x83E5]  }
0x447: {  	v6 =	vadd.f32 v61, v6;
	v61 =	vld [tilespmem:$0x1FED0]  }
0x448: {  	v5 =	vadd.f32 v23, v5;
	v23 =	vld [tilespmem:$0x1FDC0]  }
0x449: {  	v6 =	vadd.f32 v19, v6;
	v19 =	vld [tilespmem:$0x1FF10]  }
0x44a: {  	v4 =	vadd.f32 v12, v4;
	v12 =	vadd.f32 v20, v53;
	v20 =	vld [tilespmem:$0x8373]  }
0x44b: {  	v53 =	vld [tilespmem:$0x7BB8]  }
0x44c: {  	v5 =	vadd.f32 v27, v5;
	v27 =	vld [tilespmem:$0x7FE7]  }
0x44d: {  	v16 =	vadd.f32 v16, v43;
	v43 =	vadd.f32 $0.0e+00, v44;
	v44 =	vld [tilespmem:$0x7B77]  }
0x44e: {  	v7 =	vadd.f32 v61, v7;
	v61 =	vld [tilespmem:$0x1FF50];
	v5 =	vadd.f32 v23, v5  }
0x44f: {  	v23 =	vld [tilespmem:$0x1FE70]  }
0x450: {  	v4 =	vadd.f32 v39, v4;
	v5 =	vadd.f32 v58, v5;
	v58 =	vld [tilespmem:$0x1FEA0]  }
0x451: {  	v16 =	vadd.f32 v24, v16;
	v24 =	vld [tilespmem:$0x7AB4]  }
0x452: {  	v4 =	vadd.f32 v25, v4;
	v25 =	vld [tilespmem:$0x7F34]  }
0x453: {  	v45 =	vadd.f32 $0.0e+00, v45;
	v7 =	vadd.f32 v19, v7;
	v19 =	vld [tilespmem:$0x862E]  }
0x454: {  	v12 =	vadd.f32 v27, v12;
	v16 =	vadd.f32 v33, v16;
	v27 =	vld [tilespmem:$0x83B4]  }
0x455: {  	v33 =	vadd.f32 v48, v45;
	v45 =	vld [tilespmem:$0x813C];
	v6 =	vadd.f32 v58, v6  }
0x456: {  	v48 =	vld [tilespmem:$0x817D];
	v5 =	vadd.f32 v23, v5  }
0x457: {  	v4 =	vadd.f32 v10, v4;
	v6 =	vadd.f32 v62, v6;
	v62 =	vld [tilespmem:$0x1FF60]  }
0x458: {  	v15 =	vadd.f32 v60, v5;
	v5 =	vld [tilespmem:$0x1FF40]  }
0x459: {  	v14 =	vadd.f32 v14, v16;
	v4 =	vadd.f32 v18, v4;
	v18 =	vld [tilespmem:$0x83F5]  }
0x45a: {  	v23 =	vld [tilespmem:$0x81AE];
	v6 =	vadd.f32 v59, v6  }
0x45b: {  	v14 =	vadd.f32 v22, v14;
	v22 =	vld [tilespmem:$0x7FB6]  }
0x45c: {  	v33 =	vadd.f32 v51, v33;
	v6 =	vadd.f32 v62, v6;
	v62 =	vld [tilespmem:$0x1FFA0]  }
0x45d: {  	v4 =	vadd.f32 v26, v4;
	v58 =	vld [tilespmem:$0x816D];
	v5 =	vadd.f32 v5, v8  }
0x45e: {  	v20 =	vadd.f32 v20, v33;
	v60 =	vld [tilespmem:$0x1FF80];
	v14 =	vadd.f32 v30, v14  }
0x45f: {  	v30 =	vadd.f32 v47, v43;
	v43 =	vld [tilespmem:$0x857B];
	v5 =	vadd.f32 v63, v5  }
0x460: {  	v4 =	vadd.f32 v32, v4;
	v20 =	vadd.f32 v27, v20;
	v59 =	vld [tilespmem:$0x79B0]  }
0x461: {  	v8 =	vadd.f32 v61, v7;
	v61 =	vld [tilespmem:$0x1FF90];
	v5 =	vadd.f32 v62, v5  }
0x462: {  	v47 =	vld [tilespmem:$0x7CFD];
	v14 =	vadd.f32 v35, v14;
	v30 =	vadd.f32 v50, v30  }
0x463: {  	v4 =	vadd.f32 v36, v4;
	v7 =	vld [tilespmem:$0x866F];
	v5 =	vadd.f32 v55, v5  }
0x464: {  	v30 =	vadd.f32 v42, v30;
	v8 =	vadd.f32 v60, v8;
	v63 =	vld [tilespmem:$0x1FFB0]  }
0x465: {  	v42 =	vld [tilespmem:$0x80FB];
	v5 =	vadd.f32 v40, v5;
	v40 =	vadd.f32 $0.0e+00, v59  }
0x466: {  	v60 =	vld [tilespmem:$0x1FFE0];
	v6 =	vadd.f32 v61, v6;
	v61 =	vadd.f32 v38, v12  }
0x467: {  	v18 =	vadd.f32 v18, v20;
	v12 =	vld [tilespmem:$0x7AF5];
	v26 =	vadd.f32 v46, v40  }
0x468: {  	v14 =	vadd.f32 v56, v14;
	v62 =	vld [tilespmem:$0x1FFF0];
	v10 =	vadd.f32 v21, v61  }
0x469: {  	v8 =	vadd.f32 v63, v8;
	v63 =	vld [tilespmem:$0x7F75];
	v26 =	vadd.f32 v49, v26  }
0x46a: {  	v4 =	vadd.f32 v57, v4;
	v10 =	vadd.f32 v29, v10;
	v29 =	vld [tilespmem:$0x8436]  }
0x46b: {  	v25 =	vadd.f32 v25, v30;
	v21 =	vld [tilespmem:$0x7B36];
	v26 =	vadd.f32 v41, v26  }
0x46c: {  	v14 =	vadd.f32 v31, v14;
	v6 =	vadd.f32 v54, v6;
	v54 =	vld [tilespmem:$0x8038]  }
0x46d: {  	v4 =	vadd.f32 v28, v4;
	v46 =	vld [tilespmem:$0x7FF7];
	v24 =	vadd.f32 v24, v26  }
0x46e: {  	v8 =	vadd.f32 v60, v8;
	v55 =	vld [tilespmem:$0x84B8];
	v16 =	vadd.f32 v63, v25  }
0x46f: {  	v61 =	vld [tilespmem:$0x84F9];
	v18 =	vadd.f32 v29, v18;
	v12 =	vadd.f32 v12, v24  }
0x470: {  	v60 =	vld [tilespmem:$0x8079];
	v10 =	vadd.f32 v34, v10;
	v16 =	vadd.f32 v22, v16  }
0x471: {  	v59 =	vld [tilespmem:$0x7BF9];
	v18 =	vadd.f32 v52, v18;
	v12 =	vadd.f32 v21, v12  }
0x472: {  	v10 =	vadd.f32 v37, v10;
	v37 =	vld [tilespmem:$0x853A];
	v16 =	vadd.f32 v46, v16  }
0x473: {  	v63 =	vld [tilespmem:$0x80BA];
	v18 =	vadd.f32 v55, v18;
	v12 =	vadd.f32 v44, v12  }
0x474: {  	v6 =	vadd.f32 v62, v6;
	v62 =	vld [tilespmem:$0x7C3A];
	v16 =	vadd.f32 v54, v16  }
0x475: {  	v41 =	vld [tilespmem:$0x7C7B];
	v18 =	vadd.f32 v61, v18;
	v12 =	vadd.f32 v53, v12  }
0x476: {  	v51 =	vadd.f32 v19, v14;
	v46 =	vld [tilespmem:$0x85BC];
	v16 =	vadd.f32 v60, v16  }
0x477: {  	v49 =	vld [tilespmem:$0x85FD];
	v18 =	vadd.f32 v37, v18;
	v12 =	vadd.f32 v59, v12  }
0x478: {  	v4 =	vadd.f32 v17, v4;
	v16 =	vadd.f32 v63, v16;
	v44 =	vld [tilespmem:$0x7CBC]  }
0x479: {  	v50 =	vld [tilespmem:$0x7D3E];
	v54 =	vadd.f32 v43, v18;
	v12 =	vadd.f32 v62, v12  }
0x47a: {  	[tilespmem:$0x7800] =	vst v11;
	v7 =	vadd.f32 v7, v51;
	v55 =	vld [tilespmem:$0x863E];
	v52 =	vadd.f32 v42, v16  }
0x47b: {  	[tilespmem:$0x7880] =	vst v13;
	v57 =	vadd.f32 v46, v54;
	v53 =	vld [tilespmem:$0x81BE];
	v12 =	vadd.f32 v41, v12  }
0x47c: {  	[tilespmem:$0x7900] =	vst v15;
	v10 =	vadd.f32 v58, v10;
	v61 =	vld [tilespmem:$0x867F];
	v14 =	vadd.f32 v45, v52  }
0x47d: {  	[tilespmem:$0x7910] =	vst v5;
	v58 =	vld [tilespmem:$0x81FF];
	v5 =	vadd.f32 v49, v57;
	v12 =	vadd.f32 v44, v12  }
0x47e: {  	v56 =	vld [tilespmem:$0x7D7F];
	[tilespmem:$0x7820] =	vst v4;
	v10 =	vadd.f32 v23, v10;
	v60 =	vadd.f32 v48, v14  }
0x47f: {  	[tilespmem:$0x7920] =	vst v7;
	v5 =	vadd.f32 v55, v5;
	v12 =	vadd.f32 v47, v12  }
0x480: {  	[tilespmem:$0x7810] =	vst v8;
	v59 =	vadd.f32 v9, v10;
	v4 =	vadd.f32 v53, v60  }
.Ltmp21:
0x481: {  	[tilespmem:$0x7890] =	vst v6;
	v5 =	vadd.f32 v61, v5;
	v62 =	vadd.f32 v50, v12;
	(pc) =	sbr.rel .LBB2_39-.Ltmp21, $4  }
0x482: {  	[tilespmem:$0x78A0] =	vst v59;
	v4 =	vadd.f32 v58, v4  }
0x483: {  	[tilespmem:$0x7930] =	vst v5;
	v63 =	vadd.f32 v56, v62  }
0x484: {  	[tilespmem:$0x78B0] =	vst v4  }
0x485: {  	[tilespmem:$0x7830] =	vst v63  }
.LBB2_40:
0x486: {  	_ =	sfence.sel $0x180000  }
0x487: {  	[bflag:$0x0] =	sbarrier.arrive $0xFFFF  }
0x488: {  	_ =	strace $0x90000047  }
0x489: {  	s0 =	stileid.u32;
	[bflag:$0x2] =	sbarrier.arrive $0xFFFF  }
0x48a: {  	p0 =	sne.s32 s0, $0x0;
	s0 =	rddreg [dreg:$0x2]  }
0x48b: {  	s0 =	sadd.s32 @!p0 $0x100000, s0  }
0x48c: {  	[sflag:s0] =	ssyncadd.tile.s32 @!p0 $0x1;
	_ =	shalt  }
.Lfunc_end2:
_tile_overlayer_lowered:
.L_overlay_start_2:
0x48d: {  	(tag) =	ssettag $0x2  }
0x48e: {  	s0 =	rddreg [dreg:$0x0];
	s2 =	stileid.u32  }
0x48f: {  	s1 =	rddreg [dreg:$0x1];
	p0 =	sne.s32 s2, $0x0  }
0x490: {  	s3 =	rddreg [dreg:$0x2];
	[bflag:$0x3] =	sbarrier.arrive $0xFFFF;
	s2 =	simm.s32 @!p0 $0x1C03  }
0x491: {  	[timem:s3], [sflag:s2] =	dma.local @!p0 [hbm:s0], s1  }
0x492: {  	s0 =	simm.s32 @!p0 $0x3  }
0x493: {  	_ =	swait.ge @!p0 [sflag:s0], s1  }
0x494: {  	s1 =	ssub.s32 @!p0 $0x0, s1;
	[sflag:s0] =	ssyncset.done @!p0 $0x0  }
0x495: {  	[sflag:s0] =	ssyncadd.s32 @!p0 s1  }
0x496: {  	[bflag:$0x3] =	sbarrier.arrive $0xFFFF  }
0x497: {  	_ =	shalt  }

</sc_bundles>
